<compile_context>
chip_gen: v7x
topology: tpu7x:2x2x1
jax: 0.10.2.dev20260603
libtpu: 0.0.44.dev20260713+nightly
codegen_flags: <defaults>
</compile_context>

<pallas_src>
import functools

import jax
import jax.numpy as jnp
from jax import lax
from jax.experimental import pallas as pl
from jax.experimental.pallas import tpu as pltpu
from jax.experimental.pallas import tpu_sc as plsc

N = 10000
E = 160000
D = 256
H = D // 2
NPAD = 10240
ROWS_PER_TILE = 640
CHUNK = 128
ECHUNKS = E // CHUNK
EPAIRS = (ECHUNKS // 16) // 2
DCHUNKS = (E // 2) // CHUNK

_MESH = plsc.VectorSubcoreMesh(core_axis_name="c", subcore_axis_name="s")


def _fill(ref, n, value):
    vec = jnp.full((16,), value, dtype=ref.dtype)

    def body(i, _):
        ref[pl.ds(i * 16, 16)] = vec
        return 0

    lax.fori_loop(0, n // 16, body, 0, unroll=False)


@functools.partial(
    pl.kernel,
    out_type=jax.ShapeDtypeStruct((2, NPAD), jnp.float32),
    mesh=_MESH,
    scratch_types=[
        pltpu.VMEM((CHUNK,), jnp.int32),
        pltpu.VMEM((CHUNK,), jnp.int32),
        pltpu.VMEM((CHUNK,), jnp.int32),
        pltpu.VMEM((CHUNK,), jnp.float32),
        pltpu.VMEM((ROWS_PER_TILE,), jnp.float32),
        pltpu.VMEM_SHARED((NPAD,), jnp.float32),
        pltpu.SemaphoreType.DMA,
        pltpu.SemaphoreType.DMA,
        pltpu.SemaphoreType.DMA,
    ],
)
def _degree_kernel(dst_hbm, deg_hbm, idx_a, idx_b, idx_c, ones_v, zeros_v,
                   deg_sh, sem_a, sem_b, sem_c):
    c = lax.axis_index("c")
    s = lax.axis_index("s")

    _fill(zeros_v, ROWS_PER_TILE, 0.0)
    _fill(ones_v, CHUNK, 1.0)
    pltpu.sync_copy(zeros_v, deg_sh.at[pl.ds(s * ROWS_PER_TILE,
                                             ROWS_PER_TILE)])

    plsc.subcore_barrier()

    base = c * (E // 2)
    nk = DCHUNKS // 16

    def src_at(k):
        return dst_hbm.at[pl.ds(base + (s + 16 * k) * CHUNK, CHUNK)]

    def fire(k, buf, sem):
        pltpu.async_copy(src_at(k), buf, sem)

    def scat(k, buf, sem):
        pltpu.make_async_copy(src_at(k), buf, sem).wait()
        pltpu.sync_copy(ones_v, deg_sh.at[buf], add=True)

    fire(0, idx_a, sem_a)
    fire(1, idx_b, sem_b)

    def triple(t, _):
        k = 3 * t
        fire(k + 2, idx_c, sem_c)
        scat(k, idx_a, sem_a)

        @pl.when(t + 1 < nk // 3)
        def _():
            fire(k + 3, idx_a, sem_a)

        scat(k + 1, idx_b, sem_b)

        @pl.when(t + 1 < nk // 3)
        def _():
            fire(k + 4, idx_b, sem_b)

        scat(k + 2, idx_c, sem_c)
        return 0

    lax.fori_loop(0, nk // 3, triple, 0, unroll=False)

    @pl.when(s == 0)
    def _():
        pltpu.sync_copy(dst_hbm.at[pl.ds(base + (DCHUNKS - 1) * CHUNK,
                                         CHUNK)], idx_a)
        pltpu.sync_copy(ones_v, deg_sh.at[idx_a], add=True)

    plsc.subcore_barrier()

    sl = pl.ds(s * ROWS_PER_TILE, ROWS_PER_TILE)
    pltpu.sync_copy(deg_sh.at[sl], deg_hbm.at[c, sl])


@functools.partial(
    pl.kernel,
    out_type=(
        jax.ShapeDtypeStruct((N, H), jnp.float32),
        jax.ShapeDtypeStruct((N, H), jnp.float32),
    ),
    mesh=_MESH,
    scratch_types=[
        pltpu.VMEM((2, CHUNK), jnp.int32),
        pltpu.VMEM((2, CHUNK), jnp.int32),
        pltpu.VMEM((2, CHUNK), jnp.int32),
        pltpu.VMEM((2, CHUNK), jnp.int32),
        pltpu.VMEM((CHUNK, H), jnp.float32),
        pltpu.VMEM((CHUNK, H), jnp.float32),
        pltpu.VMEM_SHARED((NPAD, H), jnp.float32),
        pltpu.SemaphoreType.DMA,
        pltpu.SemaphoreType.DMA,
        pltpu.SemaphoreType.DMA,
        pltpu.SemaphoreType.DMA,
        pltpu.SemaphoreType.DMA,
        pltpu.SemaphoreType.DMA,
    ],
)
def _edge_kernel(zlo_hbm, zhi_hbm, src_hbm, dst_hbm, outlo_hbm, outhi_hbm,
                 idx_a, idx_b, idx_a2, idx_b2, rows_v0, rows_v1, acc_sh,
                 sem_la, sem_lb, sem_la2, sem_lb2, sem_g0, sem_g1):
    c = lax.axis_index("c")
    s = lax.axis_index("s")

    last = N - 15 * ROWS_PER_TILE

    def init(z_ref):
        @pl.when(s < 15)
        def _():
            sl = pl.ds(s * ROWS_PER_TILE, ROWS_PER_TILE)
            pltpu.sync_copy(z_ref.at[sl], acc_sh.at[sl])

        @pl.when(s == 15)
        def _():
            sl = pl.ds(15 * ROWS_PER_TILE, last)
            pltpu.sync_copy(z_ref.at[sl], acc_sh.at[sl])

    nk = (ECHUNKS // 16)

    def edges(z_ref):
        def ld(k, buf, sem):
            b = (s + 16 * k) * CHUNK
            pltpu.async_copy(src_hbm.at[pl.ds(b, CHUNK)], buf.at[0], sem)
            pltpu.async_copy(dst_hbm.at[pl.ds(b, CHUNK)], buf.at[1], sem)

        def ld_wait(k, buf, sem):
            b = (s + 16 * k) * CHUNK
            pltpu.make_async_copy(src_hbm.at[pl.ds(b, CHUNK)], buf.at[0],
                                  sem).wait()
            pltpu.make_async_copy(dst_hbm.at[pl.ds(b, CHUNK)], buf.at[1],
                                  sem).wait()

        def g_fire(buf, rows, sem):
            pltpu.async_copy(z_ref.at[buf.at[0]], rows, sem)

        def g_wait(buf, rows, sem):
            pltpu.make_async_copy(z_ref.at[buf.at[0]], rows, sem).wait()

        def scat(buf, rows):
            pltpu.sync_copy(rows, acc_sh.at[buf.at[1]], add=True)

        ld(0, idx_a, sem_la)
        ld(1, idx_b, sem_lb)
        ld_wait(0, idx_a, sem_la)
        g_fire(idx_a, rows_v0, sem_g0)
        ld_wait(1, idx_b, sem_lb)
        g_fire(idx_b, rows_v1, sem_g1)

        def quad(q, _):
            k = 4 * q
            ld(k + 2, idx_a2, sem_la2)
            ld(k + 3, idx_b2, sem_lb2)
            g_wait(idx_a, rows_v0, sem_g0)
            scat(idx_a, rows_v0)
            ld_wait(k + 2, idx_a2, sem_la2)
            g_fire(idx_a2, rows_v0, sem_g0)
            g_wait(idx_b, rows_v1, sem_g1)
            scat(idx_b, rows_v1)
            ld_wait(k + 3, idx_b2, sem_lb2)
            g_fire(idx_b2, rows_v1, sem_g1)
            ld(k + 4, idx_a, sem_la)
            ld(k + 5, idx_b, sem_lb)
            g_wait(idx_a2, rows_v0, sem_g0)
            scat(idx_a2, rows_v0)
            ld_wait(k + 4, idx_a, sem_la)
            g_fire(idx_a, rows_v0, sem_g0)
            g_wait(idx_b2, rows_v1, sem_g1)
            scat(idx_b2, rows_v1)
            ld_wait(k + 5, idx_b, sem_lb)
            g_fire(idx_b, rows_v1, sem_g1)
            return 0

        lax.fori_loop(0, (nk - 2) // 4, quad, 0, unroll=False)

        g_wait(idx_a, rows_v0, sem_g0)
        scat(idx_a, rows_v0)
        g_wait(idx_b, rows_v1, sem_g1)
        scat(idx_b, rows_v1)

        @pl.when(s < ECHUNKS - 16 * nk)
        def _():
            b = (16 * nk + s) * CHUNK
            pltpu.sync_copy(src_hbm.at[pl.ds(b, CHUNK)], idx_a.at[0])
            pltpu.sync_copy(dst_hbm.at[pl.ds(b, CHUNK)], idx_a.at[1])
            pltpu.async_copy(z_ref.at[idx_a.at[0]], rows_v0, sem_g0).wait()
            pltpu.sync_copy(rows_v0, acc_sh.at[idx_a.at[1]], add=True)

    def writeout(out_ref):
        @pl.when(s < 15)
        def _():
            sl = pl.ds(s * ROWS_PER_TILE, ROWS_PER_TILE)
            pltpu.sync_copy(acc_sh.at[sl], out_ref.at[sl])

        @pl.when(s == 15)
        def _():
            sl = pl.ds(15 * ROWS_PER_TILE, last)
            pltpu.sync_copy(acc_sh.at[sl], out_ref.at[sl])

    @pl.when(c == 0)
    def _():
        init(zlo_hbm)

    @pl.when(c == 1)
    def _():
        init(zhi_hbm)

    plsc.subcore_barrier()

    @pl.when(c == 0)
    def _():
        edges(zlo_hbm)

    @pl.when(c == 1)
    def _():
        edges(zhi_hbm)

    plsc.subcore_barrier()

    @pl.when(c == 0)
    def _():
        writeout(outlo_hbm)

    @pl.when(c == 1)
    def _():
        writeout(outhi_hbm)


RBLK = 1000
_PREC = lax.Precision.HIGHEST


def _project_body(x_ref, w1_ref, deg0_ref, deg1_ref, zlo_ref, zhi_ref,
                  dinv_ref):
    deg = deg0_ref[...] + deg1_ref[...] + 1.0
    dinv = lax.rsqrt(deg)
    y = lax.dot_general(x_ref[...], w1_ref[...], (((1,), (1,)), ((), ())),
                        preferred_element_type=jnp.float32, precision=_PREC)
    z = (0.9 * dinv) * y
    zlo_ref[...] = z[:, :H]
    zhi_ref[...] = z[:, H:]
    dinv_ref[...] = dinv


def _base_body(x0_ref, w2_ref, base_ref):
    base_ref[...] = 0.1 * lax.dot_general(
        x0_ref[...], w2_ref[...], (((1,), (1,)), ((), ())),
        preferred_element_type=jnp.float32, precision=_PREC)


def _finish_body(acclo_ref, acchi_ref, base_ref, dinv_ref, out_ref):
    acc = jnp.concatenate([acclo_ref[...], acchi_ref[...]], axis=1)
    out_ref[...] = base_ref[...] + dinv_ref[...] * acc


def _project(x, W1, deg2d0, deg2d1):
    grid = (N // RBLK,)
    return pl.pallas_call(
        _project_body,
        grid=grid,
        in_specs=[
            pl.BlockSpec((RBLK, D), lambda i: (i, 0)),
            pl.BlockSpec((D, D), lambda i: (0, 0)),
            pl.BlockSpec((RBLK, 1), lambda i: (i, 0)),
            pl.BlockSpec((RBLK, 1), lambda i: (i, 0)),
        ],
        out_specs=[
            pl.BlockSpec((RBLK, H), lambda i: (i, 0)),
            pl.BlockSpec((RBLK, H), lambda i: (i, 0)),
            pl.BlockSpec((RBLK, 1), lambda i: (i, 0)),
        ],
        out_shape=[
            jax.ShapeDtypeStruct((N, H), jnp.float32),
            jax.ShapeDtypeStruct((N, H), jnp.float32),
            jax.ShapeDtypeStruct((N, 1), jnp.float32),
        ],
    )(x, W1, deg2d0, deg2d1)


def _base(x0, W2):
    grid = (N // RBLK,)
    return pl.pallas_call(
        _base_body,
        grid=grid,
        in_specs=[
            pl.BlockSpec((RBLK, D), lambda i: (i, 0)),
            pl.BlockSpec((D, D), lambda i: (0, 0)),
        ],
        out_specs=pl.BlockSpec((RBLK, D), lambda i: (i, 0)),
        out_shape=jax.ShapeDtypeStruct((N, D), jnp.float32),
    )(x0, W2)


def _finish(acc_lo, acc_hi, base, dinv2d):
    grid = (N // RBLK,)
    return pl.pallas_call(
        _finish_body,
        grid=grid,
        in_specs=[
            pl.BlockSpec((RBLK, H), lambda i: (i, 0)),
            pl.BlockSpec((RBLK, H), lambda i: (i, 0)),
            pl.BlockSpec((RBLK, D), lambda i: (i, 0)),
            pl.BlockSpec((RBLK, 1), lambda i: (i, 0)),
        ],
        out_specs=pl.BlockSpec((RBLK, D), lambda i: (i, 0)),
        out_shape=jax.ShapeDtypeStruct((N, D), jnp.float32),
    )(acc_lo, acc_hi, base, dinv2d)


def kernel(x, x0, edge_index, W1, W2):
    src = edge_index[0].astype(jnp.int32)
    dst = edge_index[1].astype(jnp.int32)

    degp = _degree_kernel(dst)
    deg2d0 = degp[0, :N].reshape(N, 1)
    deg2d1 = degp[1, :N].reshape(N, 1)

    z_lo, z_hi, dinv2d = _project(x, W1, deg2d0, deg2d1)
    base = _base(x0, W2)
    acc_lo, acc_hi = _edge_kernel(z_lo, z_hi, src, dst)
    return _finish(acc_lo, acc_hi, base, dinv2d)

# --- scband reference (transcript-rebuilt; emitter-appended) ---
"""Pipeline reference for scband-graph-res-norm-11252814316014 (READ-ONLY COPY).

The authoritative reference and input builder live on the scoring server;
editing this copy changes nothing except your own understanding.
"""

import jax, jax.numpy as jnp
import numpy as np

N = 10000
E = 160000
D = 256
ALPHA = 0.1


def gcn_conv(x, edge_index):
    # GCN propagation with added self-loops and symmetric normalization:
    # out = D^{-1/2} (A + I) D^{-1/2} x
    n = x.shape[0]
    src = edge_index[0]
    dst = edge_index[1]
    loop = jnp.arange(n, dtype=src.dtype)
    src = jnp.concatenate([src, loop])
    dst = jnp.concatenate([dst, loop])
    w = jnp.ones(src.shape[0], dtype=x.dtype)
    deg = jnp.zeros((n,), dtype=x.dtype).at[dst].add(w)
    deg_inv_sqrt = jnp.where(deg > 0, 1.0 / jnp.sqrt(deg), 0.0)
    norm = deg_inv_sqrt[src] * w * deg_inv_sqrt[dst]
    msgs = norm[:, None] * jnp.take(x, src, axis=0)
    out = jnp.zeros_like(x).at[dst].add(msgs)
    return out


def setup_inputs(seed: int = 0):
    key = jax.random.key(seed)
    k1, k2, k3, k4, k5 = jax.random.split(key, 5)
    x = jax.random.normal(k1, (N, D), dtype=jnp.float32)
    x0 = jax.random.normal(k2, (N, D), dtype=jnp.float32)
    edge_index = jax.random.randint(k3, (2, E), 0, N)
    # nn.Linear(in_channels, in_channels, bias=False) weights, shape [out, in]
    bound = 1.0 / np.sqrt(D)
    W1 = jax.random.uniform(k4, (D, D), dtype=jnp.float32, minval=-bound, maxval=bound)
    W2 = jax.random.uniform(k5, (D, D), dtype=jnp.float32, minval=-bound, maxval=bound)
    return {"x": x, "x0": x0, "edge_index": edge_index, "W1": W1, "W2": W2}


def reference(x, x0, edge_index, W1, W2):
    ax = gcn_conv(x, edge_index)
    out = (1.0 - ALPHA) * (ax @ W1.T) + ALPHA * (x0 @ W2.T)
    return out

if __name__ == "__main__":
    import jax
    _d = setup_inputs()
    print(jax.jit(kernel)(*tuple(_d.values())))

</pallas_src>

<mosaic_0001>
#map = affine_map<(d0, d1) -> (0)>
#map1 = affine_map<(d0, d1) -> (0, 0)>
module attributes {stable_mosaic.version = 14 : i64} {
  func.func @_degree_kernel(%arg0: i32, %arg1: i32, %arg2: memref<160000xi32, #tpu.memory_space<hbm>>, %arg3: memref<2x10240xf32, #tpu.memory_space<hbm>>, %arg4: memref<128xi32, #tpu.memory_space<vmem>>, %arg5: memref<128xi32, #tpu.memory_space<vmem>>, %arg6: memref<128xi32, #tpu.memory_space<vmem>>, %arg7: memref<128xf32, #tpu.memory_space<vmem>>, %arg8: memref<640xf32, #tpu.memory_space<vmem>>, %arg9: memref<10240xf32, #tpu.memory_space<vmem_shared>>, %arg10: memref<!tpu.dma_semaphore, #tpu.memory_space<semaphore_mem>>, %arg11: memref<!tpu.dma_semaphore, #tpu.memory_space<semaphore_mem>>, %arg12: memref<!tpu.dma_semaphore, #tpu.memory_space<semaphore_mem>>) attributes {dimension_semantics = [#tpu.dimension_semantics<core_parallel>, #tpu.dimension_semantics<subcore_parallel>], iteration_bounds = array<i64: 2, 16>, scalar_prefetch = 0 : i64, scratch_operands = 9 : i64, tpu.core_type = #tpu.core_type<sc_vector_subcore>, window_params = [{transform_indices = #map}, {transform_indices = #map1}]} {
    %broadcast_in_dim3A = arith.constant 0.000000e+00 : f32
    %broadcast_in_dim3A_0 = vector.broadcast %broadcast_in_dim3A : f32 to vector<16xf32>
    %scan3A = arith.constant 0 : i32
    %scan3A_1 = arith.constant 0 : i32
    %scan3A_2 = arith.constant 40 : i32
    %scan3A_3 = arith.addi %scan3A_1, %scan3A_2 : i32
    %scan3A_4 = arith.constant 1 : i32
    %scan3A_5 = scf.for %scan3A_43 = %scan3A_1 to %scan3A_3 step %scan3A_4 iter_args(%scan3A_44 = %scan3A) -> (i32)  : i32 {
      %mul3A_45 = arith.constant 16 : i32
      %mul3A_46 = arith.muli %scan3A_43, %mul3A_45 : i32
      %swap3A = arith.index_cast %mul3A_46 : i32 to index
      %swap3A_47 = tpu.vector_load %arg8[%swap3A] {strides = array<i32>} : memref<640xf32, #tpu.memory_space<vmem>>, vector<16xf32>,
      %swap3A_48 = vector.shape_cast %swap3A_47 : vector<16xf32> to vector<16xf32>
      %swap3A_49 = vector.shape_cast %broadcast_in_dim3A_0 : vector<16xf32> to vector<16xf32>
      tpu.vector_store %arg8[%swap3A], %swap3A_49 {strides = array<i32>} : memref<640xf32, #tpu.memory_space<vmem>>, vector<16xf32>,
      %scan3A_50 = arith.constant 0 : i32
      scf.yield %scan3A_50 : i32
    }
    %scan3A_6 = arith.constant 40 : i32
    %broadcast_in_dim3A_7 = arith.constant 1.000000e+00 : f32
    %broadcast_in_dim3A_8 = vector.broadcast %broadcast_in_dim3A_7 : f32 to vector<16xf32>
    %scan3A_9 = arith.constant 0 : i32
    %scan3A_10 = arith.constant 0 : i32
    %scan3A_11 = arith.constant 8 : i32
    %scan3A_12 = arith.addi %scan3A_10, %scan3A_11 : i32
    %scan3A_13 = arith.constant 1 : i32
    %scan3A_14 = scf.for %scan3A_43 = %scan3A_10 to %scan3A_12 step %scan3A_13 iter_args(%scan3A_44 = %scan3A_9) -> (i32)  : i32 {
      %mul3A_45 = arith.constant 16 : i32
      %mul3A_46 = arith.muli %scan3A_43, %mul3A_45 : i32
      %swap3A = arith.index_cast %mul3A_46 : i32 to index
      %swap3A_47 = tpu.vector_load %arg7[%swap3A] {strides = array<i32>} : memref<128xf32, #tpu.memory_space<vmem>>, vector<16xf32>,
      %swap3A_48 = vector.shape_cast %swap3A_47 : vector<16xf32> to vector<16xf32>
      %swap3A_49 = vector.shape_cast %broadcast_in_dim3A_8 : vector<16xf32> to vector<16xf32>
      tpu.vector_store %arg7[%swap3A], %swap3A_49 {strides = array<i32>} : memref<128xf32, #tpu.memory_space<vmem>>, vector<16xf32>,
      %scan3A_50 = arith.constant 0 : i32
      scf.yield %scan3A_50 : i32
    }
    %scan3A_15 = arith.constant 8 : i32
    %mul3A = arith.constant 640 : i32
    %mul3A_16 = arith.muli %arg1, %mul3A : i32
    "tpu.region"() ({
      %run_scoped3A = tpu.sem_alloc : memref<!tpu.dma_semaphore, #tpu.memory_space<semaphore_mem>>
      %dma_start3A_43 = tpu.memref_slice %arg9[%mul3A_16] : memref<10240xf32, #tpu.memory_space<vmem_shared>> -> memref<640xf32, #tpu.memory_space<vmem_shared>>
      %dma_start3A_44 = tpu.memref_slice %arg9[%mul3A_16] : memref<10240xf32, #tpu.memory_space<vmem_shared>> -> memref<640xf32, #tpu.memory_space<vmem_shared>>
      tpu.enqueue_dma source(%arg8 : memref<640xf32, #tpu.memory_space<vmem>>) target(%dma_start3A_44 : memref<640xf32, #tpu.memory_space<vmem_shared>>) target_semaphore(%run_scoped3A : memref<!tpu.dma_semaphore, #tpu.memory_space<semaphore_mem>>)
      %dma_wait3A = tpu.memref_slice %arg9[%mul3A_16] : memref<10240xf32, #tpu.memory_space<vmem_shared>> -> memref<640xf32, #tpu.memory_space<vmem_shared>>
      %dma_wait3A_45 = tpu.memref_slice %arg9[%mul3A_16] : memref<10240xf32, #tpu.memory_space<vmem_shared>> -> memref<640xf32, #tpu.memory_space<vmem_shared>>
      tpu.wait_dma2 semaphore(%run_scoped3A : memref<!tpu.dma_semaphore, #tpu.memory_space<semaphore_mem>>) src(%arg8 : memref<640xf32, #tpu.memory_space<vmem>>) dst(%dma_wait3A_45 : memref<640xf32, #tpu.memory_space<vmem_shared>>)
      tpu.yield
    }) : () -> ()
    %barrier3A = arith.constant 0 : index
    tpu.barrier barrier_id(%barrier3A)
    %mul3A_17 = arith.constant 80000 : i32
    %mul3A_18 = arith.muli %arg0, %mul3A_17 : i32
    %add3A = arith.constant 0 : i32
    %add3A_19 = arith.addi %arg1, %add3A : i32
    %mul3A_20 = arith.constant 128 : i32
    %mul3A_21 = arith.muli %add3A_19, %mul3A_20 : i32
    %add3A_22 = arith.addi %mul3A_18, %mul3A_21 : i32
    %dma_start3A = tpu.memref_slice %arg2[%add3A_22] : memref<160000xi32, #tpu.memory_space<hbm>> -> memref<128xi32, #tpu.memory_space<hbm>>
    %dma_start3A_23 = tpu.memref_slice %arg2[%add3A_22] : memref<160000xi32, #tpu.memory_space<hbm>> -> memref<128xi32, #tpu.memory_space<hbm>>
    tpu.enqueue_dma source(%dma_start3A_23 : memref<128xi32, #tpu.memory_space<hbm>>) target(%arg4 : memref<128xi32, #tpu.memory_space<vmem>>) target_semaphore(%arg10 : memref<!tpu.dma_semaphore, #tpu.memory_space<semaphore_mem>>)
    %add3A_24 = arith.constant 16 : i32
    %add3A_25 = arith.addi %arg1, %add3A_24 : i32
    %mul3A_26 = arith.constant 128 : i32
    %mul3A_27 = arith.muli %add3A_25, %mul3A_26 : i32
    %add3A_28 = arith.addi %mul3A_18, %mul3A_27 : i32
    %dma_start3A_29 = tpu.memref_slice %arg2[%add3A_28] : memref<160000xi32, #tpu.memory_space<hbm>> -> memref<128xi32, #tpu.memory_space<hbm>>
    %dma_start3A_30 = tpu.memref_slice %arg2[%add3A_28] : memref<160000xi32, #tpu.memory_space<hbm>> -> memref<128xi32, #tpu.memory_space<hbm>>
    tpu.enqueue_dma source(%dma_start3A_30 : memref<128xi32, #tpu.memory_space<hbm>>) target(%arg5 : memref<128xi32, #tpu.memory_space<vmem>>) target_semaphore(%arg11 : memref<!tpu.dma_semaphore, #tpu.memory_space<semaphore_mem>>)
    %scan3A_31 = arith.constant 0 : i32
    %scan3A_32 = arith.constant 0 : i32
    %scan3A_33 = arith.constant 13 : i32
    %scan3A_34 = arith.addi %scan3A_32, %scan3A_33 : i32
    %scan3A_35 = arith.constant 1 : i32
    %scan3A_36 = scf.for %scan3A_43 = %scan3A_32 to %scan3A_34 step %scan3A_35 iter_args(%scan3A_44 = %scan3A_31) -> (i32)  : i32 {
      %mul3A_45 = arith.constant 3 : i32
      %mul3A_46 = arith.muli %mul3A_45, %scan3A_43 : i32
      %add3A_47 = arith.constant 2 : i32
      %add3A_48 = arith.addi %mul3A_46, %add3A_47 : i32
      %mul3A_49 = arith.constant 16 : i32
      %mul3A_50 = arith.muli %mul3A_49, %add3A_48 : i32
      %add3A_51 = arith.addi %arg1, %mul3A_50 : i32
      %mul3A_52 = arith.constant 128 : i32
      %mul3A_53 = arith.muli %add3A_51, %mul3A_52 : i32
      %add3A_54 = arith.addi %mul3A_18, %mul3A_53 : i32
      %dma_start3A_55 = tpu.memref_slice %arg2[%add3A_54] : memref<160000xi32, #tpu.memory_space<hbm>> -> memref<128xi32, #tpu.memory_space<hbm>>
      %dma_start3A_56 = tpu.memref_slice %arg2[%add3A_54] : memref<160000xi32, #tpu.memory_space<hbm>> -> memref<128xi32, #tpu.memory_space<hbm>>
      tpu.enqueue_dma source(%dma_start3A_56 : memref<128xi32, #tpu.memory_space<hbm>>) target(%arg6 : memref<128xi32, #tpu.memory_space<vmem>>) target_semaphore(%arg12 : memref<!tpu.dma_semaphore, #tpu.memory_space<semaphore_mem>>)
      %mul3A_57 = arith.constant 16 : i32
      %mul3A_58 = arith.muli %mul3A_57, %mul3A_46 : i32
      %add3A_59 = arith.addi %arg1, %mul3A_58 : i32
      %mul3A_60 = arith.constant 128 : i32
      %mul3A_61 = arith.muli %add3A_59, %mul3A_60 : i32
      %add3A_62 = arith.addi %mul3A_18, %mul3A_61 : i32
      %dma_wait3A = tpu.memref_slice %arg2[%add3A_62] : memref<160000xi32, #tpu.memory_space<hbm>> -> memref<128xi32, #tpu.memory_space<hbm>>
      %dma_wait3A_63 = tpu.memref_slice %arg2[%add3A_62] : memref<160000xi32, #tpu.memory_space<hbm>> -> memref<128xi32, #tpu.memory_space<hbm>>
      tpu.wait_dma2 semaphore(%arg10 : memref<!tpu.dma_semaphore, #tpu.memory_space<semaphore_mem>>) src(%dma_wait3A_63 : memref<128xi32, #tpu.memory_space<hbm>>) dst(%arg4 : memref<128xi32, #tpu.memory_space<vmem>>)
      "tpu.region"() ({
        %run_scoped3A = tpu.sem_alloc : memref<!tpu.dma_semaphore, #tpu.memory_space<semaphore_mem>>
        %dma_start3A_98 = arith.constant 0 : i32
        %dma_start3A_99 = tpu.memref_slice %arg9[%dma_start3A_98] : memref<10240xf32, #tpu.memory_space<vmem_shared>> -> memref<10240xf32, #tpu.memory_space<vmem_shared>>
        tpu.enqueue_indirect_dma source(%arg7 : memref<128xf32, #tpu.memory_space<vmem>>) target(%dma_start3A_99 : memref<10240xf32, #tpu.memory_space<vmem_shared>>) offsets(%arg4 : memref<128xi32, #tpu.memory_space<vmem>>) semaphore(%run_scoped3A : memref<!tpu.dma_semaphore, #tpu.memory_space<semaphore_mem>>) {add = true}
        %dma_wait3A_100 = arith.constant 0 : i32
        %dma_wait3A_101 = tpu.memref_slice %arg9[%dma_wait3A_100] : memref<10240xf32, #tpu.memory_space<vmem_shared>> -> memref<10240xf32, #tpu.memory_space<vmem_shared>>
        tpu.wait_indirect_dma semaphore(%run_scoped3A : memref<!tpu.dma_semaphore, #tpu.memory_space<semaphore_mem>>) src(%arg7 : memref<128xf32, #tpu.memory_space<vmem>>) dst(%dma_wait3A_101 : memref<10240xf32, #tpu.memory_space<vmem_shared>>)
        tpu.yield
      }) : () -> ()
      %add3A_64 = arith.constant 1 : i32
      %add3A_65 = arith.addi %scan3A_43, %add3A_64 : i32
      %lt3A = arith.constant 13 : i32
      %lt3A_66 = arith.cmpi slt, %add3A_65, %lt3A : i32
      %convert_element_type3A_67 = arith.extui %lt3A_66 : i1 to i32
      %cond3A_68 = arith.constant 0 : i32
      %cond3A_69 = arith.cmpi ne, %convert_element_type3A_67, %cond3A_68 : i32
      scf.if %cond3A_69 {
        %add3A_98 = arith.constant 3 : i32
        %add3A_99 = arith.addi %mul3A_46, %add3A_98 : i32
        %mul3A_100 = arith.constant 16 : i32
        %mul3A_101 = arith.muli %mul3A_100, %add3A_99 : i32
        %add3A_102 = arith.addi %arg1, %mul3A_101 : i32
        %mul3A_103 = arith.constant 128 : i32
        %mul3A_104 = arith.muli %add3A_102, %mul3A_103 : i32
        %add3A_105 = arith.addi %mul3A_18, %mul3A_104 : i32
        %dma_start3A_106 = tpu.memref_slice %arg2[%add3A_105] : memref<160000xi32, #tpu.memory_space<hbm>> -> memref<128xi32, #tpu.memory_space<hbm>>
        %dma_start3A_107 = tpu.memref_slice %arg2[%add3A_105] : memref<160000xi32, #tpu.memory_space<hbm>> -> memref<128xi32, #tpu.memory_space<hbm>>
        tpu.enqueue_dma source(%dma_start3A_107 : memref<128xi32, #tpu.memory_space<hbm>>) target(%arg4 : memref<128xi32, #tpu.memory_space<vmem>>) target_semaphore(%arg10 : memref<!tpu.dma_semaphore, #tpu.memory_space<semaphore_mem>>)
      } else {
      }
      %add3A_70 = arith.constant 1 : i32
      %add3A_71 = arith.addi %mul3A_46, %add3A_70 : i32
      %mul3A_72 = arith.constant 16 : i32
      %mul3A_73 = arith.muli %mul3A_72, %add3A_71 : i32
      %add3A_74 = arith.addi %arg1, %mul3A_73 : i32
      %mul3A_75 = arith.constant 128 : i32
      %mul3A_76 = arith.muli %add3A_74, %mul3A_75 : i32
      %add3A_77 = arith.addi %mul3A_18, %mul3A_76 : i32
      %dma_wait3A_78 = tpu.memref_slice %arg2[%add3A_77] : memref<160000xi32, #tpu.memory_space<hbm>> -> memref<128xi32, #tpu.memory_space<hbm>>
      %dma_wait3A_79 = tpu.memref_slice %arg2[%add3A_77] : memref<160000xi32, #tpu.memory_space<hbm>> -> memref<128xi32, #tpu.memory_space<hbm>>
      tpu.wait_dma2 semaphore(%arg11 : memref<!tpu.dma_semaphore, #tpu.memory_space<semaphore_mem>>) src(%dma_wait3A_79 : memref<128xi32, #tpu.memory_space<hbm>>) dst(%arg5 : memref<128xi32, #tpu.memory_space<vmem>>)
      "tpu.region"() ({
        %run_scoped3A = tpu.sem_alloc : memref<!tpu.dma_semaphore, #tpu.memory_space<semaphore_mem>>
        %dma_start3A_98 = arith.constant 0 : i32
        %dma_start3A_99 = tpu.memref_slice %arg9[%dma_start3A_98] : memref<10240xf32, #tpu.memory_space<vmem_shared>> -> memref<10240xf32, #tpu.memory_space<vmem_shared>>
        tpu.enqueue_indirect_dma source(%arg7 : memref<128xf32, #tpu.memory_space<vmem>>) target(%dma_start3A_99 : memref<10240xf32, #tpu.memory_space<vmem_shared>>) offsets(%arg5 : memref<128xi32, #tpu.memory_space<vmem>>) semaphore(%run_scoped3A : memref<!tpu.dma_semaphore, #tpu.memory_space<semaphore_mem>>) {add = true}
        %dma_wait3A_100 = arith.constant 0 : i32
        %dma_wait3A_101 = tpu.memref_slice %arg9[%dma_wait3A_100] : memref<10240xf32, #tpu.memory_space<vmem_shared>> -> memref<10240xf32, #tpu.memory_space<vmem_shared>>
        tpu.wait_indirect_dma semaphore(%run_scoped3A : memref<!tpu.dma_semaphore, #tpu.memory_space<semaphore_mem>>) src(%arg7 : memref<128xf32, #tpu.memory_space<vmem>>) dst(%dma_wait3A_101 : memref<10240xf32, #tpu.memory_space<vmem_shared>>)
        tpu.yield
      }) : () -> ()
      %add3A_80 = arith.constant 1 : i32
      %add3A_81 = arith.addi %scan3A_43, %add3A_80 : i32
      %lt3A_82 = arith.constant 13 : i32
      %lt3A_83 = arith.cmpi slt, %add3A_81, %lt3A_82 : i32
      %convert_element_type3A_84 = arith.extui %lt3A_83 : i1 to i32
      %cond3A_85 = arith.constant 0 : i32
      %cond3A_86 = arith.cmpi ne, %convert_element_type3A_84, %cond3A_85 : i32
      scf.if %cond3A_86 {
        %add3A_98 = arith.constant 4 : i32
        %add3A_99 = arith.addi %mul3A_46, %add3A_98 : i32
        %mul3A_100 = arith.constant 16 : i32
        %mul3A_101 = arith.muli %mul3A_100, %add3A_99 : i32
        %add3A_102 = arith.addi %arg1, %mul3A_101 : i32
        %mul3A_103 = arith.constant 128 : i32
        %mul3A_104 = arith.muli %add3A_102, %mul3A_103 : i32
        %add3A_105 = arith.addi %mul3A_18, %mul3A_104 : i32
        %dma_start3A_106 = tpu.memref_slice %arg2[%add3A_105] : memref<160000xi32, #tpu.memory_space<hbm>> -> memref<128xi32, #tpu.memory_space<hbm>>
        %dma_start3A_107 = tpu.memref_slice %arg2[%add3A_105] : memref<160000xi32, #tpu.memory_space<hbm>> -> memref<128xi32, #tpu.memory_space<hbm>>
        tpu.enqueue_dma source(%dma_start3A_107 : memref<128xi32, #tpu.memory_space<hbm>>) target(%arg5 : memref<128xi32, #tpu.memory_space<vmem>>) target_semaphore(%arg11 : memref<!tpu.dma_semaphore, #tpu.memory_space<semaphore_mem>>)
      } else {
      }
      %add3A_87 = arith.constant 2 : i32
      %add3A_88 = arith.addi %mul3A_46, %add3A_87 : i32
      %mul3A_89 = arith.constant 16 : i32
      %mul3A_90 = arith.muli %mul3A_89, %add3A_88 : i32
      %add3A_91 = arith.addi %arg1, %mul3A_90 : i32
      %mul3A_92 = arith.constant 128 : i32
      %mul3A_93 = arith.muli %add3A_91, %mul3A_92 : i32
      %add3A_94 = arith.addi %mul3A_18, %mul3A_93 : i32
      %dma_wait3A_95 = tpu.memref_slice %arg2[%add3A_94] : memref<160000xi32, #tpu.memory_space<hbm>> -> memref<128xi32, #tpu.memory_space<hbm>>
      %dma_wait3A_96 = tpu.memref_slice %arg2[%add3A_94] : memref<160000xi32, #tpu.memory_space<hbm>> -> memref<128xi32, #tpu.memory_space<hbm>>
      tpu.wait_dma2 semaphore(%arg12 : memref<!tpu.dma_semaphore, #tpu.memory_space<semaphore_mem>>) src(%dma_wait3A_96 : memref<128xi32, #tpu.memory_space<hbm>>) dst(%arg6 : memref<128xi32, #tpu.memory_space<vmem>>)
      "tpu.region"() ({
        %run_scoped3A = tpu.sem_alloc : memref<!tpu.dma_semaphore, #tpu.memory_space<semaphore_mem>>
        %dma_start3A_98 = arith.constant 0 : i32
        %dma_start3A_99 = tpu.memref_slice %arg9[%dma_start3A_98] : memref<10240xf32, #tpu.memory_space<vmem_shared>> -> memref<10240xf32, #tpu.memory_space<vmem_shared>>
        tpu.enqueue_indirect_dma source(%arg7 : memref<128xf32, #tpu.memory_space<vmem>>) target(%dma_start3A_99 : memref<10240xf32, #tpu.memory_space<vmem_shared>>) offsets(%arg6 : memref<128xi32, #tpu.memory_space<vmem>>) semaphore(%run_scoped3A : memref<!tpu.dma_semaphore, #tpu.memory_space<semaphore_mem>>) {add = true}
        %dma_wait3A_100 = arith.constant 0 : i32
        %dma_wait3A_101 = tpu.memref_slice %arg9[%dma_wait3A_100] : memref<10240xf32, #tpu.memory_space<vmem_shared>> -> memref<10240xf32, #tpu.memory_space<vmem_shared>>
        tpu.wait_indirect_dma semaphore(%run_scoped3A : memref<!tpu.dma_semaphore, #tpu.memory_space<semaphore_mem>>) src(%arg7 : memref<128xf32, #tpu.memory_space<vmem>>) dst(%dma_wait3A_101 : memref<10240xf32, #tpu.memory_space<vmem_shared>>)
        tpu.yield
      }) : () -> ()
      %scan3A_97 = arith.constant 0 : i32
      scf.yield %scan3A_97 : i32
    }
    %scan3A_37 = arith.constant 13 : i32
    %eq3A = arith.constant 0 : i32
    %eq3A_38 = arith.cmpi eq, %arg1, %eq3A : i32
    %convert_element_type3A = arith.extui %eq3A_38 : i1 to i32
    %cond3A = arith.constant 0 : i32
    %cond3A_39 = arith.cmpi ne, %convert_element_type3A, %cond3A : i32
    scf.if %cond3A_39 {
      %add3A_43 = arith.constant 79872 : i32
      %add3A_44 = arith.addi %mul3A_18, %add3A_43 : i32
      "tpu.region"() ({
        %run_scoped3A = tpu.sem_alloc : memref<!tpu.dma_semaphore, #tpu.memory_space<semaphore_mem>>
        %dma_start3A_45 = tpu.memref_slice %arg2[%add3A_44] : memref<160000xi32, #tpu.memory_space<hbm>> -> memref<128xi32, #tpu.memory_space<hbm>>
        %dma_start3A_46 = tpu.memref_slice %arg2[%add3A_44] : memref<160000xi32, #tpu.memory_space<hbm>> -> memref<128xi32, #tpu.memory_space<hbm>>
        tpu.enqueue_dma source(%dma_start3A_46 : memref<128xi32, #tpu.memory_space<hbm>>) target(%arg4 : memref<128xi32, #tpu.memory_space<vmem>>) target_semaphore(%run_scoped3A : memref<!tpu.dma_semaphore, #tpu.memory_space<semaphore_mem>>)
        %dma_wait3A = tpu.memref_slice %arg2[%add3A_44] : memref<160000xi32, #tpu.memory_space<hbm>> -> memref<128xi32, #tpu.memory_space<hbm>>
        %dma_wait3A_47 = tpu.memref_slice %arg2[%add3A_44] : memref<160000xi32, #tpu.memory_space<hbm>> -> memref<128xi32, #tpu.memory_space<hbm>>
        tpu.wait_dma2 semaphore(%run_scoped3A : memref<!tpu.dma_semaphore, #tpu.memory_space<semaphore_mem>>) src(%dma_wait3A_47 : memref<128xi32, #tpu.memory_space<hbm>>) dst(%arg4 : memref<128xi32, #tpu.memory_space<vmem>>)
        tpu.yield
      }) : () -> ()
      "tpu.region"() ({
        %run_scoped3A = tpu.sem_alloc : memref<!tpu.dma_semaphore, #tpu.memory_space<semaphore_mem>>
        %dma_start3A_45 = arith.constant 0 : i32
        %dma_start3A_46 = tpu.memref_slice %arg9[%dma_start3A_45] : memref<10240xf32, #tpu.memory_space<vmem_shared>> -> memref<10240xf32, #tpu.memory_space<vmem_shared>>
        tpu.enqueue_indirect_dma source(%arg7 : memref<128xf32, #tpu.memory_space<vmem>>) target(%dma_start3A_46 : memref<10240xf32, #tpu.memory_space<vmem_shared>>) offsets(%arg4 : memref<128xi32, #tpu.memory_space<vmem>>) semaphore(%run_scoped3A : memref<!tpu.dma_semaphore, #tpu.memory_space<semaphore_mem>>) {add = true}
        %dma_wait3A = arith.constant 0 : i32
        %dma_wait3A_47 = tpu.memref_slice %arg9[%dma_wait3A] : memref<10240xf32, #tpu.memory_space<vmem_shared>> -> memref<10240xf32, #tpu.memory_space<vmem_shared>>
        tpu.wait_indirect_dma semaphore(%run_scoped3A : memref<!tpu.dma_semaphore, #tpu.memory_space<semaphore_mem>>) src(%arg7 : memref<128xf32, #tpu.memory_space<vmem>>) dst(%dma_wait3A_47 : memref<10240xf32, #tpu.memory_space<vmem_shared>>)
        tpu.yield
      }) : () -> ()
    } else {
    }
    %barrier3A_40 = arith.constant 0 : index
    tpu.barrier barrier_id(%barrier3A_40)
    %mul3A_41 = arith.constant 640 : i32
    %mul3A_42 = arith.muli %arg1, %mul3A_41 : i32
    "tpu.region"() ({
      %run_scoped3A = tpu.sem_alloc : memref<!tpu.dma_semaphore, #tpu.memory_space<semaphore_mem>>
      %dma_start3A_43 = tpu.memref_slice %arg3[%arg0, %mul3A_42] : memref<2x10240xf32, #tpu.memory_space<hbm>> -> memref<1x640xf32, #tpu.memory_space<hbm>>
      %dma_start3A_44 = tpu.memref_squeeze %dma_start3A_43 : memref<1x640xf32, #tpu.memory_space<hbm>> -> memref<640xf32, #tpu.memory_space<hbm>>
      %dma_start3A_45 = tpu.memref_slice %arg9[%mul3A_42] : memref<10240xf32, #tpu.memory_space<vmem_shared>> -> memref<640xf32, #tpu.memory_space<vmem_shared>>
      tpu.enqueue_dma source(%dma_start3A_45 : memref<640xf32, #tpu.memory_space<vmem_shared>>) target(%dma_start3A_44 : memref<640xf32, #tpu.memory_space<hbm>>) target_semaphore(%run_scoped3A : memref<!tpu.dma_semaphore, #tpu.memory_space<semaphore_mem>>)
      %dma_wait3A = tpu.memref_slice %arg3[%arg0, %mul3A_42] : memref<2x10240xf32, #tpu.memory_space<hbm>> -> memref<1x640xf32, #tpu.memory_space<hbm>>
      %dma_wait3A_46 = tpu.memref_squeeze %dma_wait3A : memref<1x640xf32, #tpu.memory_space<hbm>> -> memref<640xf32, #tpu.memory_space<hbm>>
      %dma_wait3A_47 = tpu.memref_slice %arg9[%mul3A_42] : memref<10240xf32, #tpu.memory_space<vmem_shared>> -> memref<640xf32, #tpu.memory_space<vmem_shared>>
      tpu.wait_dma2 semaphore(%run_scoped3A : memref<!tpu.dma_semaphore, #tpu.memory_space<semaphore_mem>>) src(%dma_wait3A_47 : memref<640xf32, #tpu.memory_space<vmem_shared>>) dst(%dma_wait3A_46 : memref<640xf32, #tpu.memory_space<hbm>>)
      tpu.yield
    }) : () -> ()
    return
  }
}

#map = affine_map<(d0, d1) -> (0, 0)>
#map1 = affine_map<(d0, d1) -> (0)>
module attributes {stable_mosaic.version = 14 : i64} {
  func.func @_edge_kernel(%arg0: i32, %arg1: i32, %arg2: memref<10000x128xf32, #tpu.memory_space<hbm>>, %arg3: memref<10000x128xf32, #tpu.memory_space<hbm>>, %arg4: memref<160000xi32, #tpu.memory_space<hbm>>, %arg5: memref<160000xi32, #tpu.memory_space<hbm>>, %arg6: memref<10000x128xf32, #tpu.memory_space<hbm>>, %arg7: memref<10000x128xf32, #tpu.memory_space<hbm>>, %arg8: memref<2x128xi32, #tpu.memory_space<vmem>>, %arg9: memref<2x128xi32, #tpu.memory_space<vmem>>, %arg10: memref<2x128xi32, #tpu.memory_space<vmem>>, %arg11: memref<2x128xi32, #tpu.memory_space<vmem>>, %arg12: memref<128x128xf32, #tpu.memory_space<vmem>>, %arg13: memref<128x128xf32, #tpu.memory_space<vmem>>, %arg14: memref<10240x128xf32, #tpu.memory_space<vmem_shared>>, %arg15: memref<!tpu.dma_semaphore, #tpu.memory_space<semaphore_mem>>, %arg16: memref<!tpu.dma_semaphore, #tpu.memory_space<semaphore_mem>>, %arg17: memref<!tpu.dma_semaphore, #tpu.memory_space<semaphore_mem>>, %arg18: memref<!tpu.dma_semaphore, #tpu.memory_space<semaphore_mem>>, %arg19: memref<!tpu.dma_semaphore, #tpu.memory_space<semaphore_mem>>, %arg20: memref<!tpu.dma_semaphore, #tpu.memory_space<semaphore_mem>>) attributes {dimension_semantics = [#tpu.dimension_semantics<core_parallel>, #tpu.dimension_semantics<subcore_parallel>], iteration_bounds = array<i64: 2, 16>, scalar_prefetch = 0 : i64, scratch_operands = 13 : i64, tpu.core_type = #tpu.core_type<sc_vector_subcore>, window_params = [{transform_indices = #map}, {transform_indices = #map}, {transform_indices = #map1}, {transform_indices = #map1}, {transform_indices = #map}, {transform_indices = #map}]} {
    %eq3A = arith.constant 0 : i32
    %eq3A_0 = arith.cmpi eq, %arg0, %eq3A : i32
    %convert_element_type3A = arith.extui %eq3A_0 : i1 to i32
    %cond3A = arith.constant 0 : i32
    %cond3A_1 = arith.cmpi ne, %convert_element_type3A, %cond3A : i32
    scf.if %cond3A_1 {
      %lt3A = arith.constant 15 : i32
      %lt3A_28 = arith.cmpi slt, %arg1, %lt3A : i32
      %convert_element_type3A_29 = arith.extui %lt3A_28 : i1 to i32
      %cond3A_30 = arith.constant 0 : i32
      %cond3A_31 = arith.cmpi ne, %convert_element_type3A_29, %cond3A_30 : i32
      scf.if %cond3A_31 {
        %mul3A = arith.constant 640 : i32
        %mul3A_37 = arith.muli %arg1, %mul3A : i32
        "tpu.region"() ({
          %run_scoped3A = tpu.sem_alloc : memref<!tpu.dma_semaphore, #tpu.memory_space<semaphore_mem>>
          %dma_start3A = arith.constant 0 : i32
          %dma_start3A_38 = tpu.memref_slice %arg14[%mul3A_37, %dma_start3A] : memref<10240x128xf32, #tpu.memory_space<vmem_shared>> -> memref<640x128xf32, #tpu.memory_space<vmem_shared>>
          %dma_start3A_39 = arith.constant 0 : i32
          %dma_start3A_40 = tpu.memref_slice %arg2[%mul3A_37, %dma_start3A_39] : memref<10000x128xf32, #tpu.memory_space<hbm>> -> memref<640x128xf32, #tpu.memory_space<hbm>>
          tpu.enqueue_dma source(%dma_start3A_40 : memref<640x128xf32, #tpu.memory_space<hbm>>) target(%dma_start3A_38 : memref<640x128xf32, #tpu.memory_space<vmem_shared>>) target_semaphore(%run_scoped3A : memref<!tpu.dma_semaphore, #tpu.memory_space<semaphore_mem>>)
          %dma_wait3A = arith.constant 0 : i32
          %dma_wait3A_41 = tpu.memref_slice %arg14[%mul3A_37, %dma_wait3A] : memref<10240x128xf32, #tpu.memory_space<vmem_shared>> -> memref<640x128xf32, #tpu.memory_space<vmem_shared>>
          %dma_wait3A_42 = arith.constant 0 : i32
          %dma_wait3A_43 = tpu.memref_slice %arg2[%mul3A_37, %dma_wait3A_42] : memref<10000x128xf32, #tpu.memory_space<hbm>> -> memref<640x128xf32, #tpu.memory_space<hbm>>
          tpu.wait_dma2 semaphore(%run_scoped3A : memref<!tpu.dma_semaphore, #tpu.memory_space<semaphore_mem>>) src(%dma_wait3A_43 : memref<640x128xf32, #tpu.memory_space<hbm>>) dst(%dma_wait3A_41 : memref<640x128xf32, #tpu.memory_space<vmem_shared>>)
          tpu.yield
        }) : () -> ()
      } else {
      }
      %eq3A_32 = arith.constant 15 : i32
      %eq3A_33 = arith.cmpi eq, %arg1, %eq3A_32 : i32
      %convert_element_type3A_34 = arith.extui %eq3A_33 : i1 to i32
      %cond3A_35 = arith.constant 0 : i32
      %cond3A_36 = arith.cmpi ne, %convert_element_type3A_34, %cond3A_35 : i32
      scf.if %cond3A_36 {
        "tpu.region"() ({
          %run_scoped3A = tpu.sem_alloc : memref<!tpu.dma_semaphore, #tpu.memory_space<semaphore_mem>>
          %dma_start3A = arith.constant 9600 : i32
          %dma_start3A_37 = arith.constant 0 : i32
          %dma_start3A_38 = tpu.memref_slice %arg14[%dma_start3A, %dma_start3A_37] : memref<10240x128xf32, #tpu.memory_space<vmem_shared>> -> memref<400x128xf32, #tpu.memory_space<vmem_shared>>
          %dma_start3A_39 = arith.constant 9600 : i32
          %dma_start3A_40 = arith.constant 0 : i32
          %dma_start3A_41 = tpu.memref_slice %arg2[%dma_start3A_39, %dma_start3A_40] : memref<10000x128xf32, #tpu.memory_space<hbm>> -> memref<400x128xf32, #tpu.memory_space<hbm>>
          tpu.enqueue_dma source(%dma_start3A_41 : memref<400x128xf32, #tpu.memory_space<hbm>>) target(%dma_start3A_38 : memref<400x128xf32, #tpu.memory_space<vmem_shared>>) target_semaphore(%run_scoped3A : memref<!tpu.dma_semaphore, #tpu.memory_space<semaphore_mem>>)
          %dma_wait3A = arith.constant 9600 : i32
          %dma_wait3A_42 = arith.constant 0 : i32
          %dma_wait3A_43 = tpu.memref_slice %arg14[%dma_wait3A, %dma_wait3A_42] : memref<10240x128xf32, #tpu.memory_space<vmem_shared>> -> memref<400x128xf32, #tpu.memory_space<vmem_shared>>
          %dma_wait3A_44 = arith.constant 9600 : i32
          %dma_wait3A_45 = arith.constant 0 : i32
          %dma_wait3A_46 = tpu.memref_slice %arg2[%dma_wait3A_44, %dma_wait3A_45] : memref<10000x128xf32, #tpu.memory_space<hbm>> -> memref<400x128xf32, #tpu.memory_space<hbm>>
          tpu.wait_dma2 semaphore(%run_scoped3A : memref<!tpu.dma_semaphore, #tpu.memory_space<semaphore_mem>>) src(%dma_wait3A_46 : memref<400x128xf32, #tpu.memory_space<hbm>>) dst(%dma_wait3A_43 : memref<400x128xf32, #tpu.memory_space<vmem_shared>>)
          tpu.yield
        }) : () -> ()
      } else {
      }
    } else {
    }
    %eq3A_2 = arith.constant 1 : i32
    %eq3A_3 = arith.cmpi eq, %arg0, %eq3A_2 : i32
    %convert_element_type3A_4 = arith.extui %eq3A_3 : i1 to i32
    %cond3A_5 = arith.constant 0 : i32
    %cond3A_6 = arith.cmpi ne, %convert_element_type3A_4, %cond3A_5 : i32
    scf.if %cond3A_6 {
      %lt3A = arith.constant 15 : i32
      %lt3A_28 = arith.cmpi slt, %arg1, %lt3A : i32
      %convert_element_type3A_29 = arith.extui %lt3A_28 : i1 to i32
      %cond3A_30 = arith.constant 0 : i32
      %cond3A_31 = arith.cmpi ne, %convert_element_type3A_29, %cond3A_30 : i32
      scf.if %cond3A_31 {
        %mul3A = arith.constant 640 : i32
        %mul3A_37 = arith.muli %arg1, %mul3A : i32
        "tpu.region"() ({
          %run_scoped3A = tpu.sem_alloc : memref<!tpu.dma_semaphore, #tpu.memory_space<semaphore_mem>>
          %dma_start3A = arith.constant 0 : i32
          %dma_start3A_38 = tpu.memref_slice %arg14[%mul3A_37, %dma_start3A] : memref<10240x128xf32, #tpu.memory_space<vmem_shared>> -> memref<640x128xf32, #tpu.memory_space<vmem_shared>>
          %dma_start3A_39 = arith.constant 0 : i32
          %dma_start3A_40 = tpu.memref_slice %arg3[%mul3A_37, %dma_start3A_39] : memref<10000x128xf32, #tpu.memory_space<hbm>> -> memref<640x128xf32, #tpu.memory_space<hbm>>
          tpu.enqueue_dma source(%dma_start3A_40 : memref<640x128xf32, #tpu.memory_space<hbm>>) target(%dma_start3A_38 : memref<640x128xf32, #tpu.memory_space<vmem_shared>>) target_semaphore(%run_scoped3A : memref<!tpu.dma_semaphore, #tpu.memory_space<semaphore_mem>>)
          %dma_wait3A = arith.constant 0 : i32
          %dma_wait3A_41 = tpu.memref_slice %arg14[%mul3A_37, %dma_wait3A] : memref<10240x128xf32, #tpu.memory_space<vmem_shared>> -> memref<640x128xf32, #tpu.memory_space<vmem_shared>>
          %dma_wait3A_42 = arith.constant 0 : i32
          %dma_wait3A_43 = tpu.memref_slice %arg3[%mul3A_37, %dma_wait3A_42] : memref<10000x128xf32, #tpu.memory_space<hbm>> -> memref<640x128xf32, #tpu.memory_space<hbm>>
          tpu.wait_dma2 semaphore(%run_scoped3A : memref<!tpu.dma_semaphore, #tpu.memory_space<semaphore_mem>>) src(%dma_wait3A_43 : memref<640x128xf32, #tpu.memory_space<hbm>>) dst(%dma_wait3A_41 : memref<640x128xf32, #tpu.memory_space<vmem_shared>>)
          tpu.yield
        }) : () -> ()
      } else {
      }
      %eq3A_32 = arith.constant 15 : i32
      %eq3A_33 = arith.cmpi eq, %arg1, %eq3A_32 : i32
      %convert_element_type3A_34 = arith.extui %eq3A_33 : i1 to i32
      %cond3A_35 = arith.constant 0 : i32
      %cond3A_36 = arith.cmpi ne, %convert_element_type3A_34, %cond3A_35 : i32
      scf.if %cond3A_36 {
        "tpu.region"() ({
          %run_scoped3A = tpu.sem_alloc : memref<!tpu.dma_semaphore, #tpu.memory_space<semaphore_mem>>
          %dma_start3A = arith.constant 9600 : i32
          %dma_start3A_37 = arith.constant 0 : i32
          %dma_start3A_38 = tpu.memref_slice %arg14[%dma_start3A, %dma_start3A_37] : memref<10240x128xf32, #tpu.memory_space<vmem_shared>> -> memref<400x128xf32, #tpu.memory_space<vmem_shared>>
          %dma_start3A_39 = arith.constant 9600 : i32
          %dma_start3A_40 = arith.constant 0 : i32
          %dma_start3A_41 = tpu.memref_slice %arg3[%dma_start3A_39, %dma_start3A_40] : memref<10000x128xf32, #tpu.memory_space<hbm>> -> memref<400x128xf32, #tpu.memory_space<hbm>>
          tpu.enqueue_dma source(%dma_start3A_41 : memref<400x128xf32, #tpu.memory_space<hbm>>) target(%dma_start3A_38 : memref<400x128xf32, #tpu.memory_space<vmem_shared>>) target_semaphore(%run_scoped3A : memref<!tpu.dma_semaphore, #tpu.memory_space<semaphore_mem>>)
          %dma_wait3A = arith.constant 9600 : i32
          %dma_wait3A_42 = arith.constant 0 : i32
          %dma_wait3A_43 = tpu.memref_slice %arg14[%dma_wait3A, %dma_wait3A_42] : memref<10240x128xf32, #tpu.memory_space<vmem_shared>> -> memref<400x128xf32, #tpu.memory_space<vmem_shared>>
          %dma_wait3A_44 = arith.constant 9600 : i32
          %dma_wait3A_45 = arith.constant 0 : i32
          %dma_wait3A_46 = tpu.memref_slice %arg3[%dma_wait3A_44, %dma_wait3A_45] : memref<10000x128xf32, #tpu.memory_space<hbm>> -> memref<400x128xf32, #tpu.memory_space<hbm>>
          tpu.wait_dma2 semaphore(%run_scoped3A : memref<!tpu.dma_semaphore, #tpu.memory_space<semaphore_mem>>) src(%dma_wait3A_46 : memref<400x128xf32, #tpu.memory_space<hbm>>) dst(%dma_wait3A_43 : memref<400x128xf32, #tpu.memory_space<vmem_shared>>)
          tpu.yield
        }) : () -> ()
      } else {
      }
    } else {
    }
    %barrier3A = arith.constant 0 : index
    tpu.barrier barrier_id(%barrier3A)
    %eq3A_7 = arith.constant 0 : i32
    %eq3A_8 = arith.cmpi eq, %arg0, %eq3A_7 : i32
    %convert_element_type3A_9 = arith.extui %eq3A_8 : i1 to i32
    %cond3A_10 = arith.constant 0 : i32
    %cond3A_11 = arith.cmpi ne, %convert_element_type3A_9, %cond3A_10 : i32
    scf.if %cond3A_11 {
      %add3A = arith.constant 0 : i32
      %add3A_28 = arith.addi %arg1, %add3A : i32
      %mul3A = arith.constant 128 : i32
      %mul3A_29 = arith.muli %add3A_28, %mul3A : i32
      %dma_start3A = arith.constant 0 : i32
      %dma_start3A_30 = arith.constant 0 : i32
      %dma_start3A_31 = tpu.memref_slice %arg8[%dma_start3A, %dma_start3A_30] : memref<2x128xi32, #tpu.memory_space<vmem>> -> memref<1x128xi32, #tpu.memory_space<vmem>>
      %dma_start3A_32 = tpu.memref_squeeze %dma_start3A_31 : memref<1x128xi32, #tpu.memory_space<vmem>> -> memref<128xi32, #tpu.memory_space<vmem>>
      %dma_start3A_33 = tpu.memref_slice %arg4[%mul3A_29] : memref<160000xi32, #tpu.memory_space<hbm>> -> memref<128xi32, #tpu.memory_space<hbm>>
      %dma_start3A_34 = arith.constant 0 : i32
      %dma_start3A_35 = tpu.memref_slice %arg8[%dma_start3A, %dma_start3A_34] : memref<2x128xi32, #tpu.memory_space<vmem>> -> memref<1x128xi32, #tpu.memory_space<vmem>>
      %dma_start3A_36 = tpu.memref_squeeze %dma_start3A_35 : memref<1x128xi32, #tpu.memory_space<vmem>> -> memref<128xi32, #tpu.memory_space<vmem>>
      %dma_start3A_37 = tpu.memref_slice %arg4[%mul3A_29] : memref<160000xi32, #tpu.memory_space<hbm>> -> memref<128xi32, #tpu.memory_space<hbm>>
      tpu.enqueue_dma source(%dma_start3A_37 : memref<128xi32, #tpu.memory_space<hbm>>) target(%dma_start3A_36 : memref<128xi32, #tpu.memory_space<vmem>>) target_semaphore(%arg15 : memref<!tpu.dma_semaphore, #tpu.memory_space<semaphore_mem>>)
      %dma_start3A_38 = arith.constant 1 : i32
      %dma_start3A_39 = arith.constant 0 : i32
      %dma_start3A_40 = tpu.memref_slice %arg8[%dma_start3A_38, %dma_start3A_39] : memref<2x128xi32, #tpu.memory_space<vmem>> -> memref<1x128xi32, #tpu.memory_space<vmem>>
      %dma_start3A_41 = tpu.memref_squeeze %dma_start3A_40 : memref<1x128xi32, #tpu.memory_space<vmem>> -> memref<128xi32, #tpu.memory_space<vmem>>
      %dma_start3A_42 = tpu.memref_slice %arg5[%mul3A_29] : memref<160000xi32, #tpu.memory_space<hbm>> -> memref<128xi32, #tpu.memory_space<hbm>>
      %dma_start3A_43 = arith.constant 0 : i32
      %dma_start3A_44 = tpu.memref_slice %arg8[%dma_start3A_38, %dma_start3A_43] : memref<2x128xi32, #tpu.memory_space<vmem>> -> memref<1x128xi32, #tpu.memory_space<vmem>>
      %dma_start3A_45 = tpu.memref_squeeze %dma_start3A_44 : memref<1x128xi32, #tpu.memory_space<vmem>> -> memref<128xi32, #tpu.memory_space<vmem>>
      %dma_start3A_46 = tpu.memref_slice %arg5[%mul3A_29] : memref<160000xi32, #tpu.memory_space<hbm>> -> memref<128xi32, #tpu.memory_space<hbm>>
      tpu.enqueue_dma source(%dma_start3A_46 : memref<128xi32, #tpu.memory_space<hbm>>) target(%dma_start3A_45 : memref<128xi32, #tpu.memory_space<vmem>>) target_semaphore(%arg15 : memref<!tpu.dma_semaphore, #tpu.memory_space<semaphore_mem>>)
      %add3A_47 = arith.constant 16 : i32
      %add3A_48 = arith.addi %arg1, %add3A_47 : i32
      %mul3A_49 = arith.constant 128 : i32
      %mul3A_50 = arith.muli %add3A_48, %mul3A_49 : i32
      %dma_start3A_51 = arith.constant 0 : i32
      %dma_start3A_52 = arith.constant 0 : i32
      %dma_start3A_53 = tpu.memref_slice %arg9[%dma_start3A_51, %dma_start3A_52] : memref<2x128xi32, #tpu.memory_space<vmem>> -> memref<1x128xi32, #tpu.memory_space<vmem>>
      %dma_start3A_54 = tpu.memref_squeeze %dma_start3A_53 : memref<1x128xi32, #tpu.memory_space<vmem>> -> memref<128xi32, #tpu.memory_space<vmem>>
      %dma_start3A_55 = tpu.memref_slice %arg4[%mul3A_50] : memref<160000xi32, #tpu.memory_space<hbm>> -> memref<128xi32, #tpu.memory_space<hbm>>
      %dma_start3A_56 = arith.constant 0 : i32
      %dma_start3A_57 = tpu.memref_slice %arg9[%dma_start3A_51, %dma_start3A_56] : memref<2x128xi32, #tpu.memory_space<vmem>> -> memref<1x128xi32, #tpu.memory_space<vmem>>
      %dma_start3A_58 = tpu.memref_squeeze %dma_start3A_57 : memref<1x128xi32, #tpu.memory_space<vmem>> -> memref<128xi32, #tpu.memory_space<vmem>>
      %dma_start3A_59 = tpu.memref_slice %arg4[%mul3A_50] : memref<160000xi32, #tpu.memory_space<hbm>> -> memref<128xi32, #tpu.memory_space<hbm>>
      tpu.enqueue_dma source(%dma_start3A_59 : memref<128xi32, #tpu.memory_space<hbm>>) target(%dma_start3A_58 : memref<128xi32, #tpu.memory_space<vmem>>) target_semaphore(%arg16 : memref<!tpu.dma_semaphore, #tpu.memory_space<semaphore_mem>>)
      %dma_start3A_60 = arith.constant 1 : i32
      %dma_start3A_61 = arith.constant 0 : i32
      %dma_start3A_62 = tpu.memref_slice %arg9[%dma_start3A_60, %dma_start3A_61] : memref<2x128xi32, #tpu.memory_space<vmem>> -> memref<1x128xi32, #tpu.memory_space<vmem>>
      %dma_start3A_63 = tpu.memref_squeeze %dma_start3A_62 : memref<1x128xi32, #tpu.memory_space<vmem>> -> memref<128xi32, #tpu.memory_space<vmem>>
      %dma_start3A_64 = tpu.memref_slice %arg5[%mul3A_50] : memref<160000xi32, #tpu.memory_space<hbm>> -> memref<128xi32, #tpu.memory_space<hbm>>
      %dma_start3A_65 = arith.constant 0 : i32
      %dma_start3A_66 = tpu.memref_slice %arg9[%dma_start3A_60, %dma_start3A_65] : memref<2x128xi32, #tpu.memory_space<vmem>> -> memref<1x128xi32, #tpu.memory_space<vmem>>
      %dma_start3A_67 = tpu.memref_squeeze %dma_start3A_66 : memref<1x128xi32, #tpu.memory_space<vmem>> -> memref<128xi32, #tpu.memory_space<vmem>>
      %dma_start3A_68 = tpu.memref_slice %arg5[%mul3A_50] : memref<160000xi32, #tpu.memory_space<hbm>> -> memref<128xi32, #tpu.memory_space<hbm>>
      tpu.enqueue_dma source(%dma_start3A_68 : memref<128xi32, #tpu.memory_space<hbm>>) target(%dma_start3A_67 : memref<128xi32, #tpu.memory_space<vmem>>) target_semaphore(%arg16 : memref<!tpu.dma_semaphore, #tpu.memory_space<semaphore_mem>>)
      %add3A_69 = arith.constant 0 : i32
      %add3A_70 = arith.addi %arg1, %add3A_69 : i32
      %mul3A_71 = arith.constant 128 : i32
      %mul3A_72 = arith.muli %add3A_70, %mul3A_71 : i32
      %dma_wait3A = arith.constant 0 : i32
      %dma_wait3A_73 = arith.constant 0 : i32
      %dma_wait3A_74 = tpu.memref_slice %arg8[%dma_wait3A, %dma_wait3A_73] : memref<2x128xi32, #tpu.memory_space<vmem>> -> memref<1x128xi32, #tpu.memory_space<vmem>>
      %dma_wait3A_75 = tpu.memref_squeeze %dma_wait3A_74 : memref<1x128xi32, #tpu.memory_space<vmem>> -> memref<128xi32, #tpu.memory_space<vmem>>
      %dma_wait3A_76 = tpu.memref_slice %arg4[%mul3A_72] : memref<160000xi32, #tpu.memory_space<hbm>> -> memref<128xi32, #tpu.memory_space<hbm>>
      %dma_wait3A_77 = arith.constant 0 : i32
      %dma_wait3A_78 = tpu.memref_slice %arg8[%dma_wait3A, %dma_wait3A_77] : memref<2x128xi32, #tpu.memory_space<vmem>> -> memref<1x128xi32, #tpu.memory_space<vmem>>
      %dma_wait3A_79 = tpu.memref_squeeze %dma_wait3A_78 : memref<1x128xi32, #tpu.memory_space<vmem>> -> memref<128xi32, #tpu.memory_space<vmem>>
      %dma_wait3A_80 = tpu.memref_slice %arg4[%mul3A_72] : memref<160000xi32, #tpu.memory_space<hbm>> -> memref<128xi32, #tpu.memory_space<hbm>>
      tpu.wait_dma2 semaphore(%arg15 : memref<!tpu.dma_semaphore, #tpu.memory_space<semaphore_mem>>) src(%dma_wait3A_80 : memref<128xi32, #tpu.memory_space<hbm>>) dst(%dma_wait3A_79 : memref<128xi32, #tpu.memory_space<vmem>>)
      %dma_wait3A_81 = arith.constant 1 : i32
      %dma_wait3A_82 = arith.constant 0 : i32
      %dma_wait3A_83 = tpu.memref_slice %arg8[%dma_wait3A_81, %dma_wait3A_82] : memref<2x128xi32, #tpu.memory_space<vmem>> -> memref<1x128xi32, #tpu.memory_space<vmem>>
      %dma_wait3A_84 = tpu.memref_squeeze %dma_wait3A_83 : memref<1x128xi32, #tpu.memory_space<vmem>> -> memref<128xi32, #tpu.memory_space<vmem>>
      %dma_wait3A_85 = tpu.memref_slice %arg5[%mul3A_72] : memref<160000xi32, #tpu.memory_space<hbm>> -> memref<128xi32, #tpu.memory_space<hbm>>
      %dma_wait3A_86 = arith.constant 0 : i32
      %dma_wait3A_87 = tpu.memref_slice %arg8[%dma_wait3A_81, %dma_wait3A_86] : memref<2x128xi32, #tpu.memory_space<vmem>> -> memref<1x128xi32, #tpu.memory_space<vmem>>
      %dma_wait3A_88 = tpu.memref_squeeze %dma_wait3A_87 : memref<1x128xi32, #tpu.memory_space<vmem>> -> memref<128xi32, #tpu.memory_space<vmem>>
      %dma_wait3A_89 = tpu.memref_slice %arg5[%mul3A_72] : memref<160000xi32, #tpu.memory_space<hbm>> -> memref<128xi32, #tpu.memory_space<hbm>>
      tpu.wait_dma2 semaphore(%arg15 : memref<!tpu.dma_semaphore, #tpu.memory_space<semaphore_mem>>) src(%dma_wait3A_89 : memref<128xi32, #tpu.memory_space<hbm>>) dst(%dma_wait3A_88 : memref<128xi32, #tpu.memory_space<vmem>>)
      %dma_start3A_90 = arith.constant 0 : i32
      %dma_start3A_91 = arith.constant 0 : i32
      %dma_start3A_92 = tpu.memref_slice %arg8[%dma_start3A_90, %dma_start3A_91] : memref<2x128xi32, #tpu.memory_space<vmem>> -> memref<1x128xi32, #tpu.memory_space<vmem>>
      %dma_start3A_93 = tpu.memref_squeeze %dma_start3A_92 : memref<1x128xi32, #tpu.memory_space<vmem>> -> memref<128xi32, #tpu.memory_space<vmem>>
      %dma_start3A_94 = arith.constant 0 : i32
      %dma_start3A_95 = arith.constant 0 : i32
      %dma_start3A_96 = tpu.memref_slice %arg2[%dma_start3A_94, %dma_start3A_95] : memref<10000x128xf32, #tpu.memory_space<hbm>> -> memref<10000x128xf32, #tpu.memory_space<hbm>>
      tpu.enqueue_indirect_dma source(%dma_start3A_96 : memref<10000x128xf32, #tpu.memory_space<hbm>>) target(%arg12 : memref<128x128xf32, #tpu.memory_space<vmem>>) offsets(%dma_start3A_93 : memref<128xi32, #tpu.memory_space<vmem>>) semaphore(%arg19 : memref<!tpu.dma_semaphore, #tpu.memory_space<semaphore_mem>>)
      %add3A_97 = arith.constant 16 : i32
      %add3A_98 = arith.addi %arg1, %add3A_97 : i32
      %mul3A_99 = arith.constant 128 : i32
      %mul3A_100 = arith.muli %add3A_98, %mul3A_99 : i32
      %dma_wait3A_101 = arith.constant 0 : i32
      %dma_wait3A_102 = arith.constant 0 : i32
      %dma_wait3A_103 = tpu.memref_slice %arg9[%dma_wait3A_101, %dma_wait3A_102] : memref<2x128xi32, #tpu.memory_space<vmem>> -> memref<1x128xi32, #tpu.memory_space<vmem>>
      %dma_wait3A_104 = tpu.memref_squeeze %dma_wait3A_103 : memref<1x128xi32, #tpu.memory_space<vmem>> -> memref<128xi32, #tpu.memory_space<vmem>>
      %dma_wait3A_105 = tpu.memref_slice %arg4[%mul3A_100] : memref<160000xi32, #tpu.memory_space<hbm>> -> memref<128xi32, #tpu.memory_space<hbm>>
      %dma_wait3A_106 = arith.constant 0 : i32
      %dma_wait3A_107 = tpu.memref_slice %arg9[%dma_wait3A_101, %dma_wait3A_106] : memref<2x128xi32, #tpu.memory_space<vmem>> -> memref<1x128xi32, #tpu.memory_space<vmem>>
      %dma_wait3A_108 = tpu.memref_squeeze %dma_wait3A_107 : memref<1x128xi32, #tpu.memory_space<vmem>> -> memref<128xi32, #tpu.memory_space<vmem>>
      %dma_wait3A_109 = tpu.memref_slice %arg4[%mul3A_100] : memref<160000xi32, #tpu.memory_space<hbm>> -> memref<128xi32, #tpu.memory_space<hbm>>
      tpu.wait_dma2 semaphore(%arg16 : memref<!tpu.dma_semaphore, #tpu.memory_space<semaphore_mem>>) src(%dma_wait3A_109 : memref<128xi32, #tpu.memory_space<hbm>>) dst(%dma_wait3A_108 : memref<128xi32, #tpu.memory_space<vmem>>)
      %dma_wait3A_110 = arith.constant 1 : i32
      %dma_wait3A_111 = arith.constant 0 : i32
      %dma_wait3A_112 = tpu.memref_slice %arg9[%dma_wait3A_110, %dma_wait3A_111] : memref<2x128xi32, #tpu.memory_space<vmem>> -> memref<1x128xi32, #tpu.memory_space<vmem>>
      %dma_wait3A_113 = tpu.memref_squeeze %dma_wait3A_112 : memref<1x128xi32, #tpu.memory_space<vmem>> -> memref<128xi32, #tpu.memory_space<vmem>>
      %dma_wait3A_114 = tpu.memref_slice %arg5[%mul3A_100] : memref<160000xi32, #tpu.memory_space<hbm>> -> memref<128xi32, #tpu.memory_space<hbm>>
      %dma_wait3A_115 = arith.constant 0 : i32
      %dma_wait3A_116 = tpu.memref_slice %arg9[%dma_wait3A_110, %dma_wait3A_115] : memref<2x128xi32, #tpu.memory_space<vmem>> -> memref<1x128xi32, #tpu.memory_space<vmem>>
      %dma_wait3A_117 = tpu.memref_squeeze %dma_wait3A_116 : memref<1x128xi32, #tpu.memory_space<vmem>> -> memref<128xi32, #tpu.memory_space<vmem>>
      %dma_wait3A_118 = tpu.memref_slice %arg5[%mul3A_100] : memref<160000xi32, #tpu.memory_space<hbm>> -> memref<128xi32, #tpu.memory_space<hbm>>
      tpu.wait_dma2 semaphore(%arg16 : memref<!tpu.dma_semaphore, #tpu.memory_space<semaphore_mem>>) src(%dma_wait3A_118 : memref<128xi32, #tpu.memory_space<hbm>>) dst(%dma_wait3A_117 : memref<128xi32, #tpu.memory_space<vmem>>)
      %dma_start3A_119 = arith.constant 0 : i32
      %dma_start3A_120 = arith.constant 0 : i32
      %dma_start3A_121 = tpu.memref_slice %arg9[%dma_start3A_119, %dma_start3A_120] : memref<2x128xi32, #tpu.memory_space<vmem>> -> memref<1x128xi32, #tpu.memory_space<vmem>>
      %dma_start3A_122 = tpu.memref_squeeze %dma_start3A_121 : memref<1x128xi32, #tpu.memory_space<vmem>> -> memref<128xi32, #tpu.memory_space<vmem>>
      %dma_start3A_123 = arith.constant 0 : i32
      %dma_start3A_124 = arith.constant 0 : i32
      %dma_start3A_125 = tpu.memref_slice %arg2[%dma_start3A_123, %dma_start3A_124] : memref<10000x128xf32, #tpu.memory_space<hbm>> -> memref<10000x128xf32, #tpu.memory_space<hbm>>
      tpu.enqueue_indirect_dma source(%dma_start3A_125 : memref<10000x128xf32, #tpu.memory_space<hbm>>) target(%arg13 : memref<128x128xf32, #tpu.memory_space<vmem>>) offsets(%dma_start3A_122 : memref<128xi32, #tpu.memory_space<vmem>>) semaphore(%arg20 : memref<!tpu.dma_semaphore, #tpu.memory_space<semaphore_mem>>)
      %scan3A = arith.constant 0 : i32
      %scan3A_126 = arith.constant 0 : i32
      %scan3A_127 = arith.constant 19 : i32
      %scan3A_128 = arith.addi %scan3A_126, %scan3A_127 : i32
      %scan3A_129 = arith.constant 1 : i32
      %scan3A_130 = scf.for %scan3A_151 = %scan3A_126 to %scan3A_128 step %scan3A_129 iter_args(%scan3A_152 = %scan3A) -> (i32)  : i32 {
        %mul3A_153 = arith.constant 4 : i32
        %mul3A_154 = arith.muli %mul3A_153, %scan3A_151 : i32
        %add3A_155 = arith.constant 2 : i32
        %add3A_156 = arith.addi %mul3A_154, %add3A_155 : i32
        %mul3A_157 = arith.constant 16 : i32
        %mul3A_158 = arith.muli %mul3A_157, %add3A_156 : i32
        %add3A_159 = arith.addi %arg1, %mul3A_158 : i32
        %mul3A_160 = arith.constant 128 : i32
        %mul3A_161 = arith.muli %add3A_159, %mul3A_160 : i32
        %dma_start3A_162 = arith.constant 0 : i32
        %dma_start3A_163 = arith.constant 0 : i32
        %dma_start3A_164 = tpu.memref_slice %arg10[%dma_start3A_162, %dma_start3A_163] : memref<2x128xi32, #tpu.memory_space<vmem>> -> memref<1x128xi32, #tpu.memory_space<vmem>>
        %dma_start3A_165 = tpu.memref_squeeze %dma_start3A_164 : memref<1x128xi32, #tpu.memory_space<vmem>> -> memref<128xi32, #tpu.memory_space<vmem>>
        %dma_start3A_166 = tpu.memref_slice %arg4[%mul3A_161] : memref<160000xi32, #tpu.memory_space<hbm>> -> memref<128xi32, #tpu.memory_space<hbm>>
        %dma_start3A_167 = arith.constant 0 : i32
        %dma_start3A_168 = tpu.memref_slice %arg10[%dma_start3A_162, %dma_start3A_167] : memref<2x128xi32, #tpu.memory_space<vmem>> -> memref<1x128xi32, #tpu.memory_space<vmem>>
        %dma_start3A_169 = tpu.memref_squeeze %dma_start3A_168 : memref<1x128xi32, #tpu.memory_space<vmem>> -> memref<128xi32, #tpu.memory_space<vmem>>
        %dma_start3A_170 = tpu.memref_slice %arg4[%mul3A_161] : memref<160000xi32, #tpu.memory_space<hbm>> -> memref<128xi32, #tpu.memory_space<hbm>>
        tpu.enqueue_dma source(%dma_start3A_170 : memref<128xi32, #tpu.memory_space<hbm>>) target(%dma_start3A_169 : memref<128xi32, #tpu.memory_space<vmem>>) target_semaphore(%arg17 : memref<!tpu.dma_semaphore, #tpu.memory_space<semaphore_mem>>)
        %dma_start3A_171 = arith.constant 1 : i32
        %dma_start3A_172 = arith.constant 0 : i32
        %dma_start3A_173 = tpu.memref_slice %arg10[%dma_start3A_171, %dma_start3A_172] : memref<2x128xi32, #tpu.memory_space<vmem>> -> memref<1x128xi32, #tpu.memory_space<vmem>>
        %dma_start3A_174 = tpu.memref_squeeze %dma_start3A_173 : memref<1x128xi32, #tpu.memory_space<vmem>> -> memref<128xi32, #tpu.memory_space<vmem>>
        %dma_start3A_175 = tpu.memref_slice %arg5[%mul3A_161] : memref<160000xi32, #tpu.memory_space<hbm>> -> memref<128xi32, #tpu.memory_space<hbm>>
        %dma_start3A_176 = arith.constant 0 : i32
        %dma_start3A_177 = tpu.memref_slice %arg10[%dma_start3A_171, %dma_start3A_176] : memref<2x128xi32, #tpu.memory_space<vmem>> -> memref<1x128xi32, #tpu.memory_space<vmem>>
        %dma_start3A_178 = tpu.memref_squeeze %dma_start3A_177 : memref<1x128xi32, #tpu.memory_space<vmem>> -> memref<128xi32, #tpu.memory_space<vmem>>
        %dma_start3A_179 = tpu.memref_slice %arg5[%mul3A_161] : memref<160000xi32, #tpu.memory_space<hbm>> -> memref<128xi32, #tpu.memory_space<hbm>>
        tpu.enqueue_dma source(%dma_start3A_179 : memref<128xi32, #tpu.memory_space<hbm>>) target(%dma_start3A_178 : memref<128xi32, #tpu.memory_space<vmem>>) target_semaphore(%arg17 : memref<!tpu.dma_semaphore, #tpu.memory_space<semaphore_mem>>)
        %add3A_180 = arith.constant 3 : i32
        %add3A_181 = arith.addi %mul3A_154, %add3A_180 : i32
        %mul3A_182 = arith.constant 16 : i32
        %mul3A_183 = arith.muli %mul3A_182, %add3A_181 : i32
        %add3A_184 = arith.addi %arg1, %mul3A_183 : i32
        %mul3A_185 = arith.constant 128 : i32
        %mul3A_186 = arith.muli %add3A_184, %mul3A_185 : i32
        %dma_start3A_187 = arith.constant 0 : i32
        %dma_start3A_188 = arith.constant 0 : i32
        %dma_start3A_189 = tpu.memref_slice %arg11[%dma_start3A_187, %dma_start3A_188] : memref<2x128xi32, #tpu.memory_space<vmem>> -> memref<1x128xi32, #tpu.memory_space<vmem>>
        %dma_start3A_190 = tpu.memref_squeeze %dma_start3A_189 : memref<1x128xi32, #tpu.memory_space<vmem>> -> memref<128xi32, #tpu.memory_space<vmem>>
        %dma_start3A_191 = tpu.memref_slice %arg4[%mul3A_186] : memref<160000xi32, #tpu.memory_space<hbm>> -> memref<128xi32, #tpu.memory_space<hbm>>
        %dma_start3A_192 = arith.constant 0 : i32
        %dma_start3A_193 = tpu.memref_slice %arg11[%dma_start3A_187, %dma_start3A_192] : memref<2x128xi32, #tpu.memory_space<vmem>> -> memref<1x128xi32, #tpu.memory_space<vmem>>
        %dma_start3A_194 = tpu.memref_squeeze %dma_start3A_193 : memref<1x128xi32, #tpu.memory_space<vmem>> -> memref<128xi32, #tpu.memory_space<vmem>>
        %dma_start3A_195 = tpu.memref_slice %arg4[%mul3A_186] : memref<160000xi32, #tpu.memory_space<hbm>> -> memref<128xi32, #tpu.memory_space<hbm>>
        tpu.enqueue_dma source(%dma_start3A_195 : memref<128xi32, #tpu.memory_space<hbm>>) target(%dma_start3A_194 : memref<128xi32, #tpu.memory_space<vmem>>) target_semaphore(%arg18 : memref<!tpu.dma_semaphore, #tpu.memory_space<semaphore_mem>>)
        %dma_start3A_196 = arith.constant 1 : i32
        %dma_start3A_197 = arith.constant 0 : i32
        %dma_start3A_198 = tpu.memref_slice %arg11[%dma_start3A_196, %dma_start3A_197] : memref<2x128xi32, #tpu.memory_space<vmem>> -> memref<1x128xi32, #tpu.memory_space<vmem>>
        %dma_start3A_199 = tpu.memref_squeeze %dma_start3A_198 : memref<1x128xi32, #tpu.memory_space<vmem>> -> memref<128xi32, #tpu.memory_space<vmem>>
        %dma_start3A_200 = tpu.memref_slice %arg5[%mul3A_186] : memref<160000xi32, #tpu.memory_space<hbm>> -> memref<128xi32, #tpu.memory_space<hbm>>
        %dma_start3A_201 = arith.constant 0 : i32
        %dma_start3A_202 = tpu.memref_slice %arg11[%dma_start3A_196, %dma_start3A_201] : memref<2x128xi32, #tpu.memory_space<vmem>> -> memref<1x128xi32, #tpu.memory_space<vmem>>
        %dma_start3A_203 = tpu.memref_squeeze %dma_start3A_202 : memref<1x128xi32, #tpu.memory_space<vmem>> -> memref<128xi32, #tpu.memory_space<vmem>>
        %dma_start3A_204 = tpu.memref_slice %arg5[%mul3A_186] : memref<160000xi32, #tpu.memory_space<hbm>> -> memref<128xi32, #tpu.memory_space<hbm>>
        tpu.enqueue_dma source(%dma_start3A_204 : memref<128xi32, #tpu.memory_space<hbm>>) target(%dma_start3A_203 : memref<128xi32, #tpu.memory_space<vmem>>) target_semaphore(%arg18 : memref<!tpu.dma_semaphore, #tpu.memory_space<semaphore_mem>>)
        %dma_wait3A_205 = arith.constant 0 : i32
        %dma_wait3A_206 = arith.constant 0 : i32
        %dma_wait3A_207 = tpu.memref_slice %arg8[%dma_wait3A_205, %dma_wait3A_206] : memref<2x128xi32, #tpu.memory_space<vmem>> -> memref<1x128xi32, #tpu.memory_space<vmem>>
        %dma_wait3A_208 = tpu.memref_squeeze %dma_wait3A_207 : memref<1x128xi32, #tpu.memory_space<vmem>> -> memref<128xi32, #tpu.memory_space<vmem>>
        %dma_wait3A_209 = arith.constant 0 : i32
        %dma_wait3A_210 = arith.constant 0 : i32
        %dma_wait3A_211 = tpu.memref_slice %arg2[%dma_wait3A_209, %dma_wait3A_210] : memref<10000x128xf32, #tpu.memory_space<hbm>> -> memref<10000x128xf32, #tpu.memory_space<hbm>>
        tpu.wait_indirect_dma semaphore(%arg19 : memref<!tpu.dma_semaphore, #tpu.memory_space<semaphore_mem>>) src(%dma_wait3A_211 : memref<10000x128xf32, #tpu.memory_space<hbm>>) dst(%arg12 : memref<128x128xf32, #tpu.memory_space<vmem>>)
        %run_scoped3A_212 = arith.constant 1 : i32
        "tpu.region"() ({
          %run_scoped3A_416 = tpu.sem_alloc : memref<!tpu.dma_semaphore, #tpu.memory_space<semaphore_mem>>
          %dma_start3A_417 = arith.constant 0 : i32
          %dma_start3A_418 = tpu.memref_slice %arg8[%run_scoped3A_212, %dma_start3A_417] : memref<2x128xi32, #tpu.memory_space<vmem>> -> memref<1x128xi32, #tpu.memory_space<vmem>>
          %dma_start3A_419 = tpu.memref_squeeze %dma_start3A_418 : memref<1x128xi32, #tpu.memory_space<vmem>> -> memref<128xi32, #tpu.memory_space<vmem>>
          %dma_start3A_420 = arith.constant 0 : i32
          %dma_start3A_421 = arith.constant 0 : i32
          %dma_start3A_422 = tpu.memref_slice %arg14[%dma_start3A_420, %dma_start3A_421] : memref<10240x128xf32, #tpu.memory_space<vmem_shared>> -> memref<10240x128xf32, #tpu.memory_space<vmem_shared>>
          tpu.enqueue_indirect_dma source(%arg12 : memref<128x128xf32, #tpu.memory_space<vmem>>) target(%dma_start3A_422 : memref<10240x128xf32, #tpu.memory_space<vmem_shared>>) offsets(%dma_start3A_419 : memref<128xi32, #tpu.memory_space<vmem>>) semaphore(%run_scoped3A_416 : memref<!tpu.dma_semaphore, #tpu.memory_space<semaphore_mem>>) {add = true}
          %dma_wait3A_423 = arith.constant 0 : i32
          %dma_wait3A_424 = tpu.memref_slice %arg8[%run_scoped3A_212, %dma_wait3A_423] : memref<2x128xi32, #tpu.memory_space<vmem>> -> memref<1x128xi32, #tpu.memory_space<vmem>>
          %dma_wait3A_425 = tpu.memref_squeeze %dma_wait3A_424 : memref<1x128xi32, #tpu.memory_space<vmem>> -> memref<128xi32, #tpu.memory_space<vmem>>
          %dma_wait3A_426 = arith.constant 0 : i32
          %dma_wait3A_427 = arith.constant 0 : i32
          %dma_wait3A_428 = tpu.memref_slice %arg14[%dma_wait3A_426, %dma_wait3A_427] : memref<10240x128xf32, #tpu.memory_space<vmem_shared>> -> memref<10240x128xf32, #tpu.memory_space<vmem_shared>>
          tpu.wait_indirect_dma semaphore(%run_scoped3A_416 : memref<!tpu.dma_semaphore, #tpu.memory_space<semaphore_mem>>) src(%arg12 : memref<128x128xf32, #tpu.memory_space<vmem>>) dst(%dma_wait3A_428 : memref<10240x128xf32, #tpu.memory_space<vmem_shared>>)
          tpu.yield
        }) : () -> ()
        %add3A_213 = arith.constant 2 : i32
        %add3A_214 = arith.addi %mul3A_154, %add3A_213 : i32
        %mul3A_215 = arith.constant 16 : i32
        %mul3A_216 = arith.muli %mul3A_215, %add3A_214 : i32
        %add3A_217 = arith.addi %arg1, %mul3A_216 : i32
        %mul3A_218 = arith.constant 128 : i32
        %mul3A_219 = arith.muli %add3A_217, %mul3A_218 : i32
        %dma_wait3A_220 = arith.constant 0 : i32
        %dma_wait3A_221 = arith.constant 0 : i32
        %dma_wait3A_222 = tpu.memref_slice %arg10[%dma_wait3A_220, %dma_wait3A_221] : memref<2x128xi32, #tpu.memory_space<vmem>> -> memref<1x128xi32, #tpu.memory_space<vmem>>
        %dma_wait3A_223 = tpu.memref_squeeze %dma_wait3A_222 : memref<1x128xi32, #tpu.memory_space<vmem>> -> memref<128xi32, #tpu.memory_space<vmem>>
        %dma_wait3A_224 = tpu.memref_slice %arg4[%mul3A_219] : memref<160000xi32, #tpu.memory_space<hbm>> -> memref<128xi32, #tpu.memory_space<hbm>>
        %dma_wait3A_225 = arith.constant 0 : i32
        %dma_wait3A_226 = tpu.memref_slice %arg10[%dma_wait3A_220, %dma_wait3A_225] : memref<2x128xi32, #tpu.memory_space<vmem>> -> memref<1x128xi32, #tpu.memory_space<vmem>>
        %dma_wait3A_227 = tpu.memref_squeeze %dma_wait3A_226 : memref<1x128xi32, #tpu.memory_space<vmem>> -> memref<128xi32, #tpu.memory_space<vmem>>
        %dma_wait3A_228 = tpu.memref_slice %arg4[%mul3A_219] : memref<160000xi32, #tpu.memory_space<hbm>> -> memref<128xi32, #tpu.memory_space<hbm>>
        tpu.wait_dma2 semaphore(%arg17 : memref<!tpu.dma_semaphore, #tpu.memory_space<semaphore_mem>>) src(%dma_wait3A_228 : memref<128xi32, #tpu.memory_space<hbm>>) dst(%dma_wait3A_227 : memref<128xi32, #tpu.memory_space<vmem>>)
        %dma_wait3A_229 = arith.constant 1 : i32
        %dma_wait3A_230 = arith.constant 0 : i32
        %dma_wait3A_231 = tpu.memref_slice %arg10[%dma_wait3A_229, %dma_wait3A_230] : memref<2x128xi32, #tpu.memory_space<vmem>> -> memref<1x128xi32, #tpu.memory_space<vmem>>
        %dma_wait3A_232 = tpu.memref_squeeze %dma_wait3A_231 : memref<1x128xi32, #tpu.memory_space<vmem>> -> memref<128xi32, #tpu.memory_space<vmem>>
        %dma_wait3A_233 = tpu.memref_slice %arg5[%mul3A_219] : memref<160000xi32, #tpu.memory_space<hbm>> -> memref<128xi32, #tpu.memory_space<hbm>>
        %dma_wait3A_234 = arith.constant 0 : i32
        %dma_wait3A_235 = tpu.memref_slice %arg10[%dma_wait3A_229, %dma_wait3A_234] : memref<2x128xi32, #tpu.memory_space<vmem>> -> memref<1x128xi32, #tpu.memory_space<vmem>>
        %dma_wait3A_236 = tpu.memref_squeeze %dma_wait3A_235 : memref<1x128xi32, #tpu.memory_space<vmem>> -> memref<128xi32, #tpu.memory_space<vmem>>
        %dma_wait3A_237 = tpu.memref_slice %arg5[%mul3A_219] : memref<160000xi32, #tpu.memory_space<hbm>> -> memref<128xi32, #tpu.memory_space<hbm>>
        tpu.wait_dma2 semaphore(%arg17 : memref<!tpu.dma_semaphore, #tpu.memory_space<semaphore_mem>>) src(%dma_wait3A_237 : memref<128xi32, #tpu.memory_space<hbm>>) dst(%dma_wait3A_236 : memref<128xi32, #tpu.memory_space<vmem>>)
        %dma_start3A_238 = arith.constant 0 : i32
        %dma_start3A_239 = arith.constant 0 : i32
        %dma_start3A_240 = tpu.memref_slice %arg10[%dma_start3A_238, %dma_start3A_239] : memref<2x128xi32, #tpu.memory_space<vmem>> -> memref<1x128xi32, #tpu.memory_space<vmem>>
        %dma_start3A_241 = tpu.memref_squeeze %dma_start3A_240 : memref<1x128xi32, #tpu.memory_space<vmem>> -> memref<128xi32, #tpu.memory_space<vmem>>
        %dma_start3A_242 = arith.constant 0 : i32
        %dma_start3A_243 = arith.constant 0 : i32
        %dma_start3A_244 = tpu.memref_slice %arg2[%dma_start3A_242, %dma_start3A_243] : memref<10000x128xf32, #tpu.memory_space<hbm>> -> memref<10000x128xf32, #tpu.memory_space<hbm>>
        tpu.enqueue_indirect_dma source(%dma_start3A_244 : memref<10000x128xf32, #tpu.memory_space<hbm>>) target(%arg12 : memref<128x128xf32, #tpu.memory_space<vmem>>) offsets(%dma_start3A_241 : memref<128xi32, #tpu.memory_space<vmem>>) semaphore(%arg19 : memref<!tpu.dma_semaphore, #tpu.memory_space<semaphore_mem>>)
        %dma_wait3A_245 = arith.constant 0 : i32
        %dma_wait3A_246 = arith.constant 0 : i32
        %dma_wait3A_247 = tpu.memref_slice %arg9[%dma_wait3A_245, %dma_wait3A_246] : memref<2x128xi32, #tpu.memory_space<vmem>> -> memref<1x128xi32, #tpu.memory_space<vmem>>
        %dma_wait3A_248 = tpu.memref_squeeze %dma_wait3A_247 : memref<1x128xi32, #tpu.memory_space<vmem>> -> memref<128xi32, #tpu.memory_space<vmem>>
        %dma_wait3A_249 = arith.constant 0 : i32
        %dma_wait3A_250 = arith.constant 0 : i32
        %dma_wait3A_251 = tpu.memref_slice %arg2[%dma_wait3A_249, %dma_wait3A_250] : memref<10000x128xf32, #tpu.memory_space<hbm>> -> memref<10000x128xf32, #tpu.memory_space<hbm>>
        tpu.wait_indirect_dma semaphore(%arg20 : memref<!tpu.dma_semaphore, #tpu.memory_space<semaphore_mem>>) src(%dma_wait3A_251 : memref<10000x128xf32, #tpu.memory_space<hbm>>) dst(%arg13 : memref<128x128xf32, #tpu.memory_space<vmem>>)
        %run_scoped3A_252 = arith.constant 1 : i32
        "tpu.region"() ({
          %run_scoped3A_416 = tpu.sem_alloc : memref<!tpu.dma_semaphore, #tpu.memory_space<semaphore_mem>>
          %dma_start3A_417 = arith.constant 0 : i32
          %dma_start3A_418 = tpu.memref_slice %arg9[%run_scoped3A_252, %dma_start3A_417] : memref<2x128xi32, #tpu.memory_space<vmem>> -> memref<1x128xi32, #tpu.memory_space<vmem>>
          %dma_start3A_419 = tpu.memref_squeeze %dma_start3A_418 : memref<1x128xi32, #tpu.memory_space<vmem>> -> memref<128xi32, #tpu.memory_space<vmem>>
          %dma_start3A_420 = arith.constant 0 : i32
          %dma_start3A_421 = arith.constant 0 : i32
          %dma_start3A_422 = tpu.memref_slice %arg14[%dma_start3A_420, %dma_start3A_421] : memref<10240x128xf32, #tpu.memory_space<vmem_shared>> -> memref<10240x128xf32, #tpu.memory_space<vmem_shared>>
          tpu.enqueue_indirect_dma source(%arg13 : memref<128x128xf32, #tpu.memory_space<vmem>>) target(%dma_start3A_422 : memref<10240x128xf32, #tpu.memory_space<vmem_shared>>) offsets(%dma_start3A_419 : memref<128xi32, #tpu.memory_space<vmem>>) semaphore(%run_scoped3A_416 : memref<!tpu.dma_semaphore, #tpu.memory_space<semaphore_mem>>) {add = true}
          %dma_wait3A_423 = arith.constant 0 : i32
          %dma_wait3A_424 = tpu.memref_slice %arg9[%run_scoped3A_252, %dma_wait3A_423] : memref<2x128xi32, #tpu.memory_space<vmem>> -> memref<1x128xi32, #tpu.memory_space<vmem>>
          %dma_wait3A_425 = tpu.memref_squeeze %dma_wait3A_424 : memref<1x128xi32, #tpu.memory_space<vmem>> -> memref<128xi32, #tpu.memory_space<vmem>>
          %dma_wait3A_426 = arith.constant 0 : i32
          %dma_wait3A_427 = arith.constant 0 : i32
          %dma_wait3A_428 = tpu.memref_slice %arg14[%dma_wait3A_426, %dma_wait3A_427] : memref<10240x128xf32, #tpu.memory_space<vmem_shared>> -> memref<10240x128xf32, #tpu.memory_space<vmem_shared>>
          tpu.wait_indirect_dma semaphore(%run_scoped3A_416 : memref<!tpu.dma_semaphore, #tpu.memory_space<semaphore_mem>>) src(%arg13 : memref<128x128xf32, #tpu.memory_space<vmem>>) dst(%dma_wait3A_428 : memref<10240x128xf32, #tpu.memory_space<vmem_shared>>)
          tpu.yield
        }) : () -> ()
        %add3A_253 = arith.constant 3 : i32
        %add3A_254 = arith.addi %mul3A_154, %add3A_253 : i32
        %mul3A_255 = arith.constant 16 : i32
        %mul3A_256 = arith.muli %mul3A_255, %add3A_254 : i32
        %add3A_257 = arith.addi %arg1, %mul3A_256 : i32
        %mul3A_258 = arith.constant 128 : i32
        %mul3A_259 = arith.muli %add3A_257, %mul3A_258 : i32
        %dma_wait3A_260 = arith.constant 0 : i32
        %dma_wait3A_261 = arith.constant 0 : i32
        %dma_wait3A_262 = tpu.memref_slice %arg11[%dma_wait3A_260, %dma_wait3A_261] : memref<2x128xi32, #tpu.memory_space<vmem>> -> memref<1x128xi32, #tpu.memory_space<vmem>>
        %dma_wait3A_263 = tpu.memref_squeeze %dma_wait3A_262 : memref<1x128xi32, #tpu.memory_space<vmem>> -> memref<128xi32, #tpu.memory_space<vmem>>
        %dma_wait3A_264 = tpu.memref_slice %arg4[%mul3A_259] : memref<160000xi32, #tpu.memory_space<hbm>> -> memref<128xi32, #tpu.memory_space<hbm>>
        %dma_wait3A_265 = arith.constant 0 : i32
        %dma_wait3A_266 = tpu.memref_slice %arg11[%dma_wait3A_260, %dma_wait3A_265] : memref<2x128xi32, #tpu.memory_space<vmem>> -> memref<1x128xi32, #tpu.memory_space<vmem>>
        %dma_wait3A_267 = tpu.memref_squeeze %dma_wait3A_266 : memref<1x128xi32, #tpu.memory_space<vmem>> -> memref<128xi32, #tpu.memory_space<vmem>>
        %dma_wait3A_268 = tpu.memref_slice %arg4[%mul3A_259] : memref<160000xi32, #tpu.memory_space<hbm>> -> memref<128xi32, #tpu.memory_space<hbm>>
        tpu.wait_dma2 semaphore(%arg18 : memref<!tpu.dma_semaphore, #tpu.memory_space<semaphore_mem>>) src(%dma_wait3A_268 : memref<128xi32, #tpu.memory_space<hbm>>) dst(%dma_wait3A_267 : memref<128xi32, #tpu.memory_space<vmem>>)
        %dma_wait3A_269 = arith.constant 1 : i32
        %dma_wait3A_270 = arith.constant 0 : i32
        %dma_wait3A_271 = tpu.memref_slice %arg11[%dma_wait3A_269, %dma_wait3A_270] : memref<2x128xi32, #tpu.memory_space<vmem>> -> memref<1x128xi32, #tpu.memory_space<vmem>>
        %dma_wait3A_272 = tpu.memref_squeeze %dma_wait3A_271 : memref<1x128xi32, #tpu.memory_space<vmem>> -> memref<128xi32, #tpu.memory_space<vmem>>
        %dma_wait3A_273 = tpu.memref_slice %arg5[%mul3A_259] : memref<160000xi32, #tpu.memory_space<hbm>> -> memref<128xi32, #tpu.memory_space<hbm>>
        %dma_wait3A_274 = arith.constant 0 : i32
        %dma_wait3A_275 = tpu.memref_slice %arg11[%dma_wait3A_269, %dma_wait3A_274] : memref<2x128xi32, #tpu.memory_space<vmem>> -> memref<1x128xi32, #tpu.memory_space<vmem>>
        %dma_wait3A_276 = tpu.memref_squeeze %dma_wait3A_275 : memref<1x128xi32, #tpu.memory_space<vmem>> -> memref<128xi32, #tpu.memory_space<vmem>>
        %dma_wait3A_277 = tpu.memref_slice %arg5[%mul3A_259] : memref<160000xi32, #tpu.memory_space<hbm>> -> memref<128xi32, #tpu.memory_space<hbm>>
        tpu.wait_dma2 semaphore(%arg18 : memref<!tpu.dma_semaphore, #tpu.memory_space<semaphore_mem>>) src(%dma_wait3A_277 : memref<128xi32, #tpu.memory_space<hbm>>) dst(%dma_wait3A_276 : memref<128xi32, #tpu.memory_space<vmem>>)
        %dma_start3A_278 = arith.constant 0 : i32
        %dma_start3A_279 = arith.constant 0 : i32
        %dma_start3A_280 = tpu.memref_slice %arg11[%dma_start3A_278, %dma_start3A_279] : memref<2x128xi32, #tpu.memory_space<vmem>> -> memref<1x128xi32, #tpu.memory_space<vmem>>
        %dma_start3A_281 = tpu.memref_squeeze %dma_start3A_280 : memref<1x128xi32, #tpu.memory_space<vmem>> -> memref<128xi32, #tpu.memory_space<vmem>>
        %dma_start3A_282 = arith.constant 0 : i32
        %dma_start3A_283 = arith.constant 0 : i32
        %dma_start3A_284 = tpu.memref_slice %arg2[%dma_start3A_282, %dma_start3A_283] : memref<10000x128xf32, #tpu.memory_space<hbm>> -> memref<10000x128xf32, #tpu.memory_space<hbm>>
        tpu.enqueue_indirect_dma source(%dma_start3A_284 : memref<10000x128xf32, #tpu.memory_space<hbm>>) target(%arg13 : memref<128x128xf32, #tpu.memory_space<vmem>>) offsets(%dma_start3A_281 : memref<128xi32, #tpu.memory_space<vmem>>) semaphore(%arg20 : memref<!tpu.dma_semaphore, #tpu.memory_space<semaphore_mem>>)
        %add3A_285 = arith.constant 4 : i32
        %add3A_286 = arith.addi %mul3A_154, %add3A_285 : i32
        %mul3A_287 = arith.constant 16 : i32
        %mul3A_288 = arith.muli %mul3A_287, %add3A_286 : i32
        %add3A_289 = arith.addi %arg1, %mul3A_288 : i32
        %mul3A_290 = arith.constant 128 : i32
        %mul3A_291 = arith.muli %add3A_289, %mul3A_290 : i32
        %dma_start3A_292 = arith.constant 0 : i32
        %dma_start3A_293 = arith.constant 0 : i32
        %dma_start3A_294 = tpu.memref_slice %arg8[%dma_start3A_292, %dma_start3A_293] : memref<2x128xi32, #tpu.memory_space<vmem>> -> memref<1x128xi32, #tpu.memory_space<vmem>>
        %dma_start3A_295 = tpu.memref_squeeze %dma_start3A_294 : memref<1x128xi32, #tpu.memory_space<vmem>> -> memref<128xi32, #tpu.memory_space<vmem>>
        %dma_start3A_296 = tpu.memref_slice %arg4[%mul3A_291] : memref<160000xi32, #tpu.memory_space<hbm>> -> memref<128xi32, #tpu.memory_space<hbm>>
        %dma_start3A_297 = arith.constant 0 : i32
        %dma_start3A_298 = tpu.memref_slice %arg8[%dma_start3A_292, %dma_start3A_297] : memref<2x128xi32, #tpu.memory_space<vmem>> -> memref<1x128xi32, #tpu.memory_space<vmem>>
        %dma_start3A_299 = tpu.memref_squeeze %dma_start3A_298 : memref<1x128xi32, #tpu.memory_space<vmem>> -> memref<128xi32, #tpu.memory_space<vmem>>
        %dma_start3A_300 = tpu.memref_slice %arg4[%mul3A_291] : memref<160000xi32, #tpu.memory_space<hbm>> -> memref<128xi32, #tpu.memory_space<hbm>>
        tpu.enqueue_dma source(%dma_start3A_300 : memref<128xi32, #tpu.memory_space<hbm>>) target(%dma_start3A_299 : memref<128xi32, #tpu.memory_space<vmem>>) target_semaphore(%arg15 : memref<!tpu.dma_semaphore, #tpu.memory_space<semaphore_mem>>)
        %dma_start3A_301 = arith.constant 1 : i32
        %dma_start3A_302 = arith.constant 0 : i32
        %dma_start3A_303 = tpu.memref_slice %arg8[%dma_start3A_301, %dma_start3A_302] : memref<2x128xi32, #tpu.memory_space<vmem>> -> memref<1x128xi32, #tpu.memory_space<vmem>>
        %dma_start3A_304 = tpu.memref_squeeze %dma_start3A_303 : memref<1x128xi32, #tpu.memory_space<vmem>> -> memref<128xi32, #tpu.memory_space<vmem>>
        %dma_start3A_305 = tpu.memref_slice %arg5[%mul3A_291] : memref<160000xi32, #tpu.memory_space<hbm>> -> memref<128xi32, #tpu.memory_space<hbm>>
        %dma_start3A_306 = arith.constant 0 : i32
        %dma_start3A_307 = tpu.memref_slice %arg8[%dma_start3A_301, %dma_start3A_306] : memref<2x128xi32, #tpu.memory_space<vmem>> -> memref<1x128xi32, #tpu.memory_space<vmem>>
        %dma_start3A_308 = tpu.memref_squeeze %dma_start3A_307 : memref<1x128xi32, #tpu.memory_space<vmem>> -> memref<128xi32, #tpu.memory_space<vmem>>
        %dma_start3A_309 = tpu.memref_slice %arg5[%mul3A_291] : memref<160000xi32, #tpu.memory_space<hbm>> -> memref<128xi32, #tpu.memory_space<hbm>>
        tpu.enqueue_dma source(%dma_start3A_309 : memref<128xi32, #tpu.memory_space<hbm>>) target(%dma_start3A_308 : memref<128xi32, #tpu.memory_space<vmem>>) target_semaphore(%arg15 : memref<!tpu.dma_semaphore, #tpu.memory_space<semaphore_mem>>)
        %add3A_310 = arith.constant 5 : i32
        %add3A_311 = arith.addi %mul3A_154, %add3A_310 : i32
        %mul3A_312 = arith.constant 16 : i32
        %mul3A_313 = arith.muli %mul3A_312, %add3A_311 : i32
        %add3A_314 = arith.addi %arg1, %mul3A_313 : i32
        %mul3A_315 = arith.constant 128 : i32
        %mul3A_316 = arith.muli %add3A_314, %mul3A_315 : i32
        %dma_start3A_317 = arith.constant 0 : i32
        %dma_start3A_318 = arith.constant 0 : i32
        %dma_start3A_319 = tpu.memref_slice %arg9[%dma_start3A_317, %dma_start3A_318] : memref<2x128xi32, #tpu.memory_space<vmem>> -> memref<1x128xi32, #tpu.memory_space<vmem>>
        %dma_start3A_320 = tpu.memref_squeeze %dma_start3A_319 : memref<1x128xi32, #tpu.memory_space<vmem>> -> memref<128xi32, #tpu.memory_space<vmem>>
        %dma_start3A_321 = tpu.memref_slice %arg4[%mul3A_316] : memref<160000xi32, #tpu.memory_space<hbm>> -> memref<128xi32, #tpu.memory_space<hbm>>
        %dma_start3A_322 = arith.constant 0 : i32
        %dma_start3A_323 = tpu.memref_slice %arg9[%dma_start3A_317, %dma_start3A_322] : memref<2x128xi32, #tpu.memory_space<vmem>> -> memref<1x128xi32, #tpu.memory_space<vmem>>
        %dma_start3A_324 = tpu.memref_squeeze %dma_start3A_323 : memref<1x128xi32, #tpu.memory_space<vmem>> -> memref<128xi32, #tpu.memory_space<vmem>>
        %dma_start3A_325 = tpu.memref_slice %arg4[%mul3A_316] : memref<160000xi32, #tpu.memory_space<hbm>> -> memref<128xi32, #tpu.memory_space<hbm>>
        tpu.enqueue_dma source(%dma_start3A_325 : memref<128xi32, #tpu.memory_space<hbm>>) target(%dma_start3A_324 : memref<128xi32, #tpu.memory_space<vmem>>) target_semaphore(%arg16 : memref<!tpu.dma_semaphore, #tpu.memory_space<semaphore_mem>>)
        %dma_start3A_326 = arith.constant 1 : i32
        %dma_start3A_327 = arith.constant 0 : i32
        %dma_start3A_328 = tpu.memref_slice %arg9[%dma_start3A_326, %dma_start3A_327] : memref<2x128xi32, #tpu.memory_space<vmem>> -> memref<1x128xi32, #tpu.memory_space<vmem>>
        %dma_start3A_329 = tpu.memref_squeeze %dma_start3A_328 : memref<1x128xi32, #tpu.memory_space<vmem>> -> memref<128xi32, #tpu.memory_space<vmem>>
        %dma_start3A_330 = tpu.memref_slice %arg5[%mul3A_316] : memref<160000xi32, #tpu.memory_space<hbm>> -> memref<128xi32, #tpu.memory_space<hbm>>
        %dma_start3A_331 = arith.constant 0 : i32
        %dma_start3A_332 = tpu.memref_slice %arg9[%dma_start3A_326, %dma_start3A_331] : memref<2x128xi32, #tpu.memory_space<vmem>> -> memref<1x128xi32, #tpu.memory_space<vmem>>
        %dma_start3A_333 = tpu.memref_squeeze %dma_start3A_332 : memref<1x128xi32, #tpu.memory_space<vmem>> -> memref<128xi32, #tpu.memory_space<vmem>>
        %dma_start3A_334 = tpu.memref_slice %arg5[%mul3A_316] : memref<160000xi32, #tpu.memory_space<hbm>> -> memref<128xi32, #tpu.memory_space<hbm>>
        tpu.enqueue_dma source(%dma_start3A_334 : memref<128xi32, #tpu.memory_space<hbm>>) target(%dma_start3A_333 : memref<128xi32, #tpu.memory_space<vmem>>) target_semaphore(%arg16 : memref<!tpu.dma_semaphore, #tpu.memory_space<semaphore_mem>>)
        %dma_wait3A_335 = arith.constant 0 : i32
        %dma_wait3A_336 = arith.constant 0 : i32
        %dma_wait3A_337 = tpu.memref_slice %arg10[%dma_wait3A_335, %dma_wait3A_336] : memref<2x128xi32, #tpu.memory_space<vmem>> -> memref<1x128xi32, #tpu.memory_space<vmem>>
        %dma_wait3A_338 = tpu.memref_squeeze %dma_wait3A_337 : memref<1x128xi32, #tpu.memory_space<vmem>> -> memref<128xi32, #tpu.memory_space<vmem>>
        %dma_wait3A_339 = arith.constant 0 : i32
        %dma_wait3A_340 = arith.constant 0 : i32
        %dma_wait3A_341 = tpu.memref_slice %arg2[%dma_wait3A_339, %dma_wait3A_340] : memref<10000x128xf32, #tpu.memory_space<hbm>> -> memref<10000x128xf32, #tpu.memory_space<hbm>>
        tpu.wait_indirect_dma semaphore(%arg19 : memref<!tpu.dma_semaphore, #tpu.memory_space<semaphore_mem>>) src(%dma_wait3A_341 : memref<10000x128xf32, #tpu.memory_space<hbm>>) dst(%arg12 : memref<128x128xf32, #tpu.memory_space<vmem>>)
        %run_scoped3A_342 = arith.constant 1 : i32
        "tpu.region"() ({
          %run_scoped3A_416 = tpu.sem_alloc : memref<!tpu.dma_semaphore, #tpu.memory_space<semaphore_mem>>
          %dma_start3A_417 = arith.constant 0 : i32
          %dma_start3A_418 = tpu.memref_slice %arg10[%run_scoped3A_342, %dma_start3A_417] : memref<2x128xi32, #tpu.memory_space<vmem>> -> memref<1x128xi32, #tpu.memory_space<vmem>>
          %dma_start3A_419 = tpu.memref_squeeze %dma_start3A_418 : memref<1x128xi32, #tpu.memory_space<vmem>> -> memref<128xi32, #tpu.memory_space<vmem>>
          %dma_start3A_420 = arith.constant 0 : i32
          %dma_start3A_421 = arith.constant 0 : i32
          %dma_start3A_422 = tpu.memref_slice %arg14[%dma_start3A_420, %dma_start3A_421] : memref<10240x128xf32, #tpu.memory_space<vmem_shared>> -> memref<10240x128xf32, #tpu.memory_space<vmem_shared>>
          tpu.enqueue_indirect_dma source(%arg12 : memref<128x128xf32, #tpu.memory_space<vmem>>) target(%dma_start3A_422 : memref<10240x128xf32, #tpu.memory_space<vmem_shared>>) offsets(%dma_start3A_419 : memref<128xi32, #tpu.memory_space<vmem>>) semaphore(%run_scoped3A_416 : memref<!tpu.dma_semaphore, #tpu.memory_space<semaphore_mem>>) {add = true}
          %dma_wait3A_423 = arith.constant 0 : i32
          %dma_wait3A_424 = tpu.memref_slice %arg10[%run_scoped3A_342, %dma_wait3A_423] : memref<2x128xi32, #tpu.memory_space<vmem>> -> memref<1x128xi32, #tpu.memory_space<vmem>>
          %dma_wait3A_425 = tpu.memref_squeeze %dma_wait3A_424 : memref<1x128xi32, #tpu.memory_space<vmem>> -> memref<128xi32, #tpu.memory_space<vmem>>
          %dma_wait3A_426 = arith.constant 0 : i32
          %dma_wait3A_427 = arith.constant 0 : i32
          %dma_wait3A_428 = tpu.memref_slice %arg14[%dma_wait3A_426, %dma_wait3A_427] : memref<10240x128xf32, #tpu.memory_space<vmem_shared>> -> memref<10240x128xf32, #tpu.memory_space<vmem_shared>>
          tpu.wait_indirect_dma semaphore(%run_scoped3A_416 : memref<!tpu.dma_semaphore, #tpu.memory_space<semaphore_mem>>) src(%arg12 : memref<128x128xf32, #tpu.memory_space<vmem>>) dst(%dma_wait3A_428 : memref<10240x128xf32, #tpu.memory_space<vmem_shared>>)
          tpu.yield
        }) : () -> ()
        %add3A_343 = arith.constant 4 : i32
        %add3A_344 = arith.addi %mul3A_154, %add3A_343 : i32
        %mul3A_345 = arith.constant 16 : i32
        %mul3A_346 = arith.muli %mul3A_345, %add3A_344 : i32
        %add3A_347 = arith.addi %arg1, %mul3A_346 : i32
        %mul3A_348 = arith.constant 128 : i32
        %mul3A_349 = arith.muli %add3A_347, %mul3A_348 : i32
        %dma_wait3A_350 = arith.constant 0 : i32
        %dma_wait3A_351 = arith.constant 0 : i32
        %dma_wait3A_352 = tpu.memref_slice %arg8[%dma_wait3A_350, %dma_wait3A_351] : memref<2x128xi32, #tpu.memory_space<vmem>> -> memref<1x128xi32, #tpu.memory_space<vmem>>
        %dma_wait3A_353 = tpu.memref_squeeze %dma_wait3A_352 : memref<1x128xi32, #tpu.memory_space<vmem>> -> memref<128xi32, #tpu.memory_space<vmem>>
        %dma_wait3A_354 = tpu.memref_slice %arg4[%mul3A_349] : memref<160000xi32, #tpu.memory_space<hbm>> -> memref<128xi32, #tpu.memory_space<hbm>>
        %dma_wait3A_355 = arith.constant 0 : i32
        %dma_wait3A_356 = tpu.memref_slice %arg8[%dma_wait3A_350, %dma_wait3A_355] : memref<2x128xi32, #tpu.memory_space<vmem>> -> memref<1x128xi32, #tpu.memory_space<vmem>>
        %dma_wait3A_357 = tpu.memref_squeeze %dma_wait3A_356 : memref<1x128xi32, #tpu.memory_space<vmem>> -> memref<128xi32, #tpu.memory_space<vmem>>
        %dma_wait3A_358 = tpu.memref_slice %arg4[%mul3A_349] : memref<160000xi32, #tpu.memory_space<hbm>> -> memref<128xi32, #tpu.memory_space<hbm>>
        tpu.wait_dma2 semaphore(%arg15 : memref<!tpu.dma_semaphore, #tpu.memory_space<semaphore_mem>>) src(%dma_wait3A_358 : memref<128xi32, #tpu.memory_space<hbm>>) dst(%dma_wait3A_357 : memref<128xi32, #tpu.memory_space<vmem>>)
        %dma_wait3A_359 = arith.constant 1 : i32
        %dma_wait3A_360 = arith.constant 0 : i32
        %dma_wait3A_361 = tpu.memref_slice %arg8[%dma_wait3A_359, %dma_wait3A_360] : memref<2x128xi32, #tpu.memory_space<vmem>> -> memref<1x128xi32, #tpu.memory_space<vmem>>
        %dma_wait3A_362 = tpu.memref_squeeze %dma_wait3A_361 : memref<1x128xi32, #tpu.memory_space<vmem>> -> memref<128xi32, #tpu.memory_space<vmem>>
        %dma_wait3A_363 = tpu.memref_slice %arg5[%mul3A_349] : memref<160000xi32, #tpu.memory_space<hbm>> -> memref<128xi32, #tpu.memory_space<hbm>>
        %dma_wait3A_364 = arith.constant 0 : i32
        %dma_wait3A_365 = tpu.memref_slice %arg8[%dma_wait3A_359, %dma_wait3A_364] : memref<2x128xi32, #tpu.memory_space<vmem>> -> memref<1x128xi32, #tpu.memory_space<vmem>>
        %dma_wait3A_366 = tpu.memref_squeeze %dma_wait3A_365 : memref<1x128xi32, #tpu.memory_space<vmem>> -> memref<128xi32, #tpu.memory_space<vmem>>
        %dma_wait3A_367 = tpu.memref_slice %arg5[%mul3A_349] : memref<160000xi32, #tpu.memory_space<hbm>> -> memref<128xi32, #tpu.memory_space<hbm>>
        tpu.wait_dma2 semaphore(%arg15 : memref<!tpu.dma_semaphore, #tpu.memory_space<semaphore_mem>>) src(%dma_wait3A_367 : memref<128xi32, #tpu.memory_space<hbm>>) dst(%dma_wait3A_366 : memref<128xi32, #tpu.memory_space<vmem>>)
        %dma_start3A_368 = arith.constant 0 : i32
        %dma_start3A_369 = arith.constant 0 : i32
        %dma_start3A_370 = tpu.memref_slice %arg8[%dma_start3A_368, %dma_start3A_369] : memref<2x128xi32, #tpu.memory_space<vmem>> -> memref<1x128xi32, #tpu.memory_space<vmem>>
        %dma_start3A_371 = tpu.memref_squeeze %dma_start3A_370 : memref<1x128xi32, #tpu.memory_space<vmem>> -> memref<128xi32, #tpu.memory_space<vmem>>
        %dma_start3A_372 = arith.constant 0 : i32
        %dma_start3A_373 = arith.constant 0 : i32
        %dma_start3A_374 = tpu.memref_slice %arg2[%dma_start3A_372, %dma_start3A_373] : memref<10000x128xf32, #tpu.memory_space<hbm>> -> memref<10000x128xf32, #tpu.memory_space<hbm>>
        tpu.enqueue_indirect_dma source(%dma_start3A_374 : memref<10000x128xf32, #tpu.memory_space<hbm>>) target(%arg12 : memref<128x128xf32, #tpu.memory_space<vmem>>) offsets(%dma_start3A_371 : memref<128xi32, #tpu.memory_space<vmem>>) semaphore(%arg19 : memref<!tpu.dma_semaphore, #tpu.memory_space<semaphore_mem>>)
        %dma_wait3A_375 = arith.constant 0 : i32
        %dma_wait3A_376 = arith.constant 0 : i32
        %dma_wait3A_377 = tpu.memref_slice %arg11[%dma_wait3A_375, %dma_wait3A_376] : memref<2x128xi32, #tpu.memory_space<vmem>> -> memref<1x128xi32, #tpu.memory_space<vmem>>
        %dma_wait3A_378 = tpu.memref_squeeze %dma_wait3A_377 : memref<1x128xi32, #tpu.memory_space<vmem>> -> memref<128xi32, #tpu.memory_space<vmem>>
        %dma_wait3A_379 = arith.constant 0 : i32
        %dma_wait3A_380 = arith.constant 0 : i32
        %dma_wait3A_381 = tpu.memref_slice %arg2[%dma_wait3A_379, %dma_wait3A_380] : memref<10000x128xf32, #tpu.memory_space<hbm>> -> memref<10000x128xf32, #tpu.memory_space<hbm>>
        tpu.wait_indirect_dma semaphore(%arg20 : memref<!tpu.dma_semaphore, #tpu.memory_space<semaphore_mem>>) src(%dma_wait3A_381 : memref<10000x128xf32, #tpu.memory_space<hbm>>) dst(%arg13 : memref<128x128xf32, #tpu.memory_space<vmem>>)
        %run_scoped3A_382 = arith.constant 1 : i32
        "tpu.region"() ({
          %run_scoped3A_416 = tpu.sem_alloc : memref<!tpu.dma_semaphore, #tpu.memory_space<semaphore_mem>>
          %dma_start3A_417 = arith.constant 0 : i32
          %dma_start3A_418 = tpu.memref_slice %arg11[%run_scoped3A_382, %dma_start3A_417] : memref<2x128xi32, #tpu.memory_space<vmem>> -> memref<1x128xi32, #tpu.memory_space<vmem>>
          %dma_start3A_419 = tpu.memref_squeeze %dma_start3A_418 : memref<1x128xi32, #tpu.memory_space<vmem>> -> memref<128xi32, #tpu.memory_space<vmem>>
          %dma_start3A_420 = arith.constant 0 : i32
          %dma_start3A_421 = arith.constant 0 : i32
          %dma_start3A_422 = tpu.memref_slice %arg14[%dma_start3A_420, %dma_start3A_421] : memref<10240x128xf32, #tpu.memory_space<vmem_shared>> -> memref<10240x128xf32, #tpu.memory_space<vmem_shared>>
          tpu.enqueue_indirect_dma source(%arg13 : memref<128x128xf32, #tpu.memory_space<vmem>>) target(%dma_start3A_422 : memref<10240x128xf32, #tpu.memory_space<vmem_shared>>) offsets(%dma_start3A_419 : memref<128xi32, #tpu.memory_space<vmem>>) semaphore(%run_scoped3A_416 : memref<!tpu.dma_semaphore, #tpu.memory_space<semaphore_mem>>) {add = true}
          %dma_wait3A_423 = arith.constant 0 : i32
          %dma_wait3A_424 = tpu.memref_slice %arg11[%run_scoped3A_382, %dma_wait3A_423] : memref<2x128xi32, #tpu.memory_space<vmem>> -> memref<1x128xi32, #tpu.memory_space<vmem>>
          %dma_wait3A_425 = tpu.memref_squeeze %dma_wait3A_424 : memref<1x128xi32, #tpu.memory_space<vmem>> -> memref<128xi32, #tpu.memory_space<vmem>>
          %dma_wait3A_426 = arith.constant 0 : i32
          %dma_wait3A_427 = arith.constant 0 : i32
          %dma_wait3A_428 = tpu.memref_slice %arg14[%dma_wait3A_426, %dma_wait3A_427] : memref<10240x128xf32, #tpu.memory_space<vmem_shared>> -> memref<10240x128xf32, #tpu.memory_space<vmem_shared>>
          tpu.wait_indirect_dma semaphore(%run_scoped3A_416 : memref<!tpu.dma_semaphore, #tpu.memory_space<semaphore_mem>>) src(%arg13 : memref<128x128xf32, #tpu.memory_space<vmem>>) dst(%dma_wait3A_428 : memref<10240x128xf32, #tpu.memory_space<vmem_shared>>)
          tpu.yield
        }) : () -> ()
        %add3A_383 = arith.constant 5 : i32
        %add3A_384 = arith.addi %mul3A_154, %add3A_383 : i32
        %mul3A_385 = arith.constant 16 : i32
        %mul3A_386 = arith.muli %mul3A_385, %add3A_384 : i32
        %add3A_387 = arith.addi %arg1, %mul3A_386 : i32
        %mul3A_388 = arith.constant 128 : i32
        %mul3A_389 = arith.muli %add3A_387, %mul3A_388 : i32
        %dma_wait3A_390 = arith.constant 0 : i32
        %dma_wait3A_391 = arith.constant 0 : i32
        %dma_wait3A_392 = tpu.memref_slice %arg9[%dma_wait3A_390, %dma_wait3A_391] : memref<2x128xi32, #tpu.memory_space<vmem>> -> memref<1x128xi32, #tpu.memory_space<vmem>>
        %dma_wait3A_393 = tpu.memref_squeeze %dma_wait3A_392 : memref<1x128xi32, #tpu.memory_space<vmem>> -> memref<128xi32, #tpu.memory_space<vmem>>
        %dma_wait3A_394 = tpu.memref_slice %arg4[%mul3A_389] : memref<160000xi32, #tpu.memory_space<hbm>> -> memref<128xi32, #tpu.memory_space<hbm>>
        %dma_wait3A_395 = arith.constant 0 : i32
        %dma_wait3A_396 = tpu.memref_slice %arg9[%dma_wait3A_390, %dma_wait3A_395] : memref<2x128xi32, #tpu.memory_space<vmem>> -> memref<1x128xi32, #tpu.memory_space<vmem>>
        %dma_wait3A_397 = tpu.memref_squeeze %dma_wait3A_396 : memref<1x128xi32, #tpu.memory_space<vmem>> -> memref<128xi32, #tpu.memory_space<vmem>>
        %dma_wait3A_398 = tpu.memref_slice %arg4[%mul3A_389] : memref<160000xi32, #tpu.memory_space<hbm>> -> memref<128xi32, #tpu.memory_space<hbm>>
        tpu.wait_dma2 semaphore(%arg16 : memref<!tpu.dma_semaphore, #tpu.memory_space<semaphore_mem>>) src(%dma_wait3A_398 : memref<128xi32, #tpu.memory_space<hbm>>) dst(%dma_wait3A_397 : memref<128xi32, #tpu.memory_space<vmem>>)
        %dma_wait3A_399 = arith.constant 1 : i32
        %dma_wait3A_400 = arith.constant 0 : i32
        %dma_wait3A_401 = tpu.memref_slice %arg9[%dma_wait3A_399, %dma_wait3A_400] : memref<2x128xi32, #tpu.memory_space<vmem>> -> memref<1x128xi32, #tpu.memory_space<vmem>>
        %dma_wait3A_402 = tpu.memref_squeeze %dma_wait3A_401 : memref<1x128xi32, #tpu.memory_space<vmem>> -> memref<128xi32, #tpu.memory_space<vmem>>
        %dma_wait3A_403 = tpu.memref_slice %arg5[%mul3A_389] : memref<160000xi32, #tpu.memory_space<hbm>> -> memref<128xi32, #tpu.memory_space<hbm>>
        %dma_wait3A_404 = arith.constant 0 : i32
        %dma_wait3A_405 = tpu.memref_slice %arg9[%dma_wait3A_399, %dma_wait3A_404] : memref<2x128xi32, #tpu.memory_space<vmem>> -> memref<1x128xi32, #tpu.memory_space<vmem>>
        %dma_wait3A_406 = tpu.memref_squeeze %dma_wait3A_405 : memref<1x128xi32, #tpu.memory_space<vmem>> -> memref<128xi32, #tpu.memory_space<vmem>>
        %dma_wait3A_407 = tpu.memref_slice %arg5[%mul3A_389] : memref<160000xi32, #tpu.memory_space<hbm>> -> memref<128xi32, #tpu.memory_space<hbm>>
        tpu.wait_dma2 semaphore(%arg16 : memref<!tpu.dma_semaphore, #tpu.memory_space<semaphore_mem>>) src(%dma_wait3A_407 : memref<128xi32, #tpu.memory_space<hbm>>) dst(%dma_wait3A_406 : memref<128xi32, #tpu.memory_space<vmem>>)
        %dma_start3A_408 = arith.constant 0 : i32
        %dma_start3A_409 = arith.constant 0 : i32
        %dma_start3A_410 = tpu.memref_slice %arg9[%dma_start3A_408, %dma_start3A_409] : memref<2x128xi32, #tpu.memory_space<vmem>> -> memref<1x128xi32, #tpu.memory_space<vmem>>
        %dma_start3A_411 = tpu.memref_squeeze %dma_start3A_410 : memref<1x128xi32, #tpu.memory_space<vmem>> -> memref<128xi32, #tpu.memory_space<vmem>>
        %dma_start3A_412 = arith.constant 0 : i32
        %dma_start3A_413 = arith.constant 0 : i32
        %dma_start3A_414 = tpu.memref_slice %arg2[%dma_start3A_412, %dma_start3A_413] : memref<10000x128xf32, #tpu.memory_space<hbm>> -> memref<10000x128xf32, #tpu.memory_space<hbm>>
        tpu.enqueue_indirect_dma source(%dma_start3A_414 : memref<10000x128xf32, #tpu.memory_space<hbm>>) target(%arg13 : memref<128x128xf32, #tpu.memory_space<vmem>>) offsets(%dma_start3A_411 : memref<128xi32, #tpu.memory_space<vmem>>) semaphore(%arg20 : memref<!tpu.dma_semaphore, #tpu.memory_space<semaphore_mem>>)
        %scan3A_415 = arith.constant 0 : i32
        scf.yield %scan3A_415 : i32
      }
      %scan3A_131 = arith.constant 19 : i32
      %dma_wait3A_132 = arith.constant 0 : i32
      %dma_wait3A_133 = arith.constant 0 : i32
      %dma_wait3A_134 = tpu.memref_slice %arg8[%dma_wait3A_132, %dma_wait3A_133] : memref<2x128xi32, #tpu.memory_space<vmem>> -> memref<1x128xi32, #tpu.memory_space<vmem>>
      %dma_wait3A_135 = tpu.memref_squeeze %dma_wait3A_134 : memref<1x128xi32, #tpu.memory_space<vmem>> -> memref<128xi32, #tpu.memory_space<vmem>>
      %dma_wait3A_136 = arith.constant 0 : i32
      %dma_wait3A_137 = arith.constant 0 : i32
      %dma_wait3A_138 = tpu.memref_slice %arg2[%dma_wait3A_136, %dma_wait3A_137] : memref<10000x128xf32, #tpu.memory_space<hbm>> -> memref<10000x128xf32, #tpu.memory_space<hbm>>
      tpu.wait_indirect_dma semaphore(%arg19 : memref<!tpu.dma_semaphore, #tpu.memory_space<semaphore_mem>>) src(%dma_wait3A_138 : memref<10000x128xf32, #tpu.memory_space<hbm>>) dst(%arg12 : memref<128x128xf32, #tpu.memory_space<vmem>>)
      %run_scoped3A = arith.constant 1 : i32
      "tpu.region"() ({
        %run_scoped3A_151 = tpu.sem_alloc : memref<!tpu.dma_semaphore, #tpu.memory_space<semaphore_mem>>
        %dma_start3A_152 = arith.constant 0 : i32
        %dma_start3A_153 = tpu.memref_slice %arg8[%run_scoped3A, %dma_start3A_152] : memref<2x128xi32, #tpu.memory_space<vmem>> -> memref<1x128xi32, #tpu.memory_space<vmem>>
        %dma_start3A_154 = tpu.memref_squeeze %dma_start3A_153 : memref<1x128xi32, #tpu.memory_space<vmem>> -> memref<128xi32, #tpu.memory_space<vmem>>
        %dma_start3A_155 = arith.constant 0 : i32
        %dma_start3A_156 = arith.constant 0 : i32
        %dma_start3A_157 = tpu.memref_slice %arg14[%dma_start3A_155, %dma_start3A_156] : memref<10240x128xf32, #tpu.memory_space<vmem_shared>> -> memref<10240x128xf32, #tpu.memory_space<vmem_shared>>
        tpu.enqueue_indirect_dma source(%arg12 : memref<128x128xf32, #tpu.memory_space<vmem>>) target(%dma_start3A_157 : memref<10240x128xf32, #tpu.memory_space<vmem_shared>>) offsets(%dma_start3A_154 : memref<128xi32, #tpu.memory_space<vmem>>) semaphore(%run_scoped3A_151 : memref<!tpu.dma_semaphore, #tpu.memory_space<semaphore_mem>>) {add = true}
        %dma_wait3A_158 = arith.constant 0 : i32
        %dma_wait3A_159 = tpu.memref_slice %arg8[%run_scoped3A, %dma_wait3A_158] : memref<2x128xi32, #tpu.memory_space<vmem>> -> memref<1x128xi32, #tpu.memory_space<vmem>>
        %dma_wait3A_160 = tpu.memref_squeeze %dma_wait3A_159 : memref<1x128xi32, #tpu.memory_space<vmem>> -> memref<128xi32, #tpu.memory_space<vmem>>
        %dma_wait3A_161 = arith.constant 0 : i32
        %dma_wait3A_162 = arith.constant 0 : i32
        %dma_wait3A_163 = tpu.memref_slice %arg14[%dma_wait3A_161, %dma_wait3A_162] : memref<10240x128xf32, #tpu.memory_space<vmem_shared>> -> memref<10240x128xf32, #tpu.memory_space<vmem_shared>>
        tpu.wait_indirect_dma semaphore(%run_scoped3A_151 : memref<!tpu.dma_semaphore, #tpu.memory_space<semaphore_mem>>) src(%arg12 : memref<128x128xf32, #tpu.memory_space<vmem>>) dst(%dma_wait3A_163 : memref<10240x128xf32, #tpu.memory_space<vmem_shared>>)
        tpu.yield
      }) : () -> ()
      %dma_wait3A_139 = arith.constant 0 : i32
      %dma_wait3A_140 = arith.constant 0 : i32
      %dma_wait3A_141 = tpu.memref_slice %arg9[%dma_wait3A_139, %dma_wait3A_140] : memref<2x128xi32, #tpu.memory_space<vmem>> -> memref<1x128xi32, #tpu.memory_space<vmem>>
      %dma_wait3A_142 = tpu.memref_squeeze %dma_wait3A_141 : memref<1x128xi32, #tpu.memory_space<vmem>> -> memref<128xi32, #tpu.memory_space<vmem>>
      %dma_wait3A_143 = arith.constant 0 : i32
      %dma_wait3A_144 = arith.constant 0 : i32
      %dma_wait3A_145 = tpu.memref_slice %arg2[%dma_wait3A_143, %dma_wait3A_144] : memref<10000x128xf32, #tpu.memory_space<hbm>> -> memref<10000x128xf32, #tpu.memory_space<hbm>>
      tpu.wait_indirect_dma semaphore(%arg20 : memref<!tpu.dma_semaphore, #tpu.memory_space<semaphore_mem>>) src(%dma_wait3A_145 : memref<10000x128xf32, #tpu.memory_space<hbm>>) dst(%arg13 : memref<128x128xf32, #tpu.memory_space<vmem>>)
      %run_scoped3A_146 = arith.constant 1 : i32
      "tpu.region"() ({
        %run_scoped3A_151 = tpu.sem_alloc : memref<!tpu.dma_semaphore, #tpu.memory_space<semaphore_mem>>
        %dma_start3A_152 = arith.constant 0 : i32
        %dma_start3A_153 = tpu.memref_slice %arg9[%run_scoped3A_146, %dma_start3A_152] : memref<2x128xi32, #tpu.memory_space<vmem>> -> memref<1x128xi32, #tpu.memory_space<vmem>>
        %dma_start3A_154 = tpu.memref_squeeze %dma_start3A_153 : memref<1x128xi32, #tpu.memory_space<vmem>> -> memref<128xi32, #tpu.memory_space<vmem>>
        %dma_start3A_155 = arith.constant 0 : i32
        %dma_start3A_156 = arith.constant 0 : i32
        %dma_start3A_157 = tpu.memref_slice %arg14[%dma_start3A_155, %dma_start3A_156] : memref<10240x128xf32, #tpu.memory_space<vmem_shared>> -> memref<10240x128xf32, #tpu.memory_space<vmem_shared>>
        tpu.enqueue_indirect_dma source(%arg13 : memref<128x128xf32, #tpu.memory_space<vmem>>) target(%dma_start3A_157 : memref<10240x128xf32, #tpu.memory_space<vmem_shared>>) offsets(%dma_start3A_154 : memref<128xi32, #tpu.memory_space<vmem>>) semaphore(%run_scoped3A_151 : memref<!tpu.dma_semaphore, #tpu.memory_space<semaphore_mem>>) {add = true}
        %dma_wait3A_158 = arith.constant 0 : i32
        %dma_wait3A_159 = tpu.memref_slice %arg9[%run_scoped3A_146, %dma_wait3A_158] : memref<2x128xi32, #tpu.memory_space<vmem>> -> memref<1x128xi32, #tpu.memory_space<vmem>>
        %dma_wait3A_160 = tpu.memref_squeeze %dma_wait3A_159 : memref<1x128xi32, #tpu.memory_space<vmem>> -> memref<128xi32, #tpu.memory_space<vmem>>
        %dma_wait3A_161 = arith.constant 0 : i32
        %dma_wait3A_162 = arith.constant 0 : i32
        %dma_wait3A_163 = tpu.memref_slice %arg14[%dma_wait3A_161, %dma_wait3A_162] : memref<10240x128xf32, #tpu.memory_space<vmem_shared>> -> memref<10240x128xf32, #tpu.memory_space<vmem_shared>>
        tpu.wait_indirect_dma semaphore(%run_scoped3A_151 : memref<!tpu.dma_semaphore, #tpu.memory_space<semaphore_mem>>) src(%arg13 : memref<128x128xf32, #tpu.memory_space<vmem>>) dst(%dma_wait3A_163 : memref<10240x128xf32, #tpu.memory_space<vmem_shared>>)
        tpu.yield
      }) : () -> ()
      %lt3A = arith.constant 2 : i32
      %lt3A_147 = arith.cmpi slt, %arg1, %lt3A : i32
      %convert_element_type3A_148 = arith.extui %lt3A_147 : i1 to i32
      %cond3A_149 = arith.constant 0 : i32
      %cond3A_150 = arith.cmpi ne, %convert_element_type3A_148, %cond3A_149 : i32
      scf.if %cond3A_150 {
        %add3A_151 = arith.constant 1248 : i32
        %add3A_152 = arith.addi %add3A_151, %arg1 : i32
        %mul3A_153 = arith.constant 128 : i32
        %mul3A_154 = arith.muli %add3A_152, %mul3A_153 : i32
        %run_scoped3A_155 = arith.constant 0 : i32
        "tpu.region"() ({
          %run_scoped3A_172 = tpu.sem_alloc : memref<!tpu.dma_semaphore, #tpu.memory_space<semaphore_mem>>
          %dma_start3A_173 = arith.constant 0 : i32
          %dma_start3A_174 = tpu.memref_slice %arg8[%run_scoped3A_155, %dma_start3A_173] : memref<2x128xi32, #tpu.memory_space<vmem>> -> memref<1x128xi32, #tpu.memory_space<vmem>>
          %dma_start3A_175 = tpu.memref_squeeze %dma_start3A_174 : memref<1x128xi32, #tpu.memory_space<vmem>> -> memref<128xi32, #tpu.memory_space<vmem>>
          %dma_start3A_176 = tpu.memref_slice %arg4[%mul3A_154] : memref<160000xi32, #tpu.memory_space<hbm>> -> memref<128xi32, #tpu.memory_space<hbm>>
          %dma_start3A_177 = arith.constant 0 : i32
          %dma_start3A_178 = tpu.memref_slice %arg8[%run_scoped3A_155, %dma_start3A_177] : memref<2x128xi32, #tpu.memory_space<vmem>> -> memref<1x128xi32, #tpu.memory_space<vmem>>
          %dma_start3A_179 = tpu.memref_squeeze %dma_start3A_178 : memref<1x128xi32, #tpu.memory_space<vmem>> -> memref<128xi32, #tpu.memory_space<vmem>>
          %dma_start3A_180 = tpu.memref_slice %arg4[%mul3A_154] : memref<160000xi32, #tpu.memory_space<hbm>> -> memref<128xi32, #tpu.memory_space<hbm>>
          tpu.enqueue_dma source(%dma_start3A_180 : memref<128xi32, #tpu.memory_space<hbm>>) target(%dma_start3A_179 : memref<128xi32, #tpu.memory_space<vmem>>) target_semaphore(%run_scoped3A_172 : memref<!tpu.dma_semaphore, #tpu.memory_space<semaphore_mem>>)
          %dma_wait3A_181 = arith.constant 0 : i32
          %dma_wait3A_182 = tpu.memref_slice %arg8[%run_scoped3A_155, %dma_wait3A_181] : memref<2x128xi32, #tpu.memory_space<vmem>> -> memref<1x128xi32, #tpu.memory_space<vmem>>
          %dma_wait3A_183 = tpu.memref_squeeze %dma_wait3A_182 : memref<1x128xi32, #tpu.memory_space<vmem>> -> memref<128xi32, #tpu.memory_space<vmem>>
          %dma_wait3A_184 = tpu.memref_slice %arg4[%mul3A_154] : memref<160000xi32, #tpu.memory_space<hbm>> -> memref<128xi32, #tpu.memory_space<hbm>>
          %dma_wait3A_185 = arith.constant 0 : i32
          %dma_wait3A_186 = tpu.memref_slice %arg8[%run_scoped3A_155, %dma_wait3A_185] : memref<2x128xi32, #tpu.memory_space<vmem>> -> memref<1x128xi32, #tpu.memory_space<vmem>>
          %dma_wait3A_187 = tpu.memref_squeeze %dma_wait3A_186 : memref<1x128xi32, #tpu.memory_space<vmem>> -> memref<128xi32, #tpu.memory_space<vmem>>
          %dma_wait3A_188 = tpu.memref_slice %arg4[%mul3A_154] : memref<160000xi32, #tpu.memory_space<hbm>> -> memref<128xi32, #tpu.memory_space<hbm>>
          tpu.wait_dma2 semaphore(%run_scoped3A_172 : memref<!tpu.dma_semaphore, #tpu.memory_space<semaphore_mem>>) src(%dma_wait3A_188 : memref<128xi32, #tpu.memory_space<hbm>>) dst(%dma_wait3A_187 : memref<128xi32, #tpu.memory_space<vmem>>)
          tpu.yield
        }) : () -> ()
        %run_scoped3A_156 = arith.constant 1 : i32
        "tpu.region"() ({
          %run_scoped3A_172 = tpu.sem_alloc : memref<!tpu.dma_semaphore, #tpu.memory_space<semaphore_mem>>
          %dma_start3A_173 = arith.constant 0 : i32
          %dma_start3A_174 = tpu.memref_slice %arg8[%run_scoped3A_156, %dma_start3A_173] : memref<2x128xi32, #tpu.memory_space<vmem>> -> memref<1x128xi32, #tpu.memory_space<vmem>>
          %dma_start3A_175 = tpu.memref_squeeze %dma_start3A_174 : memref<1x128xi32, #tpu.memory_space<vmem>> -> memref<128xi32, #tpu.memory_space<vmem>>
          %dma_start3A_176 = tpu.memref_slice %arg5[%mul3A_154] : memref<160000xi32, #tpu.memory_space<hbm>> -> memref<128xi32, #tpu.memory_space<hbm>>
          %dma_start3A_177 = arith.constant 0 : i32
          %dma_start3A_178 = tpu.memref_slice %arg8[%run_scoped3A_156, %dma_start3A_177] : memref<2x128xi32, #tpu.memory_space<vmem>> -> memref<1x128xi32, #tpu.memory_space<vmem>>
          %dma_start3A_179 = tpu.memref_squeeze %dma_start3A_178 : memref<1x128xi32, #tpu.memory_space<vmem>> -> memref<128xi32, #tpu.memory_space<vmem>>
          %dma_start3A_180 = tpu.memref_slice %arg5[%mul3A_154] : memref<160000xi32, #tpu.memory_space<hbm>> -> memref<128xi32, #tpu.memory_space<hbm>>
          tpu.enqueue_dma source(%dma_start3A_180 : memref<128xi32, #tpu.memory_space<hbm>>) target(%dma_start3A_179 : memref<128xi32, #tpu.memory_space<vmem>>) target_semaphore(%run_scoped3A_172 : memref<!tpu.dma_semaphore, #tpu.memory_space<semaphore_mem>>)
          %dma_wait3A_181 = arith.constant 0 : i32
          %dma_wait3A_182 = tpu.memref_slice %arg8[%run_scoped3A_156, %dma_wait3A_181] : memref<2x128xi32, #tpu.memory_space<vmem>> -> memref<1x128xi32, #tpu.memory_space<vmem>>
          %dma_wait3A_183 = tpu.memref_squeeze %dma_wait3A_182 : memref<1x128xi32, #tpu.memory_space<vmem>> -> memref<128xi32, #tpu.memory_space<vmem>>
          %dma_wait3A_184 = tpu.memref_slice %arg5[%mul3A_154] : memref<160000xi32, #tpu.memory_space<hbm>> -> memref<128xi32, #tpu.memory_space<hbm>>
          %dma_wait3A_185 = arith.constant 0 : i32
          %dma_wait3A_186 = tpu.memref_slice %arg8[%run_scoped3A_156, %dma_wait3A_185] : memref<2x128xi32, #tpu.memory_space<vmem>> -> memref<1x128xi32, #tpu.memory_space<vmem>>
          %dma_wait3A_187 = tpu.memref_squeeze %dma_wait3A_186 : memref<1x128xi32, #tpu.memory_space<vmem>> -> memref<128xi32, #tpu.memory_space<vmem>>
          %dma_wait3A_188 = tpu.memref_slice %arg5[%mul3A_154] : memref<160000xi32, #tpu.memory_space<hbm>> -> memref<128xi32, #tpu.memory_space<hbm>>
          tpu.wait_dma2 semaphore(%run_scoped3A_172 : memref<!tpu.dma_semaphore, #tpu.memory_space<semaphore_mem>>) src(%dma_wait3A_188 : memref<128xi32, #tpu.memory_space<hbm>>) dst(%dma_wait3A_187 : memref<128xi32, #tpu.memory_space<vmem>>)
          tpu.yield
        }) : () -> ()
        %dma_start3A_157 = arith.constant 0 : i32
        %dma_start3A_158 = arith.constant 0 : i32
        %dma_start3A_159 = tpu.memref_slice %arg8[%dma_start3A_157, %dma_start3A_158] : memref<2x128xi32, #tpu.memory_space<vmem>> -> memref<1x128xi32, #tpu.memory_space<vmem>>
        %dma_start3A_160 = tpu.memref_squeeze %dma_start3A_159 : memref<1x128xi32, #tpu.memory_space<vmem>> -> memref<128xi32, #tpu.memory_space<vmem>>
        %dma_start3A_161 = arith.constant 0 : i32
        %dma_start3A_162 = arith.constant 0 : i32
        %dma_start3A_163 = tpu.memref_slice %arg2[%dma_start3A_161, %dma_start3A_162] : memref<10000x128xf32, #tpu.memory_space<hbm>> -> memref<10000x128xf32, #tpu.memory_space<hbm>>
        tpu.enqueue_indirect_dma source(%dma_start3A_163 : memref<10000x128xf32, #tpu.memory_space<hbm>>) target(%arg12 : memref<128x128xf32, #tpu.memory_space<vmem>>) offsets(%dma_start3A_160 : memref<128xi32, #tpu.memory_space<vmem>>) semaphore(%arg19 : memref<!tpu.dma_semaphore, #tpu.memory_space<semaphore_mem>>)
        %dma_wait3A_164 = arith.constant 0 : i32
        %dma_wait3A_165 = arith.constant 0 : i32
        %dma_wait3A_166 = tpu.memref_slice %arg8[%dma_wait3A_164, %dma_wait3A_165] : memref<2x128xi32, #tpu.memory_space<vmem>> -> memref<1x128xi32, #tpu.memory_space<vmem>>
        %dma_wait3A_167 = tpu.memref_squeeze %dma_wait3A_166 : memref<1x128xi32, #tpu.memory_space<vmem>> -> memref<128xi32, #tpu.memory_space<vmem>>
        %dma_wait3A_168 = arith.constant 0 : i32
        %dma_wait3A_169 = arith.constant 0 : i32
        %dma_wait3A_170 = tpu.memref_slice %arg2[%dma_wait3A_168, %dma_wait3A_169] : memref<10000x128xf32, #tpu.memory_space<hbm>> -> memref<10000x128xf32, #tpu.memory_space<hbm>>
        tpu.wait_indirect_dma semaphore(%arg19 : memref<!tpu.dma_semaphore, #tpu.memory_space<semaphore_mem>>) src(%dma_wait3A_170 : memref<10000x128xf32, #tpu.memory_space<hbm>>) dst(%arg12 : memref<128x128xf32, #tpu.memory_space<vmem>>)
        %run_scoped3A_171 = arith.constant 1 : i32
        "tpu.region"() ({
          %run_scoped3A_172 = tpu.sem_alloc : memref<!tpu.dma_semaphore, #tpu.memory_space<semaphore_mem>>
          %dma_start3A_173 = arith.constant 0 : i32
          %dma_start3A_174 = tpu.memref_slice %arg8[%run_scoped3A_171, %dma_start3A_173] : memref<2x128xi32, #tpu.memory_space<vmem>> -> memref<1x128xi32, #tpu.memory_space<vmem>>
          %dma_start3A_175 = tpu.memref_squeeze %dma_start3A_174 : memref<1x128xi32, #tpu.memory_space<vmem>> -> memref<128xi32, #tpu.memory_space<vmem>>
          %dma_start3A_176 = arith.constant 0 : i32
          %dma_start3A_177 = arith.constant 0 : i32
          %dma_start3A_178 = tpu.memref_slice %arg14[%dma_start3A_176, %dma_start3A_177] : memref<10240x128xf32, #tpu.memory_space<vmem_shared>> -> memref<10240x128xf32, #tpu.memory_space<vmem_shared>>
          tpu.enqueue_indirect_dma source(%arg12 : memref<128x128xf32, #tpu.memory_space<vmem>>) target(%dma_start3A_178 : memref<10240x128xf32, #tpu.memory_space<vmem_shared>>) offsets(%dma_start3A_175 : memref<128xi32, #tpu.memory_space<vmem>>) semaphore(%run_scoped3A_172 : memref<!tpu.dma_semaphore, #tpu.memory_space<semaphore_mem>>) {add = true}
          %dma_wait3A_179 = arith.constant 0 : i32
          %dma_wait3A_180 = tpu.memref_slice %arg8[%run_scoped3A_171, %dma_wait3A_179] : memref<2x128xi32, #tpu.memory_space<vmem>> -> memref<1x128xi32, #tpu.memory_space<vmem>>
          %dma_wait3A_181 = tpu.memref_squeeze %dma_wait3A_180 : memref<1x128xi32, #tpu.memory_space<vmem>> -> memref<128xi32, #tpu.memory_space<vmem>>
          %dma_wait3A_182 = arith.constant 0 : i32
          %dma_wait3A_183 = arith.constant 0 : i32
          %dma_wait3A_184 = tpu.memref_slice %arg14[%dma_wait3A_182, %dma_wait3A_183] : memref<10240x128xf32, #tpu.memory_space<vmem_shared>> -> memref<10240x128xf32, #tpu.memory_space<vmem_shared>>
          tpu.wait_indirect_dma semaphore(%run_scoped3A_172 : memref<!tpu.dma_semaphore, #tpu.memory_space<semaphore_mem>>) src(%arg12 : memref<128x128xf32, #tpu.memory_space<vmem>>) dst(%dma_wait3A_184 : memref<10240x128xf32, #tpu.memory_space<vmem_shared>>)
          tpu.yield
        }) : () -> ()
      } else {
      }
    } else {
    }
    %eq3A_12 = arith.constant 1 : i32
    %eq3A_13 = arith.cmpi eq, %arg0, %eq3A_12 : i32
    %convert_element_type3A_14 = arith.extui %eq3A_13 : i1 to i32
    %cond3A_15 = arith.constant 0 : i32
    %cond3A_16 = arith.cmpi ne, %convert_element_type3A_14, %cond3A_15 : i32
    scf.if %cond3A_16 {
      %add3A = arith.constant 0 : i32
      %add3A_28 = arith.addi %arg1, %add3A : i32
      %mul3A = arith.constant 128 : i32
      %mul3A_29 = arith.muli %add3A_28, %mul3A : i32
      %dma_start3A = arith.constant 0 : i32
      %dma_start3A_30 = arith.constant 0 : i32
      %dma_start3A_31 = tpu.memref_slice %arg8[%dma_start3A, %dma_start3A_30] : memref<2x128xi32, #tpu.memory_space<vmem>> -> memref<1x128xi32, #tpu.memory_space<vmem>>
      %dma_start3A_32 = tpu.memref_squeeze %dma_start3A_31 : memref<1x128xi32, #tpu.memory_space<vmem>> -> memref<128xi32, #tpu.memory_space<vmem>>
      %dma_start3A_33 = tpu.memref_slice %arg4[%mul3A_29] : memref<160000xi32, #tpu.memory_space<hbm>> -> memref<128xi32, #tpu.memory_space<hbm>>
      %dma_start3A_34 = arith.constant 0 : i32
      %dma_start3A_35 = tpu.memref_slice %arg8[%dma_start3A, %dma_start3A_34] : memref<2x128xi32, #tpu.memory_space<vmem>> -> memref<1x128xi32, #tpu.memory_space<vmem>>
      %dma_start3A_36 = tpu.memref_squeeze %dma_start3A_35 : memref<1x128xi32, #tpu.memory_space<vmem>> -> memref<128xi32, #tpu.memory_space<vmem>>
      %dma_start3A_37 = tpu.memref_slice %arg4[%mul3A_29] : memref<160000xi32, #tpu.memory_space<hbm>> -> memref<128xi32, #tpu.memory_space<hbm>>
      tpu.enqueue_dma source(%dma_start3A_37 : memref<128xi32, #tpu.memory_space<hbm>>) target(%dma_start3A_36 : memref<128xi32, #tpu.memory_space<vmem>>) target_semaphore(%arg15 : memref<!tpu.dma_semaphore, #tpu.memory_space<semaphore_mem>>)
      %dma_start3A_38 = arith.constant 1 : i32
      %dma_start3A_39 = arith.constant 0 : i32
      %dma_start3A_40 = tpu.memref_slice %arg8[%dma_start3A_38, %dma_start3A_39] : memref<2x128xi32, #tpu.memory_space<vmem>> -> memref<1x128xi32, #tpu.memory_space<vmem>>
      %dma_start3A_41 = tpu.memref_squeeze %dma_start3A_40 : memref<1x128xi32, #tpu.memory_space<vmem>> -> memref<128xi32, #tpu.memory_space<vmem>>
      %dma_start3A_42 = tpu.memref_slice %arg5[%mul3A_29] : memref<160000xi32, #tpu.memory_space<hbm>> -> memref<128xi32, #tpu.memory_space<hbm>>
      %dma_start3A_43 = arith.constant 0 : i32
      %dma_start3A_44 = tpu.memref_slice %arg8[%dma_start3A_38, %dma_start3A_43] : memref<2x128xi32, #tpu.memory_space<vmem>> -> memref<1x128xi32, #tpu.memory_space<vmem>>
      %dma_start3A_45 = tpu.memref_squeeze %dma_start3A_44 : memref<1x128xi32, #tpu.memory_space<vmem>> -> memref<128xi32, #tpu.memory_space<vmem>>
      %dma_start3A_46 = tpu.memref_slice %arg5[%mul3A_29] : memref<160000xi32, #tpu.memory_space<hbm>> -> memref<128xi32, #tpu.memory_space<hbm>>
      tpu.enqueue_dma source(%dma_start3A_46 : memref<128xi32, #tpu.memory_space<hbm>>) target(%dma_start3A_45 : memref<128xi32, #tpu.memory_space<vmem>>) target_semaphore(%arg15 : memref<!tpu.dma_semaphore, #tpu.memory_space<semaphore_mem>>)
      %add3A_47 = arith.constant 16 : i32
      %add3A_48 = arith.addi %arg1, %add3A_47 : i32
      %mul3A_49 = arith.constant 128 : i32
      %mul3A_50 = arith.muli %add3A_48, %mul3A_49 : i32
      %dma_start3A_51 = arith.constant 0 : i32
      %dma_start3A_52 = arith.constant 0 : i32
      %dma_start3A_53 = tpu.memref_slice %arg9[%dma_start3A_51, %dma_start3A_52] : memref<2x128xi32, #tpu.memory_space<vmem>> -> memref<1x128xi32, #tpu.memory_space<vmem>>
      %dma_start3A_54 = tpu.memref_squeeze %dma_start3A_53 : memref<1x128xi32, #tpu.memory_space<vmem>> -> memref<128xi32, #tpu.memory_space<vmem>>
      %dma_start3A_55 = tpu.memref_slice %arg4[%mul3A_50] : memref<160000xi32, #tpu.memory_space<hbm>> -> memref<128xi32, #tpu.memory_space<hbm>>
      %dma_start3A_56 = arith.constant 0 : i32
      %dma_start3A_57 = tpu.memref_slice %arg9[%dma_start3A_51, %dma_start3A_56] : memref<2x128xi32, #tpu.memory_space<vmem>> -> memref<1x128xi32, #tpu.memory_space<vmem>>
      %dma_start3A_58 = tpu.memref_squeeze %dma_start3A_57 : memref<1x128xi32, #tpu.memory_space<vmem>> -> memref<128xi32, #tpu.memory_space<vmem>>
      %dma_start3A_59 = tpu.memref_slice %arg4[%mul3A_50] : memref<160000xi32, #tpu.memory_space<hbm>> -> memref<128xi32, #tpu.memory_space<hbm>>
      tpu.enqueue_dma source(%dma_start3A_59 : memref<128xi32, #tpu.memory_space<hbm>>) target(%dma_start3A_58 : memref<128xi32, #tpu.memory_space<vmem>>) target_semaphore(%arg16 : memref<!tpu.dma_semaphore, #tpu.memory_space<semaphore_mem>>)
      %dma_start3A_60 = arith.constant 1 : i32
      %dma_start3A_61 = arith.constant 0 : i32
      %dma_start3A_62 = tpu.memref_slice %arg9[%dma_start3A_60, %dma_start3A_61] : memref<2x128xi32, #tpu.memory_space<vmem>> -> memref<1x128xi32, #tpu.memory_space<vmem>>
      %dma_start3A_63 = tpu.memref_squeeze %dma_start3A_62 : memref<1x128xi32, #tpu.memory_space<vmem>> -> memref<128xi32, #tpu.memory_space<vmem>>
      %dma_start3A_64 = tpu.memref_slice %arg5[%mul3A_50] : memref<160000xi32, #tpu.memory_space<hbm>> -> memref<128xi32, #tpu.memory_space<hbm>>
      %dma_start3A_65 = arith.constant 0 : i32
      %dma_start3A_66 = tpu.memref_slice %arg9[%dma_start3A_60, %dma_start3A_65] : memref<2x128xi32, #tpu.memory_space<vmem>> -> memref<1x128xi32, #tpu.memory_space<vmem>>
      %dma_start3A_67 = tpu.memref_squeeze %dma_start3A_66 : memref<1x128xi32, #tpu.memory_space<vmem>> -> memref<128xi32, #tpu.memory_space<vmem>>
      %dma_start3A_68 = tpu.memref_slice %arg5[%mul3A_50] : memref<160000xi32, #tpu.memory_space<hbm>> -> memref<128xi32, #tpu.memory_space<hbm>>
      tpu.enqueue_dma source(%dma_start3A_68 : memref<128xi32, #tpu.memory_space<hbm>>) target(%dma_start3A_67 : memref<128xi32, #tpu.memory_space<vmem>>) target_semaphore(%arg16 : memref<!tpu.dma_semaphore, #tpu.memory_space<semaphore_mem>>)
      %add3A_69 = arith.constant 0 : i32
      %add3A_70 = arith.addi %arg1, %add3A_69 : i32
      %mul3A_71 = arith.constant 128 : i32
      %mul3A_72 = arith.muli %add3A_70, %mul3A_71 : i32
      %dma_wait3A = arith.constant 0 : i32
      %dma_wait3A_73 = arith.constant 0 : i32
      %dma_wait3A_74 = tpu.memref_slice %arg8[%dma_wait3A, %dma_wait3A_73] : memref<2x128xi32, #tpu.memory_space<vmem>> -> memref<1x128xi32, #tpu.memory_space<vmem>>
      %dma_wait3A_75 = tpu.memref_squeeze %dma_wait3A_74 : memref<1x128xi32, #tpu.memory_space<vmem>> -> memref<128xi32, #tpu.memory_space<vmem>>
      %dma_wait3A_76 = tpu.memref_slice %arg4[%mul3A_72] : memref<160000xi32, #tpu.memory_space<hbm>> -> memref<128xi32, #tpu.memory_space<hbm>>
      %dma_wait3A_77 = arith.constant 0 : i32
      %dma_wait3A_78 = tpu.memref_slice %arg8[%dma_wait3A, %dma_wait3A_77] : memref<2x128xi32, #tpu.memory_space<vmem>> -> memref<1x128xi32, #tpu.memory_space<vmem>>
      %dma_wait3A_79 = tpu.memref_squeeze %dma_wait3A_78 : memref<1x128xi32, #tpu.memory_space<vmem>> -> memref<128xi32, #tpu.memory_space<vmem>>
      %dma_wait3A_80 = tpu.memref_slice %arg4[%mul3A_72] : memref<160000xi32, #tpu.memory_space<hbm>> -> memref<128xi32, #tpu.memory_space<hbm>>
      tpu.wait_dma2 semaphore(%arg15 : memref<!tpu.dma_semaphore, #tpu.memory_space<semaphore_mem>>) src(%dma_wait3A_80 : memref<128xi32, #tpu.memory_space<hbm>>) dst(%dma_wait3A_79 : memref<128xi32, #tpu.memory_space<vmem>>)
      %dma_wait3A_81 = arith.constant 1 : i32
      %dma_wait3A_82 = arith.constant 0 : i32
      %dma_wait3A_83 = tpu.memref_slice %arg8[%dma_wait3A_81, %dma_wait3A_82] : memref<2x128xi32, #tpu.memory_space<vmem>> -> memref<1x128xi32, #tpu.memory_space<vmem>>
      %dma_wait3A_84 = tpu.memref_squeeze %dma_wait3A_83 : memref<1x128xi32, #tpu.memory_space<vmem>> -> memref<128xi32, #tpu.memory_space<vmem>>
      %dma_wait3A_85 = tpu.memref_slice %arg5[%mul3A_72] : memref<160000xi32, #tpu.memory_space<hbm>> -> memref<128xi32, #tpu.memory_space<hbm>>
      %dma_wait3A_86 = arith.constant 0 : i32
      %dma_wait3A_87 = tpu.memref_slice %arg8[%dma_wait3A_81, %dma_wait3A_86] : memref<2x128xi32, #tpu.memory_space<vmem>> -> memref<1x128xi32, #tpu.memory_space<vmem>>
      %dma_wait3A_88 = tpu.memref_squeeze %dma_wait3A_87 : memref<1x128xi32, #tpu.memory_space<vmem>> -> memref<128xi32, #tpu.memory_space<vmem>>
      %dma_wait3A_89 = tpu.memref_slice %arg5[%mul3A_72] : memref<160000xi32, #tpu.memory_space<hbm>> -> memref<128xi32, #tpu.memory_space<hbm>>
      tpu.wait_dma2 semaphore(%arg15 : memref<!tpu.dma_semaphore, #tpu.memory_space<semaphore_mem>>) src(%dma_wait3A_89 : memref<128xi32, #tpu.memory_space<hbm>>) dst(%dma_wait3A_88 : memref<128xi32, #tpu.memory_space<vmem>>)
      %dma_start3A_90 = arith.constant 0 : i32
      %dma_start3A_91 = arith.constant 0 : i32
      %dma_start3A_92 = tpu.memref_slice %arg8[%dma_start3A_90, %dma_start3A_91] : memref<2x128xi32, #tpu.memory_space<vmem>> -> memref<1x128xi32, #tpu.memory_space<vmem>>
      %dma_start3A_93 = tpu.memref_squeeze %dma_start3A_92 : memref<1x128xi32, #tpu.memory_space<vmem>> -> memref<128xi32, #tpu.memory_space<vmem>>
      %dma_start3A_94 = arith.constant 0 : i32
      %dma_start3A_95 = arith.constant 0 : i32
      %dma_start3A_96 = tpu.memref_slice %arg3[%dma_start3A_94, %dma_start3A_95] : memref<10000x128xf32, #tpu.memory_space<hbm>> -> memref<10000x128xf32, #tpu.memory_space<hbm>>
      tpu.enqueue_indirect_dma source(%dma_start3A_96 : memref<10000x128xf32, #tpu.memory_space<hbm>>) target(%arg12 : memref<128x128xf32, #tpu.memory_space<vmem>>) offsets(%dma_start3A_93 : memref<128xi32, #tpu.memory_space<vmem>>) semaphore(%arg19 : memref<!tpu.dma_semaphore, #tpu.memory_space<semaphore_mem>>)
      %add3A_97 = arith.constant 16 : i32
      %add3A_98 = arith.addi %arg1, %add3A_97 : i32
      %mul3A_99 = arith.constant 128 : i32
      %mul3A_100 = arith.muli %add3A_98, %mul3A_99 : i32
      %dma_wait3A_101 = arith.constant 0 : i32
      %dma_wait3A_102 = arith.constant 0 : i32
      %dma_wait3A_103 = tpu.memref_slice %arg9[%dma_wait3A_101, %dma_wait3A_102] : memref<2x128xi32, #tpu.memory_space<vmem>> -> memref<1x128xi32, #tpu.memory_space<vmem>>
      %dma_wait3A_104 = tpu.memref_squeeze %dma_wait3A_103 : memref<1x128xi32, #tpu.memory_space<vmem>> -> memref<128xi32, #tpu.memory_space<vmem>>
      %dma_wait3A_105 = tpu.memref_slice %arg4[%mul3A_100] : memref<160000xi32, #tpu.memory_space<hbm>> -> memref<128xi32, #tpu.memory_space<hbm>>
      %dma_wait3A_106 = arith.constant 0 : i32
      %dma_wait3A_107 = tpu.memref_slice %arg9[%dma_wait3A_101, %dma_wait3A_106] : memref<2x128xi32, #tpu.memory_space<vmem>> -> memref<1x128xi32, #tpu.memory_space<vmem>>
      %dma_wait3A_108 = tpu.memref_squeeze %dma_wait3A_107 : memref<1x128xi32, #tpu.memory_space<vmem>> -> memref<128xi32, #tpu.memory_space<vmem>>
      %dma_wait3A_109 = tpu.memref_slice %arg4[%mul3A_100] : memref<160000xi32, #tpu.memory_space<hbm>> -> memref<128xi32, #tpu.memory_space<hbm>>
      tpu.wait_dma2 semaphore(%arg16 : memref<!tpu.dma_semaphore, #tpu.memory_space<semaphore_mem>>) src(%dma_wait3A_109 : memref<128xi32, #tpu.memory_space<hbm>>) dst(%dma_wait3A_108 : memref<128xi32, #tpu.memory_space<vmem>>)
      %dma_wait3A_110 = arith.constant 1 : i32
      %dma_wait3A_111 = arith.constant 0 : i32
      %dma_wait3A_112 = tpu.memref_slice %arg9[%dma_wait3A_110, %dma_wait3A_111] : memref<2x128xi32, #tpu.memory_space<vmem>> -> memref<1x128xi32, #tpu.memory_space<vmem>>
      %dma_wait3A_113 = tpu.memref_squeeze %dma_wait3A_112 : memref<1x128xi32, #tpu.memory_space<vmem>> -> memref<128xi32, #tpu.memory_space<vmem>>
      %dma_wait3A_114 = tpu.memref_slice %arg5[%mul3A_100] : memref<160000xi32, #tpu.memory_space<hbm>> -> memref<128xi32, #tpu.memory_space<hbm>>
      %dma_wait3A_115 = arith.constant 0 : i32
      %dma_wait3A_116 = tpu.memref_slice %arg9[%dma_wait3A_110, %dma_wait3A_115] : memref<2x128xi32, #tpu.memory_space<vmem>> -> memref<1x128xi32, #tpu.memory_space<vmem>>
      %dma_wait3A_117 = tpu.memref_squeeze %dma_wait3A_116 : memref<1x128xi32, #tpu.memory_space<vmem>> -> memref<128xi32, #tpu.memory_space<vmem>>
      %dma_wait3A_118 = tpu.memref_slice %arg5[%mul3A_100] : memref<160000xi32, #tpu.memory_space<hbm>> -> memref<128xi32, #tpu.memory_space<hbm>>
      tpu.wait_dma2 semaphore(%arg16 : memref<!tpu.dma_semaphore, #tpu.memory_space<semaphore_mem>>) src(%dma_wait3A_118 : memref<128xi32, #tpu.memory_space<hbm>>) dst(%dma_wait3A_117 : memref<128xi32, #tpu.memory_space<vmem>>)
      %dma_start3A_119 = arith.constant 0 : i32
      %dma_start3A_120 = arith.constant 0 : i32
      %dma_start3A_121 = tpu.memref_slice %arg9[%dma_start3A_119, %dma_start3A_120] : memref<2x128xi32, #tpu.memory_space<vmem>> -> memref<1x128xi32, #tpu.memory_space<vmem>>
      %dma_start3A_122 = tpu.memref_squeeze %dma_start3A_121 : memref<1x128xi32, #tpu.memory_space<vmem>> -> memref<128xi32, #tpu.memory_space<vmem>>
      %dma_start3A_123 = arith.constant 0 : i32
      %dma_start3A_124 = arith.constant 0 : i32
      %dma_start3A_125 = tpu.memref_slice %arg3[%dma_start3A_123, %dma_start3A_124] : memref<10000x128xf32, #tpu.memory_space<hbm>> -> memref<10000x128xf32, #tpu.memory_space<hbm>>
      tpu.enqueue_indirect_dma source(%dma_start3A_125 : memref<10000x128xf32, #tpu.memory_space<hbm>>) target(%arg13 : memref<128x128xf32, #tpu.memory_space<vmem>>) offsets(%dma_start3A_122 : memref<128xi32, #tpu.memory_space<vmem>>) semaphore(%arg20 : memref<!tpu.dma_semaphore, #tpu.memory_space<semaphore_mem>>)
      %scan3A = arith.constant 0 : i32
      %scan3A_126 = arith.constant 0 : i32
      %scan3A_127 = arith.constant 19 : i32
      %scan3A_128 = arith.addi %scan3A_126, %scan3A_127 : i32
      %scan3A_129 = arith.constant 1 : i32
      %scan3A_130 = scf.for %scan3A_151 = %scan3A_126 to %scan3A_128 step %scan3A_129 iter_args(%scan3A_152 = %scan3A) -> (i32)  : i32 {
        %mul3A_153 = arith.constant 4 : i32
        %mul3A_154 = arith.muli %mul3A_153, %scan3A_151 : i32
        %add3A_155 = arith.constant 2 : i32
        %add3A_156 = arith.addi %mul3A_154, %add3A_155 : i32
        %mul3A_157 = arith.constant 16 : i32
        %mul3A_158 = arith.muli %mul3A_157, %add3A_156 : i32
        %add3A_159 = arith.addi %arg1, %mul3A_158 : i32
        %mul3A_160 = arith.constant 128 : i32
        %mul3A_161 = arith.muli %add3A_159, %mul3A_160 : i32
        %dma_start3A_162 = arith.constant 0 : i32
        %dma_start3A_163 = arith.constant 0 : i32
        %dma_start3A_164 = tpu.memref_slice %arg10[%dma_start3A_162, %dma_start3A_163] : memref<2x128xi32, #tpu.memory_space<vmem>> -> memref<1x128xi32, #tpu.memory_space<vmem>>
        %dma_start3A_165 = tpu.memref_squeeze %dma_start3A_164 : memref<1x128xi32, #tpu.memory_space<vmem>> -> memref<128xi32, #tpu.memory_space<vmem>>
        %dma_start3A_166 = tpu.memref_slice %arg4[%mul3A_161] : memref<160000xi32, #tpu.memory_space<hbm>> -> memref<128xi32, #tpu.memory_space<hbm>>
        %dma_start3A_167 = arith.constant 0 : i32
        %dma_start3A_168 = tpu.memref_slice %arg10[%dma_start3A_162, %dma_start3A_167] : memref<2x128xi32, #tpu.memory_space<vmem>> -> memref<1x128xi32, #tpu.memory_space<vmem>>
        %dma_start3A_169 = tpu.memref_squeeze %dma_start3A_168 : memref<1x128xi32, #tpu.memory_space<vmem>> -> memref<128xi32, #tpu.memory_space<vmem>>
        %dma_start3A_170 = tpu.memref_slice %arg4[%mul3A_161] : memref<160000xi32, #tpu.memory_space<hbm>> -> memref<128xi32, #tpu.memory_space<hbm>>
        tpu.enqueue_dma source(%dma_start3A_170 : memref<128xi32, #tpu.memory_space<hbm>>) target(%dma_start3A_169 : memref<128xi32, #tpu.memory_space<vmem>>) target_semaphore(%arg17 : memref<!tpu.dma_semaphore, #tpu.memory_space<semaphore_mem>>)
        %dma_start3A_171 = arith.constant 1 : i32
        %dma_start3A_172 = arith.constant 0 : i32
        %dma_start3A_173 = tpu.memref_slice %arg10[%dma_start3A_171, %dma_start3A_172] : memref<2x128xi32, #tpu.memory_space<vmem>> -> memref<1x128xi32, #tpu.memory_space<vmem>>
        %dma_start3A_174 = tpu.memref_squeeze %dma_start3A_173 : memref<1x128xi32, #tpu.memory_space<vmem>> -> memref<128xi32, #tpu.memory_space<vmem>>
        %dma_start3A_175 = tpu.memref_slice %arg5[%mul3A_161] : memref<160000xi32, #tpu.memory_space<hbm>> -> memref<128xi32, #tpu.memory_space<hbm>>
        %dma_start3A_176 = arith.constant 0 : i32
        %dma_start3A_177 = tpu.memref_slice %arg10[%dma_start3A_171, %dma_start3A_176] : memref<2x128xi32, #tpu.memory_space<vmem>> -> memref<1x128xi32, #tpu.memory_space<vmem>>
        %dma_start3A_178 = tpu.memref_squeeze %dma_start3A_177 : memref<1x128xi32, #tpu.memory_space<vmem>> -> memref<128xi32, #tpu.memory_space<vmem>>
        %dma_start3A_179 = tpu.memref_slice %arg5[%mul3A_161] : memref<160000xi32, #tpu.memory_space<hbm>> -> memref<128xi32, #tpu.memory_space<hbm>>
        tpu.enqueue_dma source(%dma_start3A_179 : memref<128xi32, #tpu.memory_space<hbm>>) target(%dma_start3A_178 : memref<128xi32, #tpu.memory_space<vmem>>) target_semaphore(%arg17 : memref<!tpu.dma_semaphore, #tpu.memory_space<semaphore_mem>>)
        %add3A_180 = arith.constant 3 : i32
        %add3A_181 = arith.addi %mul3A_154, %add3A_180 : i32
        %mul3A_182 = arith.constant 16 : i32
        %mul3A_183 = arith.muli %mul3A_182, %add3A_181 : i32
        %add3A_184 = arith.addi %arg1, %mul3A_183 : i32
        %mul3A_185 = arith.constant 128 : i32
        %mul3A_186 = arith.muli %add3A_184, %mul3A_185 : i32
        %dma_start3A_187 = arith.constant 0 : i32
        %dma_start3A_188 = arith.constant 0 : i32
        %dma_start3A_189 = tpu.memref_slice %arg11[%dma_start3A_187, %dma_start3A_188] : memref<2x128xi32, #tpu.memory_space<vmem>> -> memref<1x128xi32, #tpu.memory_space<vmem>>
        %dma_start3A_190 = tpu.memref_squeeze %dma_start3A_189 : memref<1x128xi32, #tpu.memory_space<vmem>> -> memref<128xi32, #tpu.memory_space<vmem>>
        %dma_start3A_191 = tpu.memref_slice %arg4[%mul3A_186] : memref<160000xi32, #tpu.memory_space<hbm>> -> memref<128xi32, #tpu.memory_space<hbm>>
        %dma_start3A_192 = arith.constant 0 : i32
        %dma_start3A_193 = tpu.memref_slice %arg11[%dma_start3A_187, %dma_start3A_192] : memref<2x128xi32, #tpu.memory_space<vmem>> -> memref<1x128xi32, #tpu.memory_space<vmem>>
        %dma_start3A_194 = tpu.memref_squeeze %dma_start3A_193 : memref<1x128xi32, #tpu.memory_space<vmem>> -> memref<128xi32, #tpu.memory_space<vmem>>
        %dma_start3A_195 = tpu.memref_slice %arg4[%mul3A_186] : memref<160000xi32, #tpu.memory_space<hbm>> -> memref<128xi32, #tpu.memory_space<hbm>>
        tpu.enqueue_dma source(%dma_start3A_195 : memref<128xi32, #tpu.memory_space<hbm>>) target(%dma_start3A_194 : memref<128xi32, #tpu.memory_space<vmem>>) target_semaphore(%arg18 : memref<!tpu.dma_semaphore, #tpu.memory_space<semaphore_mem>>)
        %dma_start3A_196 = arith.constant 1 : i32
        %dma_start3A_197 = arith.constant 0 : i32
        %dma_start3A_198 = tpu.memref_slice %arg11[%dma_start3A_196, %dma_start3A_197] : memref<2x128xi32, #tpu.memory_space<vmem>> -> memref<1x128xi32, #tpu.memory_space<vmem>>
        %dma_start3A_199 = tpu.memref_squeeze %dma_start3A_198 : memref<1x128xi32, #tpu.memory_space<vmem>> -> memref<128xi32, #tpu.memory_space<vmem>>
        %dma_start3A_200 = tpu.memref_slice %arg5[%mul3A_186] : memref<160000xi32, #tpu.memory_space<hbm>> -> memref<128xi32, #tpu.memory_space<hbm>>
        %dma_start3A_201 = arith.constant 0 : i32
        %dma_start3A_202 = tpu.memref_slice %arg11[%dma_start3A_196, %dma_start3A_201] : memref<2x128xi32, #tpu.memory_space<vmem>> -> memref<1x128xi32, #tpu.memory_space<vmem>>
        %dma_start3A_203 = tpu.memref_squeeze %dma_start3A_202 : memref<1x128xi32, #tpu.memory_space<vmem>> -> memref<128xi32, #tpu.memory_space<vmem>>
        %dma_start3A_204 = tpu.memref_slice %arg5[%mul3A_186] : memref<160000xi32, #tpu.memory_space<hbm>> -> memref<128xi32, #tpu.memory_space<hbm>>
        tpu.enqueue_dma source(%dma_start3A_204 : memref<128xi32, #tpu.memory_space<hbm>>) target(%dma_start3A_203 : memref<128xi32, #tpu.memory_space<vmem>>) target_semaphore(%arg18 : memref<!tpu.dma_semaphore, #tpu.memory_space<semaphore_mem>>)
        %dma_wait3A_205 = arith.constant 0 : i32
        %dma_wait3A_206 = arith.constant 0 : i32
        %dma_wait3A_207 = tpu.memref_slice %arg8[%dma_wait3A_205, %dma_wait3A_206] : memref<2x128xi32, #tpu.memory_space<vmem>> -> memref<1x128xi32, #tpu.memory_space<vmem>>
        %dma_wait3A_208 = tpu.memref_squeeze %dma_wait3A_207 : memref<1x128xi32, #tpu.memory_space<vmem>> -> memref<128xi32, #tpu.memory_space<vmem>>
        %dma_wait3A_209 = arith.constant 0 : i32
        %dma_wait3A_210 = arith.constant 0 : i32
        %dma_wait3A_211 = tpu.memref_slice %arg3[%dma_wait3A_209, %dma_wait3A_210] : memref<10000x128xf32, #tpu.memory_space<hbm>> -> memref<10000x128xf32, #tpu.memory_space<hbm>>
        tpu.wait_indirect_dma semaphore(%arg19 : memref<!tpu.dma_semaphore, #tpu.memory_space<semaphore_mem>>) src(%dma_wait3A_211 : memref<10000x128xf32, #tpu.memory_space<hbm>>) dst(%arg12 : memref<128x128xf32, #tpu.memory_space<vmem>>)
        %run_scoped3A_212 = arith.constant 1 : i32
        "tpu.region"() ({
          %run_scoped3A_416 = tpu.sem_alloc : memref<!tpu.dma_semaphore, #tpu.memory_space<semaphore_mem>>
          %dma_start3A_417 = arith.constant 0 : i32
          %dma_start3A_418 = tpu.memref_slice %arg8[%run_scoped3A_212, %dma_start3A_417] : memref<2x128xi32, #tpu.memory_space<vmem>> -> memref<1x128xi32, #tpu.memory_space<vmem>>
          %dma_start3A_419 = tpu.memref_squeeze %dma_start3A_418 : memref<1x128xi32, #tpu.memory_space<vmem>> -> memref<128xi32, #tpu.memory_space<vmem>>
          %dma_start3A_420 = arith.constant 0 : i32
          %dma_start3A_421 = arith.constant 0 : i32
          %dma_start3A_422 = tpu.memref_slice %arg14[%dma_start3A_420, %dma_start3A_421] : memref<10240x128xf32, #tpu.memory_space<vmem_shared>> -> memref<10240x128xf32, #tpu.memory_space<vmem_shared>>
          tpu.enqueue_indirect_dma source(%arg12 : memref<128x128xf32, #tpu.memory_space<vmem>>) target(%dma_start3A_422 : memref<10240x128xf32, #tpu.memory_space<vmem_shared>>) offsets(%dma_start3A_419 : memref<128xi32, #tpu.memory_space<vmem>>) semaphore(%run_scoped3A_416 : memref<!tpu.dma_semaphore, #tpu.memory_space<semaphore_mem>>) {add = true}
          %dma_wait3A_423 = arith.constant 0 : i32
          %dma_wait3A_424 = tpu.memref_slice %arg8[%run_scoped3A_212, %dma_wait3A_423] : memref<2x128xi32, #tpu.memory_space<vmem>> -> memref<1x128xi32, #tpu.memory_space<vmem>>
          %dma_wait3A_425 = tpu.memref_squeeze %dma_wait3A_424 : memref<1x128xi32, #tpu.memory_space<vmem>> -> memref<128xi32, #tpu.memory_space<vmem>>
          %dma_wait3A_426 = arith.constant 0 : i32
          %dma_wait3A_427 = arith.constant 0 : i32
          %dma_wait3A_428 = tpu.memref_slice %arg14[%dma_wait3A_426, %dma_wait3A_427] : memref<10240x128xf32, #tpu.memory_space<vmem_shared>> -> memref<10240x128xf32, #tpu.memory_space<vmem_shared>>
          tpu.wait_indirect_dma semaphore(%run_scoped3A_416 : memref<!tpu.dma_semaphore, #tpu.memory_space<semaphore_mem>>) src(%arg12 : memref<128x128xf32, #tpu.memory_space<vmem>>) dst(%dma_wait3A_428 : memref<10240x128xf32, #tpu.memory_space<vmem_shared>>)
          tpu.yield
        }) : () -> ()
        %add3A_213 = arith.constant 2 : i32
        %add3A_214 = arith.addi %mul3A_154, %add3A_213 : i32
        %mul3A_215 = arith.constant 16 : i32
        %mul3A_216 = arith.muli %mul3A_215, %add3A_214 : i32
        %add3A_217 = arith.addi %arg1, %mul3A_216 : i32
        %mul3A_218 = arith.constant 128 : i32
        %mul3A_219 = arith.muli %add3A_217, %mul3A_218 : i32
        %dma_wait3A_220 = arith.constant 0 : i32
        %dma_wait3A_221 = arith.constant 0 : i32
        %dma_wait3A_222 = tpu.memref_slice %arg10[%dma_wait3A_220, %dma_wait3A_221] : memref<2x128xi32, #tpu.memory_space<vmem>> -> memref<1x128xi32, #tpu.memory_space<vmem>>
        %dma_wait3A_223 = tpu.memref_squeeze %dma_wait3A_222 : memref<1x128xi32, #tpu.memory_space<vmem>> -> memref<128xi32, #tpu.memory_space<vmem>>
        %dma_wait3A_224 = tpu.memref_slice %arg4[%mul3A_219] : memref<160000xi32, #tpu.memory_space<hbm>> -> memref<128xi32, #tpu.memory_space<hbm>>
        %dma_wait3A_225 = arith.constant 0 : i32
        %dma_wait3A_226 = tpu.memref_slice %arg10[%dma_wait3A_220, %dma_wait3A_225] : memref<2x128xi32, #tpu.memory_space<vmem>> -> memref<1x128xi32, #tpu.memory_space<vmem>>
        %dma_wait3A_227 = tpu.memref_squeeze %dma_wait3A_226 : memref<1x128xi32, #tpu.memory_space<vmem>> -> memref<128xi32, #tpu.memory_space<vmem>>
        %dma_wait3A_228 = tpu.memref_slice %arg4[%mul3A_219] : memref<160000xi32, #tpu.memory_space<hbm>> -> memref<128xi32, #tpu.memory_space<hbm>>
        tpu.wait_dma2 semaphore(%arg17 : memref<!tpu.dma_semaphore, #tpu.memory_space<semaphore_mem>>) src(%dma_wait3A_228 : memref<128xi32, #tpu.memory_space<hbm>>) dst(%dma_wait3A_227 : memref<128xi32, #tpu.memory_space<vmem>>)
        %dma_wait3A_229 = arith.constant 1 : i32
        %dma_wait3A_230 = arith.constant 0 : i32
        %dma_wait3A_231 = tpu.memref_slice %arg10[%dma_wait3A_229, %dma_wait3A_230] : memref<2x128xi32, #tpu.memory_space<vmem>> -> memref<1x128xi32, #tpu.memory_space<vmem>>
        %dma_wait3A_232 = tpu.memref_squeeze %dma_wait3A_231 : memref<1x128xi32, #tpu.memory_space<vmem>> -> memref<128xi32, #tpu.memory_space<vmem>>
        %dma_wait3A_233 = tpu.memref_slice %arg5[%mul3A_219] : memref<160000xi32, #tpu.memory_space<hbm>> -> memref<128xi32, #tpu.memory_space<hbm>>
        %dma_wait3A_234 = arith.constant 0 : i32
        %dma_wait3A_235 = tpu.memref_slice %arg10[%dma_wait3A_229, %dma_wait3A_234] : memref<2x128xi32, #tpu.memory_space<vmem>> -> memref<1x128xi32, #tpu.memory_space<vmem>>
        %dma_wait3A_236 = tpu.memref_squeeze %dma_wait3A_235 : memref<1x128xi32, #tpu.memory_space<vmem>> -> memref<128xi32, #tpu.memory_space<vmem>>
        %dma_wait3A_237 = tpu.memref_slice %arg5[%mul3A_219] : memref<160000xi32, #tpu.memory_space<hbm>> -> memref<128xi32, #tpu.memory_space<hbm>>
        tpu.wait_dma2 semaphore(%arg17 : memref<!tpu.dma_semaphore, #tpu.memory_space<semaphore_mem>>) src(%dma_wait3A_237 : memref<128xi32, #tpu.memory_space<hbm>>) dst(%dma_wait3A_236 : memref<128xi32, #tpu.memory_space<vmem>>)
        %dma_start3A_238 = arith.constant 0 : i32
        %dma_start3A_239 = arith.constant 0 : i32
        %dma_start3A_240 = tpu.memref_slice %arg10[%dma_start3A_238, %dma_start3A_239] : memref<2x128xi32, #tpu.memory_space<vmem>> -> memref<1x128xi32, #tpu.memory_space<vmem>>
        %dma_start3A_241 = tpu.memref_squeeze %dma_start3A_240 : memref<1x128xi32, #tpu.memory_space<vmem>> -> memref<128xi32, #tpu.memory_space<vmem>>
        %dma_start3A_242 = arith.constant 0 : i32
        %dma_start3A_243 = arith.constant 0 : i32
        %dma_start3A_244 = tpu.memref_slice %arg3[%dma_start3A_242, %dma_start3A_243] : memref<10000x128xf32, #tpu.memory_space<hbm>> -> memref<10000x128xf32, #tpu.memory_space<hbm>>
        tpu.enqueue_indirect_dma source(%dma_start3A_244 : memref<10000x128xf32, #tpu.memory_space<hbm>>) target(%arg12 : memref<128x128xf32, #tpu.memory_space<vmem>>) offsets(%dma_start3A_241 : memref<128xi32, #tpu.memory_space<vmem>>) semaphore(%arg19 : memref<!tpu.dma_semaphore, #tpu.memory_space<semaphore_mem>>)
        %dma_wait3A_245 = arith.constant 0 : i32
        %dma_wait3A_246 = arith.constant 0 : i32
        %dma_wait3A_247 = tpu.memref_slice %arg9[%dma_wait3A_245, %dma_wait3A_246] : memref<2x128xi32, #tpu.memory_space<vmem>> -> memref<1x128xi32, #tpu.memory_space<vmem>>
        %dma_wait3A_248 = tpu.memref_squeeze %dma_wait3A_247 : memref<1x128xi32, #tpu.memory_space<vmem>> -> memref<128xi32, #tpu.memory_space<vmem>>
        %dma_wait3A_249 = arith.constant 0 : i32
        %dma_wait3A_250 = arith.constant 0 : i32
        %dma_wait3A_251 = tpu.memref_slice %arg3[%dma_wait3A_249, %dma_wait3A_250] : memref<10000x128xf32, #tpu.memory_space<hbm>> -> memref<10000x128xf32, #tpu.memory_space<hbm>>
        tpu.wait_indirect_dma semaphore(%arg20 : memref<!tpu.dma_semaphore, #tpu.memory_space<semaphore_mem>>) src(%dma_wait3A_251 : memref<10000x128xf32, #tpu.memory_space<hbm>>) dst(%arg13 : memref<128x128xf32, #tpu.memory_space<vmem>>)
        %run_scoped3A_252 = arith.constant 1 : i32
        "tpu.region"() ({
          %run_scoped3A_416 = tpu.sem_alloc : memref<!tpu.dma_semaphore, #tpu.memory_space<semaphore_mem>>
          %dma_start3A_417 = arith.constant 0 : i32
          %dma_start3A_418 = tpu.memref_slice %arg9[%run_scoped3A_252, %dma_start3A_417] : memref<2x128xi32, #tpu.memory_space<vmem>> -> memref<1x128xi32, #tpu.memory_space<vmem>>
          %dma_start3A_419 = tpu.memref_squeeze %dma_start3A_418 : memref<1x128xi32, #tpu.memory_space<vmem>> -> memref<128xi32, #tpu.memory_space<vmem>>
          %dma_start3A_420 = arith.constant 0 : i32
          %dma_start3A_421 = arith.constant 0 : i32
          %dma_start3A_422 = tpu.memref_slice %arg14[%dma_start3A_420, %dma_start3A_421] : memref<10240x128xf32, #tpu.memory_space<vmem_shared>> -> memref<10240x128xf32, #tpu.memory_space<vmem_shared>>
          tpu.enqueue_indirect_dma source(%arg13 : memref<128x128xf32, #tpu.memory_space<vmem>>) target(%dma_start3A_422 : memref<10240x128xf32, #tpu.memory_space<vmem_shared>>) offsets(%dma_start3A_419 : memref<128xi32, #tpu.memory_space<vmem>>) semaphore(%run_scoped3A_416 : memref<!tpu.dma_semaphore, #tpu.memory_space<semaphore_mem>>) {add = true}
          %dma_wait3A_423 = arith.constant 0 : i32
          %dma_wait3A_424 = tpu.memref_slice %arg9[%run_scoped3A_252, %dma_wait3A_423] : memref<2x128xi32, #tpu.memory_space<vmem>> -> memref<1x128xi32, #tpu.memory_space<vmem>>
          %dma_wait3A_425 = tpu.memref_squeeze %dma_wait3A_424 : memref<1x128xi32, #tpu.memory_space<vmem>> -> memref<128xi32, #tpu.memory_space<vmem>>
          %dma_wait3A_426 = arith.constant 0 : i32
          %dma_wait3A_427 = arith.constant 0 : i32
          %dma_wait3A_428 = tpu.memref_slice %arg14[%dma_wait3A_426, %dma_wait3A_427] : memref<10240x128xf32, #tpu.memory_space<vmem_shared>> -> memref<10240x128xf32, #tpu.memory_space<vmem_shared>>
          tpu.wait_indirect_dma semaphore(%run_scoped3A_416 : memref<!tpu.dma_semaphore, #tpu.memory_space<semaphore_mem>>) src(%arg13 : memref<128x128xf32, #tpu.memory_space<vmem>>) dst(%dma_wait3A_428 : memref<10240x128xf32, #tpu.memory_space<vmem_shared>>)
          tpu.yield
        }) : () -> ()
        %add3A_253 = arith.constant 3 : i32
        %add3A_254 = arith.addi %mul3A_154, %add3A_253 : i32
        %mul3A_255 = arith.constant 16 : i32
        %mul3A_256 = arith.muli %mul3A_255, %add3A_254 : i32
        %add3A_257 = arith.addi %arg1, %mul3A_256 : i32
        %mul3A_258 = arith.constant 128 : i32
        %mul3A_259 = arith.muli %add3A_257, %mul3A_258 : i32
        %dma_wait3A_260 = arith.constant 0 : i32
        %dma_wait3A_261 = arith.constant 0 : i32
        %dma_wait3A_262 = tpu.memref_slice %arg11[%dma_wait3A_260, %dma_wait3A_261] : memref<2x128xi32, #tpu.memory_space<vmem>> -> memref<1x128xi32, #tpu.memory_space<vmem>>
        %dma_wait3A_263 = tpu.memref_squeeze %dma_wait3A_262 : memref<1x128xi32, #tpu.memory_space<vmem>> -> memref<128xi32, #tpu.memory_space<vmem>>
        %dma_wait3A_264 = tpu.memref_slice %arg4[%mul3A_259] : memref<160000xi32, #tpu.memory_space<hbm>> -> memref<128xi32, #tpu.memory_space<hbm>>
        %dma_wait3A_265 = arith.constant 0 : i32
        %dma_wait3A_266 = tpu.memref_slice %arg11[%dma_wait3A_260, %dma_wait3A_265] : memref<2x128xi32, #tpu.memory_space<vmem>> -> memref<1x128xi32, #tpu.memory_space<vmem>>
        %dma_wait3A_267 = tpu.memref_squeeze %dma_wait3A_266 : memref<1x128xi32, #tpu.memory_space<vmem>> -> memref<128xi32, #tpu.memory_space<vmem>>
        %dma_wait3A_268 = tpu.memref_slice %arg4[%mul3A_259] : memref<160000xi32, #tpu.memory_space<hbm>> -> memref<128xi32, #tpu.memory_space<hbm>>
        tpu.wait_dma2 semaphore(%arg18 : memref<!tpu.dma_semaphore, #tpu.memory_space<semaphore_mem>>) src(%dma_wait3A_268 : memref<128xi32, #tpu.memory_space<hbm>>) dst(%dma_wait3A_267 : memref<128xi32, #tpu.memory_space<vmem>>)
        %dma_wait3A_269 = arith.constant 1 : i32
        %dma_wait3A_270 = arith.constant 0 : i32
        %dma_wait3A_271 = tpu.memref_slice %arg11[%dma_wait3A_269, %dma_wait3A_270] : memref<2x128xi32, #tpu.memory_space<vmem>> -> memref<1x128xi32, #tpu.memory_space<vmem>>
        %dma_wait3A_272 = tpu.memref_squeeze %dma_wait3A_271 : memref<1x128xi32, #tpu.memory_space<vmem>> -> memref<128xi32, #tpu.memory_space<vmem>>
        %dma_wait3A_273 = tpu.memref_slice %arg5[%mul3A_259] : memref<160000xi32, #tpu.memory_space<hbm>> -> memref<128xi32, #tpu.memory_space<hbm>>
        %dma_wait3A_274 = arith.constant 0 : i32
        %dma_wait3A_275 = tpu.memref_slice %arg11[%dma_wait3A_269, %dma_wait3A_274] : memref<2x128xi32, #tpu.memory_space<vmem>> -> memref<1x128xi32, #tpu.memory_space<vmem>>
        %dma_wait3A_276 = tpu.memref_squeeze %dma_wait3A_275 : memref<1x128xi32, #tpu.memory_space<vmem>> -> memref<128xi32, #tpu.memory_space<vmem>>
        %dma_wait3A_277 = tpu.memref_slice %arg5[%mul3A_259] : memref<160000xi32, #tpu.memory_space<hbm>> -> memref<128xi32, #tpu.memory_space<hbm>>
        tpu.wait_dma2 semaphore(%arg18 : memref<!tpu.dma_semaphore, #tpu.memory_space<semaphore_mem>>) src(%dma_wait3A_277 : memref<128xi32, #tpu.memory_space<hbm>>) dst(%dma_wait3A_276 : memref<128xi32, #tpu.memory_space<vmem>>)
        %dma_start3A_278 = arith.constant 0 : i32
        %dma_start3A_279 = arith.constant 0 : i32
        %dma_start3A_280 = tpu.memref_slice %arg11[%dma_start3A_278, %dma_start3A_279] : memref<2x128xi32, #tpu.memory_space<vmem>> -> memref<1x128xi32, #tpu.memory_space<vmem>>
        %dma_start3A_281 = tpu.memref_squeeze %dma_start3A_280 : memref<1x128xi32, #tpu.memory_space<vmem>> -> memref<128xi32, #tpu.memory_space<vmem>>
        %dma_start3A_282 = arith.constant 0 : i32
        %dma_start3A_283 = arith.constant 0 : i32
        %dma_start3A_284 = tpu.memref_slice %arg3[%dma_start3A_282, %dma_start3A_283] : memref<10000x128xf32, #tpu.memory_space<hbm>> -> memref<10000x128xf32, #tpu.memory_space<hbm>>
        tpu.enqueue_indirect_dma source(%dma_start3A_284 : memref<10000x128xf32, #tpu.memory_space<hbm>>) target(%arg13 : memref<128x128xf32, #tpu.memory_space<vmem>>) offsets(%dma_start3A_281 : memref<128xi32, #tpu.memory_space<vmem>>) semaphore(%arg20 : memref<!tpu.dma_semaphore, #tpu.memory_space<semaphore_mem>>)
        %add3A_285 = arith.constant 4 : i32
        %add3A_286 = arith.addi %mul3A_154, %add3A_285 : i32
        %mul3A_287 = arith.constant 16 : i32
        %mul3A_288 = arith.muli %mul3A_287, %add3A_286 : i32
        %add3A_289 = arith.addi %arg1, %mul3A_288 : i32
        %mul3A_290 = arith.constant 128 : i32
        %mul3A_291 = arith.muli %add3A_289, %mul3A_290 : i32
        %dma_start3A_292 = arith.constant 0 : i32
        %dma_start3A_293 = arith.constant 0 : i32
        %dma_start3A_294 = tpu.memref_slice %arg8[%dma_start3A_292, %dma_start3A_293] : memref<2x128xi32, #tpu.memory_space<vmem>> -> memref<1x128xi32, #tpu.memory_space<vmem>>
        %dma_start3A_295 = tpu.memref_squeeze %dma_start3A_294 : memref<1x128xi32, #tpu.memory_space<vmem>> -> memref<128xi32, #tpu.memory_space<vmem>>
        %dma_start3A_296 = tpu.memref_slice %arg4[%mul3A_291] : memref<160000xi32, #tpu.memory_space<hbm>> -> memref<128xi32, #tpu.memory_space<hbm>>
        %dma_start3A_297 = arith.constant 0 : i32
        %dma_start3A_298 = tpu.memref_slice %arg8[%dma_start3A_292, %dma_start3A_297] : memref<2x128xi32, #tpu.memory_space<vmem>> -> memref<1x128xi32, #tpu.memory_space<vmem>>
        %dma_start3A_299 = tpu.memref_squeeze %dma_start3A_298 : memref<1x128xi32, #tpu.memory_space<vmem>> -> memref<128xi32, #tpu.memory_space<vmem>>
        %dma_start3A_300 = tpu.memref_slice %arg4[%mul3A_291] : memref<160000xi32, #tpu.memory_space<hbm>> -> memref<128xi32, #tpu.memory_space<hbm>>
        tpu.enqueue_dma source(%dma_start3A_300 : memref<128xi32, #tpu.memory_space<hbm>>) target(%dma_start3A_299 : memref<128xi32, #tpu.memory_space<vmem>>) target_semaphore(%arg15 : memref<!tpu.dma_semaphore, #tpu.memory_space<semaphore_mem>>)
        %dma_start3A_301 = arith.constant 1 : i32
        %dma_start3A_302 = arith.constant 0 : i32
        %dma_start3A_303 = tpu.memref_slice %arg8[%dma_start3A_301, %dma_start3A_302] : memref<2x128xi32, #tpu.memory_space<vmem>> -> memref<1x128xi32, #tpu.memory_space<vmem>>
        %dma_start3A_304 = tpu.memref_squeeze %dma_start3A_303 : memref<1x128xi32, #tpu.memory_space<vmem>> -> memref<128xi32, #tpu.memory_space<vmem>>
        %dma_start3A_305 = tpu.memref_slice %arg5[%mul3A_291] : memref<160000xi32, #tpu.memory_space<hbm>> -> memref<128xi32, #tpu.memory_space<hbm>>
        %dma_start3A_306 = arith.constant 0 : i32
        %dma_start3A_307 = tpu.memref_slice %arg8[%dma_start3A_301, %dma_start3A_306] : memref<2x128xi32, #tpu.memory_space<vmem>> -> memref<1x128xi32, #tpu.memory_space<vmem>>
        %dma_start3A_308 = tpu.memref_squeeze %dma_start3A_307 : memref<1x128xi32, #tpu.memory_space<vmem>> -> memref<128xi32, #tpu.memory_space<vmem>>
        %dma_start3A_309 = tpu.memref_slice %arg5[%mul3A_291] : memref<160000xi32, #tpu.memory_space<hbm>> -> memref<128xi32, #tpu.memory_space<hbm>>
        tpu.enqueue_dma source(%dma_start3A_309 : memref<128xi32, #tpu.memory_space<hbm>>) target(%dma_start3A_308 : memref<128xi32, #tpu.memory_space<vmem>>) target_semaphore(%arg15 : memref<!tpu.dma_semaphore, #tpu.memory_space<semaphore_mem>>)
        %add3A_310 = arith.constant 5 : i32
        %add3A_311 = arith.addi %mul3A_154, %add3A_310 : i32
        %mul3A_312 = arith.constant 16 : i32
        %mul3A_313 = arith.muli %mul3A_312, %add3A_311 : i32
        %add3A_314 = arith.addi %arg1, %mul3A_313 : i32
        %mul3A_315 = arith.constant 128 : i32
        %mul3A_316 = arith.muli %add3A_314, %mul3A_315 : i32
        %dma_start3A_317 = arith.constant 0 : i32
        %dma_start3A_318 = arith.constant 0 : i32
        %dma_start3A_319 = tpu.memref_slice %arg9[%dma_start3A_317, %dma_start3A_318] : memref<2x128xi32, #tpu.memory_space<vmem>> -> memref<1x128xi32, #tpu.memory_space<vmem>>
        %dma_start3A_320 = tpu.memref_squeeze %dma_start3A_319 : memref<1x128xi32, #tpu.memory_space<vmem>> -> memref<128xi32, #tpu.memory_space<vmem>>
        %dma_start3A_321 = tpu.memref_slice %arg4[%mul3A_316] : memref<160000xi32, #tpu.memory_space<hbm>> -> memref<128xi32, #tpu.memory_space<hbm>>
        %dma_start3A_322 = arith.constant 0 : i32
        %dma_start3A_323 = tpu.memref_slice %arg9[%dma_start3A_317, %dma_start3A_322] : memref<2x128xi32, #tpu.memory_space<vmem>> -> memref<1x128xi32, #tpu.memory_space<vmem>>
        %dma_start3A_324 = tpu.memref_squeeze %dma_start3A_323 : memref<1x128xi32, #tpu.memory_space<vmem>> -> memref<128xi32, #tpu.memory_space<vmem>>
        %dma_start3A_325 = tpu.memref_slice %arg4[%mul3A_316] : memref<160000xi32, #tpu.memory_space<hbm>> -> memref<128xi32, #tpu.memory_space<hbm>>
        tpu.enqueue_dma source(%dma_start3A_325 : memref<128xi32, #tpu.memory_space<hbm>>) target(%dma_start3A_324 : memref<128xi32, #tpu.memory_space<vmem>>) target_semaphore(%arg16 : memref<!tpu.dma_semaphore, #tpu.memory_space<semaphore_mem>>)
        %dma_start3A_326 = arith.constant 1 : i32
        %dma_start3A_327 = arith.constant 0 : i32
        %dma_start3A_328 = tpu.memref_slice %arg9[%dma_start3A_326, %dma_start3A_327] : memref<2x128xi32, #tpu.memory_space<vmem>> -> memref<1x128xi32, #tpu.memory_space<vmem>>
        %dma_start3A_329 = tpu.memref_squeeze %dma_start3A_328 : memref<1x128xi32, #tpu.memory_space<vmem>> -> memref<128xi32, #tpu.memory_space<vmem>>
        %dma_start3A_330 = tpu.memref_slice %arg5[%mul3A_316] : memref<160000xi32, #tpu.memory_space<hbm>> -> memref<128xi32, #tpu.memory_space<hbm>>
        %dma_start3A_331 = arith.constant 0 : i32
        %dma_start3A_332 = tpu.memref_slice %arg9[%dma_start3A_326, %dma_start3A_331] : memref<2x128xi32, #tpu.memory_space<vmem>> -> memref<1x128xi32, #tpu.memory_space<vmem>>
        %dma_start3A_333 = tpu.memref_squeeze %dma_start3A_332 : memref<1x128xi32, #tpu.memory_space<vmem>> -> memref<128xi32, #tpu.memory_space<vmem>>
        %dma_start3A_334 = tpu.memref_slice %arg5[%mul3A_316] : memref<160000xi32, #tpu.memory_space<hbm>> -> memref<128xi32, #tpu.memory_space<hbm>>
        tpu.enqueue_dma source(%dma_start3A_334 : memref<128xi32, #tpu.memory_space<hbm>>) target(%dma_start3A_333 : memref<128xi32, #tpu.memory_space<vmem>>) target_semaphore(%arg16 : memref<!tpu.dma_semaphore, #tpu.memory_space<semaphore_mem>>)
        %dma_wait3A_335 = arith.constant 0 : i32
        %dma_wait3A_336 = arith.constant 0 : i32
        %dma_wait3A_337 = tpu.memref_slice %arg10[%dma_wait3A_335, %dma_wait3A_336] : memref<2x128xi32, #tpu.memory_space<vmem>> -> memref<1x128xi32, #tpu.memory_space<vmem>>
        %dma_wait3A_338 = tpu.memref_squeeze %dma_wait3A_337 : memref<1x128xi32, #tpu.memory_space<vmem>> -> memref<128xi32, #tpu.memory_space<vmem>>
        %dma_wait3A_339 = arith.constant 0 : i32
        %dma_wait3A_340 = arith.constant 0 : i32
        %dma_wait3A_341 = tpu.memref_slice %arg3[%dma_wait3A_339, %dma_wait3A_340] : memref<10000x128xf32, #tpu.memory_space<hbm>> -> memref<10000x128xf32, #tpu.memory_space<hbm>>
        tpu.wait_indirect_dma semaphore(%arg19 : memref<!tpu.dma_semaphore, #tpu.memory_space<semaphore_mem>>) src(%dma_wait3A_341 : memref<10000x128xf32, #tpu.memory_space<hbm>>) dst(%arg12 : memref<128x128xf32, #tpu.memory_space<vmem>>)
        %run_scoped3A_342 = arith.constant 1 : i32
        "tpu.region"() ({
          %run_scoped3A_416 = tpu.sem_alloc : memref<!tpu.dma_semaphore, #tpu.memory_space<semaphore_mem>>
          %dma_start3A_417 = arith.constant 0 : i32
          %dma_start3A_418 = tpu.memref_slice %arg10[%run_scoped3A_342, %dma_start3A_417] : memref<2x128xi32, #tpu.memory_space<vmem>> -> memref<1x128xi32, #tpu.memory_space<vmem>>
          %dma_start3A_419 = tpu.memref_squeeze %dma_start3A_418 : memref<1x128xi32, #tpu.memory_space<vmem>> -> memref<128xi32, #tpu.memory_space<vmem>>
          %dma_start3A_420 = arith.constant 0 : i32
          %dma_start3A_421 = arith.constant 0 : i32
          %dma_start3A_422 = tpu.memref_slice %arg14[%dma_start3A_420, %dma_start3A_421] : memref<10240x128xf32, #tpu.memory_space<vmem_shared>> -> memref<10240x128xf32, #tpu.memory_space<vmem_shared>>
          tpu.enqueue_indirect_dma source(%arg12 : memref<128x128xf32, #tpu.memory_space<vmem>>) target(%dma_start3A_422 : memref<10240x128xf32, #tpu.memory_space<vmem_shared>>) offsets(%dma_start3A_419 : memref<128xi32, #tpu.memory_space<vmem>>) semaphore(%run_scoped3A_416 : memref<!tpu.dma_semaphore, #tpu.memory_space<semaphore_mem>>) {add = true}
          %dma_wait3A_423 = arith.constant 0 : i32
          %dma_wait3A_424 = tpu.memref_slice %arg10[%run_scoped3A_342, %dma_wait3A_423] : memref<2x128xi32, #tpu.memory_space<vmem>> -> memref<1x128xi32, #tpu.memory_space<vmem>>
          %dma_wait3A_425 = tpu.memref_squeeze %dma_wait3A_424 : memref<1x128xi32, #tpu.memory_space<vmem>> -> memref<128xi32, #tpu.memory_space<vmem>>
          %dma_wait3A_426 = arith.constant 0 : i32
          %dma_wait3A_427 = arith.constant 0 : i32
          %dma_wait3A_428 = tpu.memref_slice %arg14[%dma_wait3A_426, %dma_wait3A_427] : memref<10240x128xf32, #tpu.memory_space<vmem_shared>> -> memref<10240x128xf32, #tpu.memory_space<vmem_shared>>
          tpu.wait_indirect_dma semaphore(%run_scoped3A_416 : memref<!tpu.dma_semaphore, #tpu.memory_space<semaphore_mem>>) src(%arg12 : memref<128x128xf32, #tpu.memory_space<vmem>>) dst(%dma_wait3A_428 : memref<10240x128xf32, #tpu.memory_space<vmem_shared>>)
          tpu.yield
        }) : () -> ()
        %add3A_343 = arith.constant 4 : i32
        %add3A_344 = arith.addi %mul3A_154, %add3A_343 : i32
        %mul3A_345 = arith.constant 16 : i32
        %mul3A_346 = arith.muli %mul3A_345, %add3A_344 : i32
        %add3A_347 = arith.addi %arg1, %mul3A_346 : i32
        %mul3A_348 = arith.constant 128 : i32
        %mul3A_349 = arith.muli %add3A_347, %mul3A_348 : i32
        %dma_wait3A_350 = arith.constant 0 : i32
        %dma_wait3A_351 = arith.constant 0 : i32
        %dma_wait3A_352 = tpu.memref_slice %arg8[%dma_wait3A_350, %dma_wait3A_351] : memref<2x128xi32, #tpu.memory_space<vmem>> -> memref<1x128xi32, #tpu.memory_space<vmem>>
        %dma_wait3A_353 = tpu.memref_squeeze %dma_wait3A_352 : memref<1x128xi32, #tpu.memory_space<vmem>> -> memref<128xi32, #tpu.memory_space<vmem>>
        %dma_wait3A_354 = tpu.memref_slice %arg4[%mul3A_349] : memref<160000xi32, #tpu.memory_space<hbm>> -> memref<128xi32, #tpu.memory_space<hbm>>
        %dma_wait3A_355 = arith.constant 0 : i32
        %dma_wait3A_356 = tpu.memref_slice %arg8[%dma_wait3A_350, %dma_wait3A_355] : memref<2x128xi32, #tpu.memory_space<vmem>> -> memref<1x128xi32, #tpu.memory_space<vmem>>
        %dma_wait3A_357 = tpu.memref_squeeze %dma_wait3A_356 : memref<1x128xi32, #tpu.memory_space<vmem>> -> memref<128xi32, #tpu.memory_space<vmem>>
        %dma_wait3A_358 = tpu.memref_slice %arg4[%mul3A_349] : memref<160000xi32, #tpu.memory_space<hbm>> -> memref<128xi32, #tpu.memory_space<hbm>>
        tpu.wait_dma2 semaphore(%arg15 : memref<!tpu.dma_semaphore, #tpu.memory_space<semaphore_mem>>) src(%dma_wait3A_358 : memref<128xi32, #tpu.memory_space<hbm>>) dst(%dma_wait3A_357 : memref<128xi32, #tpu.memory_space<vmem>>)
        %dma_wait3A_359 = arith.constant 1 : i32
        %dma_wait3A_360 = arith.constant 0 : i32
        %dma_wait3A_361 = tpu.memref_slice %arg8[%dma_wait3A_359, %dma_wait3A_360] : memref<2x128xi32, #tpu.memory_space<vmem>> -> memref<1x128xi32, #tpu.memory_space<vmem>>
        %dma_wait3A_362 = tpu.memref_squeeze %dma_wait3A_361 : memref<1x128xi32, #tpu.memory_space<vmem>> -> memref<128xi32, #tpu.memory_space<vmem>>
        %dma_wait3A_363 = tpu.memref_slice %arg5[%mul3A_349] : memref<160000xi32, #tpu.memory_space<hbm>> -> memref<128xi32, #tpu.memory_space<hbm>>
        %dma_wait3A_364 = arith.constant 0 : i32
        %dma_wait3A_365 = tpu.memref_slice %arg8[%dma_wait3A_359, %dma_wait3A_364] : memref<2x128xi32, #tpu.memory_space<vmem>> -> memref<1x128xi32, #tpu.memory_space<vmem>>
        %dma_wait3A_366 = tpu.memref_squeeze %dma_wait3A_365 : memref<1x128xi32, #tpu.memory_space<vmem>> -> memref<128xi32, #tpu.memory_space<vmem>>
        %dma_wait3A_367 = tpu.memref_slice %arg5[%mul3A_349] : memref<160000xi32, #tpu.memory_space<hbm>> -> memref<128xi32, #tpu.memory_space<hbm>>
        tpu.wait_dma2 semaphore(%arg15 : memref<!tpu.dma_semaphore, #tpu.memory_space<semaphore_mem>>) src(%dma_wait3A_367 : memref<128xi32, #tpu.memory_space<hbm>>) dst(%dma_wait3A_366 : memref<128xi32, #tpu.memory_space<vmem>>)
        %dma_start3A_368 = arith.constant 0 : i32
        %dma_start3A_369 = arith.constant 0 : i32
        %dma_start3A_370 = tpu.memref_slice %arg8[%dma_start3A_368, %dma_start3A_369] : memref<2x128xi32, #tpu.memory_space<vmem>> -> memref<1x128xi32, #tpu.memory_space<vmem>>
        %dma_start3A_371 = tpu.memref_squeeze %dma_start3A_370 : memref<1x128xi32, #tpu.memory_space<vmem>> -> memref<128xi32, #tpu.memory_space<vmem>>
        %dma_start3A_372 = arith.constant 0 : i32
        %dma_start3A_373 = arith.constant 0 : i32
        %dma_start3A_374 = tpu.memref_slice %arg3[%dma_start3A_372, %dma_start3A_373] : memref<10000x128xf32, #tpu.memory_space<hbm>> -> memref<10000x128xf32, #tpu.memory_space<hbm>>
        tpu.enqueue_indirect_dma source(%dma_start3A_374 : memref<10000x128xf32, #tpu.memory_space<hbm>>) target(%arg12 : memref<128x128xf32, #tpu.memory_space<vmem>>) offsets(%dma_start3A_371 : memref<128xi32, #tpu.memory_space<vmem>>) semaphore(%arg19 : memref<!tpu.dma_semaphore, #tpu.memory_space<semaphore_mem>>)
        %dma_wait3A_375 = arith.constant 0 : i32
        %dma_wait3A_376 = arith.constant 0 : i32
        %dma_wait3A_377 = tpu.memref_slice %arg11[%dma_wait3A_375, %dma_wait3A_376] : memref<2x128xi32, #tpu.memory_space<vmem>> -> memref<1x128xi32, #tpu.memory_space<vmem>>
        %dma_wait3A_378 = tpu.memref_squeeze %dma_wait3A_377 : memref<1x128xi32, #tpu.memory_space<vmem>> -> memref<128xi32, #tpu.memory_space<vmem>>
        %dma_wait3A_379 = arith.constant 0 : i32
        %dma_wait3A_380 = arith.constant 0 : i32
        %dma_wait3A_381 = tpu.memref_slice %arg3[%dma_wait3A_379, %dma_wait3A_380] : memref<10000x128xf32, #tpu.memory_space<hbm>> -> memref<10000x128xf32, #tpu.memory_space<hbm>>
        tpu.wait_indirect_dma semaphore(%arg20 : memref<!tpu.dma_semaphore, #tpu.memory_space<semaphore_mem>>) src(%dma_wait3A_381 : memref<10000x128xf32, #tpu.memory_space<hbm>>) dst(%arg13 : memref<128x128xf32, #tpu.memory_space<vmem>>)
        %run_scoped3A_382 = arith.constant 1 : i32
        "tpu.region"() ({
          %run_scoped3A_416 = tpu.sem_alloc : memref<!tpu.dma_semaphore, #tpu.memory_space<semaphore_mem>>
          %dma_start3A_417 = arith.constant 0 : i32
          %dma_start3A_418 = tpu.memref_slice %arg11[%run_scoped3A_382, %dma_start3A_417] : memref<2x128xi32, #tpu.memory_space<vmem>> -> memref<1x128xi32, #tpu.memory_space<vmem>>
          %dma_start3A_419 = tpu.memref_squeeze %dma_start3A_418 : memref<1x128xi32, #tpu.memory_space<vmem>> -> memref<128xi32, #tpu.memory_space<vmem>>
          %dma_start3A_420 = arith.constant 0 : i32
          %dma_start3A_421 = arith.constant 0 : i32
          %dma_start3A_422 = tpu.memref_slice %arg14[%dma_start3A_420, %dma_start3A_421] : memref<10240x128xf32, #tpu.memory_space<vmem_shared>> -> memref<10240x128xf32, #tpu.memory_space<vmem_shared>>
          tpu.enqueue_indirect_dma source(%arg13 : memref<128x128xf32, #tpu.memory_space<vmem>>) target(%dma_start3A_422 : memref<10240x128xf32, #tpu.memory_space<vmem_shared>>) offsets(%dma_start3A_419 : memref<128xi32, #tpu.memory_space<vmem>>) semaphore(%run_scoped3A_416 : memref<!tpu.dma_semaphore, #tpu.memory_space<semaphore_mem>>) {add = true}
          %dma_wait3A_423 = arith.constant 0 : i32
          %dma_wait3A_424 = tpu.memref_slice %arg11[%run_scoped3A_382, %dma_wait3A_423] : memref<2x128xi32, #tpu.memory_space<vmem>> -> memref<1x128xi32, #tpu.memory_space<vmem>>
          %dma_wait3A_425 = tpu.memref_squeeze %dma_wait3A_424 : memref<1x128xi32, #tpu.memory_space<vmem>> -> memref<128xi32, #tpu.memory_space<vmem>>
          %dma_wait3A_426 = arith.constant 0 : i32
          %dma_wait3A_427 = arith.constant 0 : i32
          %dma_wait3A_428 = tpu.memref_slice %arg14[%dma_wait3A_426, %dma_wait3A_427] : memref<10240x128xf32, #tpu.memory_space<vmem_shared>> -> memref<10240x128xf32, #tpu.memory_space<vmem_shared>>
          tpu.wait_indirect_dma semaphore(%run_scoped3A_416 : memref<!tpu.dma_semaphore, #tpu.memory_space<semaphore_mem>>) src(%arg13 : memref<128x128xf32, #tpu.memory_space<vmem>>) dst(%dma_wait3A_428 : memref<10240x128xf32, #tpu.memory_space<vmem_shared>>)
          tpu.yield
        }) : () -> ()
        %add3A_383 = arith.constant 5 : i32
        %add3A_384 = arith.addi %mul3A_154, %add3A_383 : i32
        %mul3A_385 = arith.constant 16 : i32
        %mul3A_386 = arith.muli %mul3A_385, %add3A_384 : i32
        %add3A_387 = arith.addi %arg1, %mul3A_386 : i32
        %mul3A_388 = arith.constant 128 : i32
        %mul3A_389 = arith.muli %add3A_387, %mul3A_388 : i32
        %dma_wait3A_390 = arith.constant 0 : i32
        %dma_wait3A_391 = arith.constant 0 : i32
        %dma_wait3A_392 = tpu.memref_slice %arg9[%dma_wait3A_390, %dma_wait3A_391] : memref<2x128xi32, #tpu.memory_space<vmem>> -> memref<1x128xi32, #tpu.memory_space<vmem>>
        %dma_wait3A_393 = tpu.memref_squeeze %dma_wait3A_392 : memref<1x128xi32, #tpu.memory_space<vmem>> -> memref<128xi32, #tpu.memory_space<vmem>>
        %dma_wait3A_394 = tpu.memref_slice %arg4[%mul3A_389] : memref<160000xi32, #tpu.memory_space<hbm>> -> memref<128xi32, #tpu.memory_space<hbm>>
        %dma_wait3A_395 = arith.constant 0 : i32
        %dma_wait3A_396 = tpu.memref_slice %arg9[%dma_wait3A_390, %dma_wait3A_395] : memref<2x128xi32, #tpu.memory_space<vmem>> -> memref<1x128xi32, #tpu.memory_space<vmem>>
        %dma_wait3A_397 = tpu.memref_squeeze %dma_wait3A_396 : memref<1x128xi32, #tpu.memory_space<vmem>> -> memref<128xi32, #tpu.memory_space<vmem>>
        %dma_wait3A_398 = tpu.memref_slice %arg4[%mul3A_389] : memref<160000xi32, #tpu.memory_space<hbm>> -> memref<128xi32, #tpu.memory_space<hbm>>
        tpu.wait_dma2 semaphore(%arg16 : memref<!tpu.dma_semaphore, #tpu.memory_space<semaphore_mem>>) src(%dma_wait3A_398 : memref<128xi32, #tpu.memory_space<hbm>>) dst(%dma_wait3A_397 : memref<128xi32, #tpu.memory_space<vmem>>)
        %dma_wait3A_399 = arith.constant 1 : i32
        %dma_wait3A_400 = arith.constant 0 : i32
        %dma_wait3A_401 = tpu.memref_slice %arg9[%dma_wait3A_399, %dma_wait3A_400] : memref<2x128xi32, #tpu.memory_space<vmem>> -> memref<1x128xi32, #tpu.memory_space<vmem>>
        %dma_wait3A_402 = tpu.memref_squeeze %dma_wait3A_401 : memref<1x128xi32, #tpu.memory_space<vmem>> -> memref<128xi32, #tpu.memory_space<vmem>>
        %dma_wait3A_403 = tpu.memref_slice %arg5[%mul3A_389] : memref<160000xi32, #tpu.memory_space<hbm>> -> memref<128xi32, #tpu.memory_space<hbm>>
        %dma_wait3A_404 = arith.constant 0 : i32
        %dma_wait3A_405 = tpu.memref_slice %arg9[%dma_wait3A_399, %dma_wait3A_404] : memref<2x128xi32, #tpu.memory_space<vmem>> -> memref<1x128xi32, #tpu.memory_space<vmem>>
        %dma_wait3A_406 = tpu.memref_squeeze %dma_wait3A_405 : memref<1x128xi32, #tpu.memory_space<vmem>> -> memref<128xi32, #tpu.memory_space<vmem>>
        %dma_wait3A_407 = tpu.memref_slice %arg5[%mul3A_389] : memref<160000xi32, #tpu.memory_space<hbm>> -> memref<128xi32, #tpu.memory_space<hbm>>
        tpu.wait_dma2 semaphore(%arg16 : memref<!tpu.dma_semaphore, #tpu.memory_space<semaphore_mem>>) src(%dma_wait3A_407 : memref<128xi32, #tpu.memory_space<hbm>>) dst(%dma_wait3A_406 : memref<128xi32, #tpu.memory_space<vmem>>)
        %dma_start3A_408 = arith.constant 0 : i32
        %dma_start3A_409 = arith.constant 0 : i32
        %dma_start3A_410 = tpu.memref_slice %arg9[%dma_start3A_408, %dma_start3A_409] : memref<2x128xi32, #tpu.memory_space<vmem>> -> memref<1x128xi32, #tpu.memory_space<vmem>>
        %dma_start3A_411 = tpu.memref_squeeze %dma_start3A_410 : memref<1x128xi32, #tpu.memory_space<vmem>> -> memref<128xi32, #tpu.memory_space<vmem>>
        %dma_start3A_412 = arith.constant 0 : i32
        %dma_start3A_413 = arith.constant 0 : i32
        %dma_start3A_414 = tpu.memref_slice %arg3[%dma_start3A_412, %dma_start3A_413] : memref<10000x128xf32, #tpu.memory_space<hbm>> -> memref<10000x128xf32, #tpu.memory_space<hbm>>
        tpu.enqueue_indirect_dma source(%dma_start3A_414 : memref<10000x128xf32, #tpu.memory_space<hbm>>) target(%arg13 : memref<128x128xf32, #tpu.memory_space<vmem>>) offsets(%dma_start3A_411 : memref<128xi32, #tpu.memory_space<vmem>>) semaphore(%arg20 : memref<!tpu.dma_semaphore, #tpu.memory_space<semaphore_mem>>)
        %scan3A_415 = arith.constant 0 : i32
        scf.yield %scan3A_415 : i32
      }
      %scan3A_131 = arith.constant 19 : i32
      %dma_wait3A_132 = arith.constant 0 : i32
      %dma_wait3A_133 = arith.constant 0 : i32
      %dma_wait3A_134 = tpu.memref_slice %arg8[%dma_wait3A_132, %dma_wait3A_133] : memref<2x128xi32, #tpu.memory_space<vmem>> -> memref<1x128xi32, #tpu.memory_space<vmem>>
      %dma_wait3A_135 = tpu.memref_squeeze %dma_wait3A_134 : memref<1x128xi32, #tpu.memory_space<vmem>> -> memref<128xi32, #tpu.memory_space<vmem>>
      %dma_wait3A_136 = arith.constant 0 : i32
      %dma_wait3A_137 = arith.constant 0 : i32
      %dma_wait3A_138 = tpu.memref_slice %arg3[%dma_wait3A_136, %dma_wait3A_137] : memref<10000x128xf32, #tpu.memory_space<hbm>> -> memref<10000x128xf32, #tpu.memory_space<hbm>>
      tpu.wait_indirect_dma semaphore(%arg19 : memref<!tpu.dma_semaphore, #tpu.memory_space<semaphore_mem>>) src(%dma_wait3A_138 : memref<10000x128xf32, #tpu.memory_space<hbm>>) dst(%arg12 : memref<128x128xf32, #tpu.memory_space<vmem>>)
      %run_scoped3A = arith.constant 1 : i32
      "tpu.region"() ({
        %run_scoped3A_151 = tpu.sem_alloc : memref<!tpu.dma_semaphore, #tpu.memory_space<semaphore_mem>>
        %dma_start3A_152 = arith.constant 0 : i32
        %dma_start3A_153 = tpu.memref_slice %arg8[%run_scoped3A, %dma_start3A_152] : memref<2x128xi32, #tpu.memory_space<vmem>> -> memref<1x128xi32, #tpu.memory_space<vmem>>
        %dma_start3A_154 = tpu.memref_squeeze %dma_start3A_153 : memref<1x128xi32, #tpu.memory_space<vmem>> -> memref<128xi32, #tpu.memory_space<vmem>>
        %dma_start3A_155 = arith.constant 0 : i32
        %dma_start3A_156 = arith.constant 0 : i32
        %dma_start3A_157 = tpu.memref_slice %arg14[%dma_start3A_155, %dma_start3A_156] : memref<10240x128xf32, #tpu.memory_space<vmem_shared>> -> memref<10240x128xf32, #tpu.memory_space<vmem_shared>>
        tpu.enqueue_indirect_dma source(%arg12 : memref<128x128xf32, #tpu.memory_space<vmem>>) target(%dma_start3A_157 : memref<10240x128xf32, #tpu.memory_space<vmem_shared>>) offsets(%dma_start3A_154 : memref<128xi32, #tpu.memory_space<vmem>>) semaphore(%run_scoped3A_151 : memref<!tpu.dma_semaphore, #tpu.memory_space<semaphore_mem>>) {add = true}
        %dma_wait3A_158 = arith.constant 0 : i32
        %dma_wait3A_159 = tpu.memref_slice %arg8[%run_scoped3A, %dma_wait3A_158] : memref<2x128xi32, #tpu.memory_space<vmem>> -> memref<1x128xi32, #tpu.memory_space<vmem>>
        %dma_wait3A_160 = tpu.memref_squeeze %dma_wait3A_159 : memref<1x128xi32, #tpu.memory_space<vmem>> -> memref<128xi32, #tpu.memory_space<vmem>>
        %dma_wait3A_161 = arith.constant 0 : i32
        %dma_wait3A_162 = arith.constant 0 : i32
        %dma_wait3A_163 = tpu.memref_slice %arg14[%dma_wait3A_161, %dma_wait3A_162] : memref<10240x128xf32, #tpu.memory_space<vmem_shared>> -> memref<10240x128xf32, #tpu.memory_space<vmem_shared>>
        tpu.wait_indirect_dma semaphore(%run_scoped3A_151 : memref<!tpu.dma_semaphore, #tpu.memory_space<semaphore_mem>>) src(%arg12 : memref<128x128xf32, #tpu.memory_space<vmem>>) dst(%dma_wait3A_163 : memref<10240x128xf32, #tpu.memory_space<vmem_shared>>)
        tpu.yield
      }) : () -> ()
      %dma_wait3A_139 = arith.constant 0 : i32
      %dma_wait3A_140 = arith.constant 0 : i32
      %dma_wait3A_141 = tpu.memref_slice %arg9[%dma_wait3A_139, %dma_wait3A_140] : memref<2x128xi32, #tpu.memory_space<vmem>> -> memref<1x128xi32, #tpu.memory_space<vmem>>
      %dma_wait3A_142 = tpu.memref_squeeze %dma_wait3A_141 : memref<1x128xi32, #tpu.memory_space<vmem>> -> memref<128xi32, #tpu.memory_space<vmem>>
      %dma_wait3A_143 = arith.constant 0 : i32
      %dma_wait3A_144 = arith.constant 0 : i32
      %dma_wait3A_145 = tpu.memref_slice %arg3[%dma_wait3A_143, %dma_wait3A_144] : memref<10000x128xf32, #tpu.memory_space<hbm>> -> memref<10000x128xf32, #tpu.memory_space<hbm>>
      tpu.wait_indirect_dma semaphore(%arg20 : memref<!tpu.dma_semaphore, #tpu.memory_space<semaphore_mem>>) src(%dma_wait3A_145 : memref<10000x128xf32, #tpu.memory_space<hbm>>) dst(%arg13 : memref<128x128xf32, #tpu.memory_space<vmem>>)
      %run_scoped3A_146 = arith.constant 1 : i32
      "tpu.region"() ({
        %run_scoped3A_151 = tpu.sem_alloc : memref<!tpu.dma_semaphore, #tpu.memory_space<semaphore_mem>>
        %dma_start3A_152 = arith.constant 0 : i32
        %dma_start3A_153 = tpu.memref_slice %arg9[%run_scoped3A_146, %dma_start3A_152] : memref<2x128xi32, #tpu.memory_space<vmem>> -> memref<1x128xi32, #tpu.memory_space<vmem>>
        %dma_start3A_154 = tpu.memref_squeeze %dma_start3A_153 : memref<1x128xi32, #tpu.memory_space<vmem>> -> memref<128xi32, #tpu.memory_space<vmem>>
        %dma_start3A_155 = arith.constant 0 : i32
        %dma_start3A_156 = arith.constant 0 : i32
        %dma_start3A_157 = tpu.memref_slice %arg14[%dma_start3A_155, %dma_start3A_156] : memref<10240x128xf32, #tpu.memory_space<vmem_shared>> -> memref<10240x128xf32, #tpu.memory_space<vmem_shared>>
        tpu.enqueue_indirect_dma source(%arg13 : memref<128x128xf32, #tpu.memory_space<vmem>>) target(%dma_start3A_157 : memref<10240x128xf32, #tpu.memory_space<vmem_shared>>) offsets(%dma_start3A_154 : memref<128xi32, #tpu.memory_space<vmem>>) semaphore(%run_scoped3A_151 : memref<!tpu.dma_semaphore, #tpu.memory_space<semaphore_mem>>) {add = true}
        %dma_wait3A_158 = arith.constant 0 : i32
        %dma_wait3A_159 = tpu.memref_slice %arg9[%run_scoped3A_146, %dma_wait3A_158] : memref<2x128xi32, #tpu.memory_space<vmem>> -> memref<1x128xi32, #tpu.memory_space<vmem>>
        %dma_wait3A_160 = tpu.memref_squeeze %dma_wait3A_159 : memref<1x128xi32, #tpu.memory_space<vmem>> -> memref<128xi32, #tpu.memory_space<vmem>>
        %dma_wait3A_161 = arith.constant 0 : i32
        %dma_wait3A_162 = arith.constant 0 : i32
        %dma_wait3A_163 = tpu.memref_slice %arg14[%dma_wait3A_161, %dma_wait3A_162] : memref<10240x128xf32, #tpu.memory_space<vmem_shared>> -> memref<10240x128xf32, #tpu.memory_space<vmem_shared>>
        tpu.wait_indirect_dma semaphore(%run_scoped3A_151 : memref<!tpu.dma_semaphore, #tpu.memory_space<semaphore_mem>>) src(%arg13 : memref<128x128xf32, #tpu.memory_space<vmem>>) dst(%dma_wait3A_163 : memref<10240x128xf32, #tpu.memory_space<vmem_shared>>)
        tpu.yield
      }) : () -> ()
      %lt3A = arith.constant 2 : i32
      %lt3A_147 = arith.cmpi slt, %arg1, %lt3A : i32
      %convert_element_type3A_148 = arith.extui %lt3A_147 : i1 to i32
      %cond3A_149 = arith.constant 0 : i32
      %cond3A_150 = arith.cmpi ne, %convert_element_type3A_148, %cond3A_149 : i32
      scf.if %cond3A_150 {
        %add3A_151 = arith.constant 1248 : i32
        %add3A_152 = arith.addi %add3A_151, %arg1 : i32
        %mul3A_153 = arith.constant 128 : i32
        %mul3A_154 = arith.muli %add3A_152, %mul3A_153 : i32
        %run_scoped3A_155 = arith.constant 0 : i32
        "tpu.region"() ({
          %run_scoped3A_172 = tpu.sem_alloc : memref<!tpu.dma_semaphore, #tpu.memory_space<semaphore_mem>>
          %dma_start3A_173 = arith.constant 0 : i32
          %dma_start3A_174 = tpu.memref_slice %arg8[%run_scoped3A_155, %dma_start3A_173] : memref<2x128xi32, #tpu.memory_space<vmem>> -> memref<1x128xi32, #tpu.memory_space<vmem>>
          %dma_start3A_175 = tpu.memref_squeeze %dma_start3A_174 : memref<1x128xi32, #tpu.memory_space<vmem>> -> memref<128xi32, #tpu.memory_space<vmem>>
          %dma_start3A_176 = tpu.memref_slice %arg4[%mul3A_154] : memref<160000xi32, #tpu.memory_space<hbm>> -> memref<128xi32, #tpu.memory_space<hbm>>
          %dma_start3A_177 = arith.constant 0 : i32
          %dma_start3A_178 = tpu.memref_slice %arg8[%run_scoped3A_155, %dma_start3A_177] : memref<2x128xi32, #tpu.memory_space<vmem>> -> memref<1x128xi32, #tpu.memory_space<vmem>>
          %dma_start3A_179 = tpu.memref_squeeze %dma_start3A_178 : memref<1x128xi32, #tpu.memory_space<vmem>> -> memref<128xi32, #tpu.memory_space<vmem>>
          %dma_start3A_180 = tpu.memref_slice %arg4[%mul3A_154] : memref<160000xi32, #tpu.memory_space<hbm>> -> memref<128xi32, #tpu.memory_space<hbm>>
          tpu.enqueue_dma source(%dma_start3A_180 : memref<128xi32, #tpu.memory_space<hbm>>) target(%dma_start3A_179 : memref<128xi32, #tpu.memory_space<vmem>>) target_semaphore(%run_scoped3A_172 : memref<!tpu.dma_semaphore, #tpu.memory_space<semaphore_mem>>)
          %dma_wait3A_181 = arith.constant 0 : i32
          %dma_wait3A_182 = tpu.memref_slice %arg8[%run_scoped3A_155, %dma_wait3A_181] : memref<2x128xi32, #tpu.memory_space<vmem>> -> memref<1x128xi32, #tpu.memory_space<vmem>>
          %dma_wait3A_183 = tpu.memref_squeeze %dma_wait3A_182 : memref<1x128xi32, #tpu.memory_space<vmem>> -> memref<128xi32, #tpu.memory_space<vmem>>
          %dma_wait3A_184 = tpu.memref_slice %arg4[%mul3A_154] : memref<160000xi32, #tpu.memory_space<hbm>> -> memref<128xi32, #tpu.memory_space<hbm>>
          %dma_wait3A_185 = arith.constant 0 : i32
          %dma_wait3A_186 = tpu.memref_slice %arg8[%run_scoped3A_155, %dma_wait3A_185] : memref<2x128xi32, #tpu.memory_space<vmem>> -> memref<1x128xi32, #tpu.memory_space<vmem>>
          %dma_wait3A_187 = tpu.memref_squeeze %dma_wait3A_186 : memref<1x128xi32, #tpu.memory_space<vmem>> -> memref<128xi32, #tpu.memory_space<vmem>>
          %dma_wait3A_188 = tpu.memref_slice %arg4[%mul3A_154] : memref<160000xi32, #tpu.memory_space<hbm>> -> memref<128xi32, #tpu.memory_space<hbm>>
          tpu.wait_dma2 semaphore(%run_scoped3A_172 : memref<!tpu.dma_semaphore, #tpu.memory_space<semaphore_mem>>) src(%dma_wait3A_188 : memref<128xi32, #tpu.memory_space<hbm>>) dst(%dma_wait3A_187 : memref<128xi32, #tpu.memory_space<vmem>>)
          tpu.yield
        }) : () -> ()
        %run_scoped3A_156 = arith.constant 1 : i32
        "tpu.region"() ({
          %run_scoped3A_172 = tpu.sem_alloc : memref<!tpu.dma_semaphore, #tpu.memory_space<semaphore_mem>>
          %dma_start3A_173 = arith.constant 0 : i32
          %dma_start3A_174 = tpu.memref_slice %arg8[%run_scoped3A_156, %dma_start3A_173] : memref<2x128xi32, #tpu.memory_space<vmem>> -> memref<1x128xi32, #tpu.memory_space<vmem>>
          %dma_start3A_175 = tpu.memref_squeeze %dma_start3A_174 : memref<1x128xi32, #tpu.memory_space<vmem>> -> memref<128xi32, #tpu.memory_space<vmem>>
          %dma_start3A_176 = tpu.memref_slice %arg5[%mul3A_154] : memref<160000xi32, #tpu.memory_space<hbm>> -> memref<128xi32, #tpu.memory_space<hbm>>
          %dma_start3A_177 = arith.constant 0 : i32
          %dma_start3A_178 = tpu.memref_slice %arg8[%run_scoped3A_156, %dma_start3A_177] : memref<2x128xi32, #tpu.memory_space<vmem>> -> memref<1x128xi32, #tpu.memory_space<vmem>>
          %dma_start3A_179 = tpu.memref_squeeze %dma_start3A_178 : memref<1x128xi32, #tpu.memory_space<vmem>> -> memref<128xi32, #tpu.memory_space<vmem>>
          %dma_start3A_180 = tpu.memref_slice %arg5[%mul3A_154] : memref<160000xi32, #tpu.memory_space<hbm>> -> memref<128xi32, #tpu.memory_space<hbm>>
          tpu.enqueue_dma source(%dma_start3A_180 : memref<128xi32, #tpu.memory_space<hbm>>) target(%dma_start3A_179 : memref<128xi32, #tpu.memory_space<vmem>>) target_semaphore(%run_scoped3A_172 : memref<!tpu.dma_semaphore, #tpu.memory_space<semaphore_mem>>)
          %dma_wait3A_181 = arith.constant 0 : i32
          %dma_wait3A_182 = tpu.memref_slice %arg8[%run_scoped3A_156, %dma_wait3A_181] : memref<2x128xi32, #tpu.memory_space<vmem>> -> memref<1x128xi32, #tpu.memory_space<vmem>>
          %dma_wait3A_183 = tpu.memref_squeeze %dma_wait3A_182 : memref<1x128xi32, #tpu.memory_space<vmem>> -> memref<128xi32, #tpu.memory_space<vmem>>
          %dma_wait3A_184 = tpu.memref_slice %arg5[%mul3A_154] : memref<160000xi32, #tpu.memory_space<hbm>> -> memref<128xi32, #tpu.memory_space<hbm>>
          %dma_wait3A_185 = arith.constant 0 : i32
          %dma_wait3A_186 = tpu.memref_slice %arg8[%run_scoped3A_156, %dma_wait3A_185] : memref<2x128xi32, #tpu.memory_space<vmem>> -> memref<1x128xi32, #tpu.memory_space<vmem>>
          %dma_wait3A_187 = tpu.memref_squeeze %dma_wait3A_186 : memref<1x128xi32, #tpu.memory_space<vmem>> -> memref<128xi32, #tpu.memory_space<vmem>>
          %dma_wait3A_188 = tpu.memref_slice %arg5[%mul3A_154] : memref<160000xi32, #tpu.memory_space<hbm>> -> memref<128xi32, #tpu.memory_space<hbm>>
          tpu.wait_dma2 semaphore(%run_scoped3A_172 : memref<!tpu.dma_semaphore, #tpu.memory_space<semaphore_mem>>) src(%dma_wait3A_188 : memref<128xi32, #tpu.memory_space<hbm>>) dst(%dma_wait3A_187 : memref<128xi32, #tpu.memory_space<vmem>>)
          tpu.yield
        }) : () -> ()
        %dma_start3A_157 = arith.constant 0 : i32
        %dma_start3A_158 = arith.constant 0 : i32
        %dma_start3A_159 = tpu.memref_slice %arg8[%dma_start3A_157, %dma_start3A_158] : memref<2x128xi32, #tpu.memory_space<vmem>> -> memref<1x128xi32, #tpu.memory_space<vmem>>
        %dma_start3A_160 = tpu.memref_squeeze %dma_start3A_159 : memref<1x128xi32, #tpu.memory_space<vmem>> -> memref<128xi32, #tpu.memory_space<vmem>>
        %dma_start3A_161 = arith.constant 0 : i32
        %dma_start3A_162 = arith.constant 0 : i32
        %dma_start3A_163 = tpu.memref_slice %arg3[%dma_start3A_161, %dma_start3A_162] : memref<10000x128xf32, #tpu.memory_space<hbm>> -> memref<10000x128xf32, #tpu.memory_space<hbm>>
        tpu.enqueue_indirect_dma source(%dma_start3A_163 : memref<10000x128xf32, #tpu.memory_space<hbm>>) target(%arg12 : memref<128x128xf32, #tpu.memory_space<vmem>>) offsets(%dma_start3A_160 : memref<128xi32, #tpu.memory_space<vmem>>) semaphore(%arg19 : memref<!tpu.dma_semaphore, #tpu.memory_space<semaphore_mem>>)
        %dma_wait3A_164 = arith.constant 0 : i32
        %dma_wait3A_165 = arith.constant 0 : i32
        %dma_wait3A_166 = tpu.memref_slice %arg8[%dma_wait3A_164, %dma_wait3A_165] : memref<2x128xi32, #tpu.memory_space<vmem>> -> memref<1x128xi32, #tpu.memory_space<vmem>>
        %dma_wait3A_167 = tpu.memref_squeeze %dma_wait3A_166 : memref<1x128xi32, #tpu.memory_space<vmem>> -> memref<128xi32, #tpu.memory_space<vmem>>
        %dma_wait3A_168 = arith.constant 0 : i32
        %dma_wait3A_169 = arith.constant 0 : i32
        %dma_wait3A_170 = tpu.memref_slice %arg3[%dma_wait3A_168, %dma_wait3A_169] : memref<10000x128xf32, #tpu.memory_space<hbm>> -> memref<10000x128xf32, #tpu.memory_space<hbm>>
        tpu.wait_indirect_dma semaphore(%arg19 : memref<!tpu.dma_semaphore, #tpu.memory_space<semaphore_mem>>) src(%dma_wait3A_170 : memref<10000x128xf32, #tpu.memory_space<hbm>>) dst(%arg12 : memref<128x128xf32, #tpu.memory_space<vmem>>)
        %run_scoped3A_171 = arith.constant 1 : i32
        "tpu.region"() ({
          %run_scoped3A_172 = tpu.sem_alloc : memref<!tpu.dma_semaphore, #tpu.memory_space<semaphore_mem>>
          %dma_start3A_173 = arith.constant 0 : i32
          %dma_start3A_174 = tpu.memref_slice %arg8[%run_scoped3A_171, %dma_start3A_173] : memref<2x128xi32, #tpu.memory_space<vmem>> -> memref<1x128xi32, #tpu.memory_space<vmem>>
          %dma_start3A_175 = tpu.memref_squeeze %dma_start3A_174 : memref<1x128xi32, #tpu.memory_space<vmem>> -> memref<128xi32, #tpu.memory_space<vmem>>
          %dma_start3A_176 = arith.constant 0 : i32
          %dma_start3A_177 = arith.constant 0 : i32
          %dma_start3A_178 = tpu.memref_slice %arg14[%dma_start3A_176, %dma_start3A_177] : memref<10240x128xf32, #tpu.memory_space<vmem_shared>> -> memref<10240x128xf32, #tpu.memory_space<vmem_shared>>
          tpu.enqueue_indirect_dma source(%arg12 : memref<128x128xf32, #tpu.memory_space<vmem>>) target(%dma_start3A_178 : memref<10240x128xf32, #tpu.memory_space<vmem_shared>>) offsets(%dma_start3A_175 : memref<128xi32, #tpu.memory_space<vmem>>) semaphore(%run_scoped3A_172 : memref<!tpu.dma_semaphore, #tpu.memory_space<semaphore_mem>>) {add = true}
          %dma_wait3A_179 = arith.constant 0 : i32
          %dma_wait3A_180 = tpu.memref_slice %arg8[%run_scoped3A_171, %dma_wait3A_179] : memref<2x128xi32, #tpu.memory_space<vmem>> -> memref<1x128xi32, #tpu.memory_space<vmem>>
          %dma_wait3A_181 = tpu.memref_squeeze %dma_wait3A_180 : memref<1x128xi32, #tpu.memory_space<vmem>> -> memref<128xi32, #tpu.memory_space<vmem>>
          %dma_wait3A_182 = arith.constant 0 : i32
          %dma_wait3A_183 = arith.constant 0 : i32
          %dma_wait3A_184 = tpu.memref_slice %arg14[%dma_wait3A_182, %dma_wait3A_183] : memref<10240x128xf32, #tpu.memory_space<vmem_shared>> -> memref<10240x128xf32, #tpu.memory_space<vmem_shared>>
          tpu.wait_indirect_dma semaphore(%run_scoped3A_172 : memref<!tpu.dma_semaphore, #tpu.memory_space<semaphore_mem>>) src(%arg12 : memref<128x128xf32, #tpu.memory_space<vmem>>) dst(%dma_wait3A_184 : memref<10240x128xf32, #tpu.memory_space<vmem_shared>>)
          tpu.yield
        }) : () -> ()
      } else {
      }
    } else {
    }
    %barrier3A_17 = arith.constant 0 : index
    tpu.barrier barrier_id(%barrier3A_17)
    %eq3A_18 = arith.constant 0 : i32
    %eq3A_19 = arith.cmpi eq, %arg0, %eq3A_18 : i32
    %convert_element_type3A_20 = arith.extui %eq3A_19 : i1 to i32
    %cond3A_21 = arith.constant 0 : i32
    %cond3A_22 = arith.cmpi ne, %convert_element_type3A_20, %cond3A_21 : i32
    scf.if %cond3A_22 {
      %lt3A = arith.constant 15 : i32
      %lt3A_28 = arith.cmpi slt, %arg1, %lt3A : i32
      %convert_element_type3A_29 = arith.extui %lt3A_28 : i1 to i32
      %cond3A_30 = arith.constant 0 : i32
      %cond3A_31 = arith.cmpi ne, %convert_element_type3A_29, %cond3A_30 : i32
      scf.if %cond3A_31 {
        %mul3A = arith.constant 640 : i32
        %mul3A_37 = arith.muli %arg1, %mul3A : i32
        "tpu.region"() ({
          %run_scoped3A = tpu.sem_alloc : memref<!tpu.dma_semaphore, #tpu.memory_space<semaphore_mem>>
          %dma_start3A = arith.constant 0 : i32
          %dma_start3A_38 = tpu.memref_slice %arg6[%mul3A_37, %dma_start3A] : memref<10000x128xf32, #tpu.memory_space<hbm>> -> memref<640x128xf32, #tpu.memory_space<hbm>>
          %dma_start3A_39 = arith.constant 0 : i32
          %dma_start3A_40 = tpu.memref_slice %arg14[%mul3A_37, %dma_start3A_39] : memref<10240x128xf32, #tpu.memory_space<vmem_shared>> -> memref<640x128xf32, #tpu.memory_space<vmem_shared>>
          tpu.enqueue_dma source(%dma_start3A_40 : memref<640x128xf32, #tpu.memory_space<vmem_shared>>) target(%dma_start3A_38 : memref<640x128xf32, #tpu.memory_space<hbm>>) target_semaphore(%run_scoped3A : memref<!tpu.dma_semaphore, #tpu.memory_space<semaphore_mem>>)
          %dma_wait3A = arith.constant 0 : i32
          %dma_wait3A_41 = tpu.memref_slice %arg6[%mul3A_37, %dma_wait3A] : memref<10000x128xf32, #tpu.memory_space<hbm>> -> memref<640x128xf32, #tpu.memory_space<hbm>>
          %dma_wait3A_42 = arith.constant 0 : i32
          %dma_wait3A_43 = tpu.memref_slice %arg14[%mul3A_37, %dma_wait3A_42] : memref<10240x128xf32, #tpu.memory_space<vmem_shared>> -> memref<640x128xf32, #tpu.memory_space<vmem_shared>>
          tpu.wait_dma2 semaphore(%run_scoped3A : memref<!tpu.dma_semaphore, #tpu.memory_space<semaphore_mem>>) src(%dma_wait3A_43 : memref<640x128xf32, #tpu.memory_space<vmem_shared>>) dst(%dma_wait3A_41 : memref<640x128xf32, #tpu.memory_space<hbm>>)
          tpu.yield
        }) : () -> ()
      } else {
      }
      %eq3A_32 = arith.constant 15 : i32
      %eq3A_33 = arith.cmpi eq, %arg1, %eq3A_32 : i32
      %convert_element_type3A_34 = arith.extui %eq3A_33 : i1 to i32
      %cond3A_35 = arith.constant 0 : i32
      %cond3A_36 = arith.cmpi ne, %convert_element_type3A_34, %cond3A_35 : i32
      scf.if %cond3A_36 {
        "tpu.region"() ({
          %run_scoped3A = tpu.sem_alloc : memref<!tpu.dma_semaphore, #tpu.memory_space<semaphore_mem>>
          %dma_start3A = arith.constant 9600 : i32
          %dma_start3A_37 = arith.constant 0 : i32
          %dma_start3A_38 = tpu.memref_slice %arg6[%dma_start3A, %dma_start3A_37] : memref<10000x128xf32, #tpu.memory_space<hbm>> -> memref<400x128xf32, #tpu.memory_space<hbm>>
          %dma_start3A_39 = arith.constant 9600 : i32
          %dma_start3A_40 = arith.constant 0 : i32
          %dma_start3A_41 = tpu.memref_slice %arg14[%dma_start3A_39, %dma_start3A_40] : memref<10240x128xf32, #tpu.memory_space<vmem_shared>> -> memref<400x128xf32, #tpu.memory_space<vmem_shared>>
          tpu.enqueue_dma source(%dma_start3A_41 : memref<400x128xf32, #tpu.memory_space<vmem_shared>>) target(%dma_start3A_38 : memref<400x128xf32, #tpu.memory_space<hbm>>) target_semaphore(%run_scoped3A : memref<!tpu.dma_semaphore, #tpu.memory_space<semaphore_mem>>)
          %dma_wait3A = arith.constant 9600 : i32
          %dma_wait3A_42 = arith.constant 0 : i32
          %dma_wait3A_43 = tpu.memref_slice %arg6[%dma_wait3A, %dma_wait3A_42] : memref<10000x128xf32, #tpu.memory_space<hbm>> -> memref<400x128xf32, #tpu.memory_space<hbm>>
          %dma_wait3A_44 = arith.constant 9600 : i32
          %dma_wait3A_45 = arith.constant 0 : i32
          %dma_wait3A_46 = tpu.memref_slice %arg14[%dma_wait3A_44, %dma_wait3A_45] : memref<10240x128xf32, #tpu.memory_space<vmem_shared>> -> memref<400x128xf32, #tpu.memory_space<vmem_shared>>
          tpu.wait_dma2 semaphore(%run_scoped3A : memref<!tpu.dma_semaphore, #tpu.memory_space<semaphore_mem>>) src(%dma_wait3A_46 : memref<400x128xf32, #tpu.memory_space<vmem_shared>>) dst(%dma_wait3A_43 : memref<400x128xf32, #tpu.memory_space<hbm>>)
          tpu.yield
        }) : () -> ()
      } else {
      }
    } else {
    }
    %eq3A_23 = arith.constant 1 : i32
    %eq3A_24 = arith.cmpi eq, %arg0, %eq3A_23 : i32
    %convert_element_type3A_25 = arith.extui %eq3A_24 : i1 to i32
    %cond3A_26 = arith.constant 0 : i32
    %cond3A_27 = arith.cmpi ne, %convert_element_type3A_25, %cond3A_26 : i32
    scf.if %cond3A_27 {
      %lt3A = arith.constant 15 : i32
      %lt3A_28 = arith.cmpi slt, %arg1, %lt3A : i32
      %convert_element_type3A_29 = arith.extui %lt3A_28 : i1 to i32
      %cond3A_30 = arith.constant 0 : i32
      %cond3A_31 = arith.cmpi ne, %convert_element_type3A_29, %cond3A_30 : i32
      scf.if %cond3A_31 {
        %mul3A = arith.constant 640 : i32
        %mul3A_37 = arith.muli %arg1, %mul3A : i32
        "tpu.region"() ({
          %run_scoped3A = tpu.sem_alloc : memref<!tpu.dma_semaphore, #tpu.memory_space<semaphore_mem>>
          %dma_start3A = arith.constant 0 : i32
          %dma_start3A_38 = tpu.memref_slice %arg7[%mul3A_37, %dma_start3A] : memref<10000x128xf32, #tpu.memory_space<hbm>> -> memref<640x128xf32, #tpu.memory_space<hbm>>
          %dma_start3A_39 = arith.constant 0 : i32
          %dma_start3A_40 = tpu.memref_slice %arg14[%mul3A_37, %dma_start3A_39] : memref<10240x128xf32, #tpu.memory_space<vmem_shared>> -> memref<640x128xf32, #tpu.memory_space<vmem_shared>>
          tpu.enqueue_dma source(%dma_start3A_40 : memref<640x128xf32, #tpu.memory_space<vmem_shared>>) target(%dma_start3A_38 : memref<640x128xf32, #tpu.memory_space<hbm>>) target_semaphore(%run_scoped3A : memref<!tpu.dma_semaphore, #tpu.memory_space<semaphore_mem>>)
          %dma_wait3A = arith.constant 0 : i32
          %dma_wait3A_41 = tpu.memref_slice %arg7[%mul3A_37, %dma_wait3A] : memref<10000x128xf32, #tpu.memory_space<hbm>> -> memref<640x128xf32, #tpu.memory_space<hbm>>
          %dma_wait3A_42 = arith.constant 0 : i32
          %dma_wait3A_43 = tpu.memref_slice %arg14[%mul3A_37, %dma_wait3A_42] : memref<10240x128xf32, #tpu.memory_space<vmem_shared>> -> memref<640x128xf32, #tpu.memory_space<vmem_shared>>
          tpu.wait_dma2 semaphore(%run_scoped3A : memref<!tpu.dma_semaphore, #tpu.memory_space<semaphore_mem>>) src(%dma_wait3A_43 : memref<640x128xf32, #tpu.memory_space<vmem_shared>>) dst(%dma_wait3A_41 : memref<640x128xf32, #tpu.memory_space<hbm>>)
          tpu.yield
        }) : () -> ()
      } else {
      }
      %eq3A_32 = arith.constant 15 : i32
      %eq3A_33 = arith.cmpi eq, %arg1, %eq3A_32 : i32
      %convert_element_type3A_34 = arith.extui %eq3A_33 : i1 to i32
      %cond3A_35 = arith.constant 0 : i32
      %cond3A_36 = arith.cmpi ne, %convert_element_type3A_34, %cond3A_35 : i32
      scf.if %cond3A_36 {
        "tpu.region"() ({
          %run_scoped3A = tpu.sem_alloc : memref<!tpu.dma_semaphore, #tpu.memory_space<semaphore_mem>>
          %dma_start3A = arith.constant 9600 : i32
          %dma_start3A_37 = arith.constant 0 : i32
          %dma_start3A_38 = tpu.memref_slice %arg7[%dma_start3A, %dma_start3A_37] : memref<10000x128xf32, #tpu.memory_space<hbm>> -> memref<400x128xf32, #tpu.memory_space<hbm>>
          %dma_start3A_39 = arith.constant 9600 : i32
          %dma_start3A_40 = arith.constant 0 : i32
          %dma_start3A_41 = tpu.memref_slice %arg14[%dma_start3A_39, %dma_start3A_40] : memref<10240x128xf32, #tpu.memory_space<vmem_shared>> -> memref<400x128xf32, #tpu.memory_space<vmem_shared>>
          tpu.enqueue_dma source(%dma_start3A_41 : memref<400x128xf32, #tpu.memory_space<vmem_shared>>) target(%dma_start3A_38 : memref<400x128xf32, #tpu.memory_space<hbm>>) target_semaphore(%run_scoped3A : memref<!tpu.dma_semaphore, #tpu.memory_space<semaphore_mem>>)
          %dma_wait3A = arith.constant 9600 : i32
          %dma_wait3A_42 = arith.constant 0 : i32
          %dma_wait3A_43 = tpu.memref_slice %arg7[%dma_wait3A, %dma_wait3A_42] : memref<10000x128xf32, #tpu.memory_space<hbm>> -> memref<400x128xf32, #tpu.memory_space<hbm>>
          %dma_wait3A_44 = arith.constant 9600 : i32
          %dma_wait3A_45 = arith.constant 0 : i32
          %dma_wait3A_46 = tpu.memref_slice %arg14[%dma_wait3A_44, %dma_wait3A_45] : memref<10240x128xf32, #tpu.memory_space<vmem_shared>> -> memref<400x128xf32, #tpu.memory_space<vmem_shared>>
          tpu.wait_dma2 semaphore(%run_scoped3A : memref<!tpu.dma_semaphore, #tpu.memory_space<semaphore_mem>>) src(%dma_wait3A_46 : memref<400x128xf32, #tpu.memory_space<vmem_shared>>) dst(%dma_wait3A_43 : memref<400x128xf32, #tpu.memory_space<hbm>>)
          tpu.yield
        }) : () -> ()
      } else {
      }
    } else {
    }
    return
  }
}

module attributes {stable_mosaic.version = 14 : i64} {
  func.func @_project_body(%arg0: i32, %arg1: memref<1000x256xf32, #tpu.memory_space<vmem>>, %arg2: memref<256x256xf32, #tpu.memory_space<vmem>>, %arg3: memref<1000x1xf32, #tpu.memory_space<vmem>>, %arg4: memref<1000x1xf32, #tpu.memory_space<vmem>>, %arg5: memref<1000x128xf32, #tpu.memory_space<vmem>>, %arg6: memref<1000x128xf32, #tpu.memory_space<vmem>>, %arg7: memref<1000x1xf32, #tpu.memory_space<vmem>>) attributes {dimension_semantics = [#tpu.dimension_semantics<arbitrary>], iteration_bounds = array<i64: 10>, scalar_prefetch = 0 : i64, scratch_operands = 0 : i64, tpu.core_type = #tpu.core_type<tc>, window_params = [{transform_indices = @transform_0, window_bounds = array<i64: 1000, 256>}, {pipeline_mode = #tpu.pipeline_mode<synchronous>, transform_indices = @transform_1, window_bounds = array<i64: 256, 256>}, {transform_indices = @transform_2, window_bounds = array<i64: 1000, 1>}, {transform_indices = @transform_3, window_bounds = array<i64: 1000, 1>}, {transform_indices = @transform_4, window_bounds = array<i64: 1000, 128>}, {transform_indices = @transform_5, window_bounds = array<i64: 1000, 128>}, {transform_indices = @transform_6, window_bounds = array<i64: 1000, 1>}]} {
    %get3A = arith.constant 0 : index
    %get3A_0 = arith.constant 0 : index
    %get3A_1 = vector.load %arg3[%get3A, %get3A_0] : memref<1000x1xf32, #tpu.memory_space<vmem>>, vector<1000x1xf32>
    %get3A_2 = arith.constant 0 : index
    %get3A_3 = arith.constant 0 : index
    %get3A_4 = vector.load %arg4[%get3A_2, %get3A_3] : memref<1000x1xf32, #tpu.memory_space<vmem>>, vector<1000x1xf32>
    %add3A = arith.addf %get3A_1, %get3A_4 : vector<1000x1xf32>
    %add3A_5 = arith.constant 1.000000e+00 : f32
    %add3A_6 = vector.broadcast %add3A_5 : f32 to vector<1000x1xf32>
    %add3A_7 = arith.addf %add3A, %add3A_6 : vector<1000x1xf32>
    %rsqrt3A = math.rsqrt %add3A_7 : vector<1000x1xf32>
    %get3A_8 = arith.constant 0 : index
    %get3A_9 = arith.constant 0 : index
    %get3A_10 = vector.load %arg1[%get3A_8, %get3A_9] : memref<1000x256xf32, #tpu.memory_space<vmem>>, vector<1000x256xf32>
    %get3A_11 = arith.constant 0 : index
    %get3A_12 = arith.constant 0 : index
    %get3A_13 = vector.load %arg2[%get3A_11, %get3A_12] : memref<256x256xf32, #tpu.memory_space<vmem>>, vector<256x256xf32>
    %dot_general3A = arith.constant dense<0.000000e+00> : vector<1000x256xf32>
    %dot_general3A_14 = tpu.matmul %get3A_10, %get3A_13, %dot_general3A {dimension_numbers = #tpu.dot_dimension_numbers<[1], [1], [0], [0], [0, 0, 1, 0], [], []>, precision = #tpu.contract_precision<fp32>, transpose_lhs_hint = false} : vector<1000x256xf32>, vector<256x256xf32>, vector<1000x256xf32> -> vector<1000x256xf32>
    %mul3A = arith.constant 0.899999976 : f32
    %mul3A_15 = vector.broadcast %mul3A : f32 to vector<1000x1xf32>
    %mul3A_16 = arith.mulf %mul3A_15, %rsqrt3A : vector<1000x1xf32>
    %mul3A_17 = vector.broadcast %mul3A_16 : vector<1000x1xf32> to vector<1000x256xf32>
    %mul3A_18 = arith.mulf %mul3A_17, %dot_general3A_14 : vector<1000x256xf32>
    %slice3A = vector.extract_strided_slice %mul3A_18 {offsets = [0, 0], sizes = [1000, 128], strides = [1, 1]} : vector<1000x256xf32> to vector<1000x128xf32>
    %swap3A = arith.constant 0 : index
    %swap3A_19 = arith.constant 0 : index
    %swap3A_20 = vector.load %arg5[%swap3A, %swap3A_19] : memref<1000x128xf32, #tpu.memory_space<vmem>>, vector<1000x128xf32>
    tpu.vector_store %arg5[%swap3A, %swap3A_19], %slice3A {strides = array<i32>} : memref<1000x128xf32, #tpu.memory_space<vmem>>, vector<1000x128xf32>,
    %slice3A_21 = vector.extract_strided_slice %mul3A_18 {offsets = [0, 128], sizes = [1000, 128], strides = [1, 1]} : vector<1000x256xf32> to vector<1000x128xf32>
    %swap3A_22 = arith.constant 0 : index
    %swap3A_23 = arith.constant 0 : index
    %swap3A_24 = vector.load %arg6[%swap3A_22, %swap3A_23] : memref<1000x128xf32, #tpu.memory_space<vmem>>, vector<1000x128xf32>
    tpu.vector_store %arg6[%swap3A_22, %swap3A_23], %slice3A_21 {strides = array<i32>} : memref<1000x128xf32, #tpu.memory_space<vmem>>, vector<1000x128xf32>,
    %swap3A_25 = arith.constant 0 : index
    %swap3A_26 = arith.constant 0 : index
    %swap3A_27 = vector.load %arg7[%swap3A_25, %swap3A_26] : memref<1000x1xf32, #tpu.memory_space<vmem>>, vector<1000x1xf32>
    tpu.vector_store %arg7[%swap3A_25, %swap3A_26], %rsqrt3A {strides = array<i32>} : memref<1000x1xf32, #tpu.memory_space<vmem>>, vector<1000x1xf32>,
    return
  }
  func.func @transform_0(%arg0: i32) -> (i32, i32) {
    %c0_i32 = arith.constant 0 : i32
    %c0_i32_0 = arith.constant 0 : i32
    return %arg0, %c0_i32 : i32, i32
  }
  func.func @transform_1(%arg0: i32) -> (i32, i32) {
    %c0_i32 = arith.constant 0 : i32
    %c0_i32_0 = arith.constant 0 : i32
    %c0_i32_1 = arith.constant 0 : i32
    return %c0_i32, %c0_i32_0 : i32, i32
  }
  func.func @transform_2(%arg0: i32) -> (i32, i32) {
    %c0_i32 = arith.constant 0 : i32
    %c0_i32_0 = arith.constant 0 : i32
    return %arg0, %c0_i32 : i32, i32
  }
  func.func @transform_3(%arg0: i32) -> (i32, i32) {
    %c0_i32 = arith.constant 0 : i32
    %c0_i32_0 = arith.constant 0 : i32
    return %arg0, %c0_i32 : i32, i32
  }
  func.func @transform_4(%arg0: i32) -> (i32, i32) {
    %c0_i32 = arith.constant 0 : i32
    %c0_i32_0 = arith.constant 0 : i32
    return %arg0, %c0_i32 : i32, i32
  }
  func.func @transform_5(%arg0: i32) -> (i32, i32) {
    %c0_i32 = arith.constant 0 : i32
    %c0_i32_0 = arith.constant 0 : i32
    return %arg0, %c0_i32 : i32, i32
  }
  func.func @transform_6(%arg0: i32) -> (i32, i32) {
    %c0_i32 = arith.constant 0 : i32
    %c0_i32_0 = arith.constant 0 : i32
    return %arg0, %c0_i32 : i32, i32
  }
}

module attributes {stable_mosaic.version = 14 : i64} {
  func.func @_base_body(%arg0: i32, %arg1: memref<1000x256xf32, #tpu.memory_space<vmem>>, %arg2: memref<256x256xf32, #tpu.memory_space<vmem>>, %arg3: memref<1000x256xf32, #tpu.memory_space<vmem>>) attributes {dimension_semantics = [#tpu.dimension_semantics<arbitrary>], iteration_bounds = array<i64: 10>, scalar_prefetch = 0 : i64, scratch_operands = 0 : i64, tpu.core_type = #tpu.core_type<tc>, window_params = [{transform_indices = @transform_0, window_bounds = array<i64: 1000, 256>}, {pipeline_mode = #tpu.pipeline_mode<synchronous>, transform_indices = @transform_1, window_bounds = array<i64: 256, 256>}, {transform_indices = @transform_2, window_bounds = array<i64: 1000, 256>}]} {
    %get3A = arith.constant 0 : index
    %get3A_0 = arith.constant 0 : index
    %get3A_1 = vector.load %arg1[%get3A, %get3A_0] : memref<1000x256xf32, #tpu.memory_space<vmem>>, vector<1000x256xf32>
    %get3A_2 = arith.constant 0 : index
    %get3A_3 = arith.constant 0 : index
    %get3A_4 = vector.load %arg2[%get3A_2, %get3A_3] : memref<256x256xf32, #tpu.memory_space<vmem>>, vector<256x256xf32>
    %dot_general3A = arith.constant dense<0.000000e+00> : vector<1000x256xf32>
    %dot_general3A_5 = tpu.matmul %get3A_1, %get3A_4, %dot_general3A {dimension_numbers = #tpu.dot_dimension_numbers<[1], [1], [0], [0], [0, 0, 1, 0], [], []>, precision = #tpu.contract_precision<fp32>, transpose_lhs_hint = false} : vector<1000x256xf32>, vector<256x256xf32>, vector<1000x256xf32> -> vector<1000x256xf32>
    %mul3A = arith.constant 1.000000e-01 : f32
    %mul3A_6 = vector.broadcast %mul3A : f32 to vector<1000x256xf32>
    %mul3A_7 = arith.mulf %mul3A_6, %dot_general3A_5 : vector<1000x256xf32>
    %swap3A = arith.constant 0 : index
    %swap3A_8 = arith.constant 0 : index
    %swap3A_9 = vector.load %arg3[%swap3A, %swap3A_8] : memref<1000x256xf32, #tpu.memory_space<vmem>>, vector<1000x256xf32>
    tpu.vector_store %arg3[%swap3A, %swap3A_8], %mul3A_7 {strides = array<i32>} : memref<1000x256xf32, #tpu.memory_space<vmem>>, vector<1000x256xf32>,
    return
  }
  func.func @transform_0(%arg0: i32) -> (i32, i32) {
    %c0_i32 = arith.constant 0 : i32
    %c0_i32_0 = arith.constant 0 : i32
    return %arg0, %c0_i32 : i32, i32
  }
  func.func @transform_1(%arg0: i32) -> (i32, i32) {
    %c0_i32 = arith.constant 0 : i32
    %c0_i32_0 = arith.constant 0 : i32
    %c0_i32_1 = arith.constant 0 : i32
    return %c0_i32, %c0_i32_0 : i32, i32
  }
  func.func @transform_2(%arg0: i32) -> (i32, i32) {
    %c0_i32 = arith.constant 0 : i32
    %c0_i32_0 = arith.constant 0 : i32
    return %arg0, %c0_i32 : i32, i32
  }
}

module attributes {stable_mosaic.version = 14 : i64} {
  func.func @_finish_body(%arg0: i32, %arg1: memref<1000x128xf32, #tpu.memory_space<vmem>>, %arg2: memref<1000x128xf32, #tpu.memory_space<vmem>>, %arg3: memref<1000x256xf32, #tpu.memory_space<vmem>>, %arg4: memref<1000x1xf32, #tpu.memory_space<vmem>>, %arg5: memref<1000x256xf32, #tpu.memory_space<vmem>>) attributes {dimension_semantics = [#tpu.dimension_semantics<arbitrary>], iteration_bounds = array<i64: 10>, scalar_prefetch = 0 : i64, scratch_operands = 0 : i64, tpu.core_type = #tpu.core_type<tc>, window_params = [{transform_indices = @transform_0, window_bounds = array<i64: 1000, 128>}, {transform_indices = @transform_1, window_bounds = array<i64: 1000, 128>}, {transform_indices = @transform_2, window_bounds = array<i64: 1000, 256>}, {transform_indices = @transform_3, window_bounds = array<i64: 1000, 1>}, {transform_indices = @transform_4, window_bounds = array<i64: 1000, 256>}]} {
    %get3A = arith.constant 0 : index
    %get3A_0 = arith.constant 0 : index
    %get3A_1 = vector.load %arg1[%get3A, %get3A_0] : memref<1000x128xf32, #tpu.memory_space<vmem>>, vector<1000x128xf32>
    %get3A_2 = arith.constant 0 : index
    %get3A_3 = arith.constant 0 : index
    %get3A_4 = vector.load %arg2[%get3A_2, %get3A_3] : memref<1000x128xf32, #tpu.memory_space<vmem>>, vector<1000x128xf32>
    %concatenate3A = tpu.concatenate %get3A_1, %get3A_4 in 1 : vector<1000x128xf32>, vector<1000x128xf32> -> vector<1000x256xf32>
    %get3A_5 = arith.constant 0 : index
    %get3A_6 = arith.constant 0 : index
    %get3A_7 = vector.load %arg3[%get3A_5, %get3A_6] : memref<1000x256xf32, #tpu.memory_space<vmem>>, vector<1000x256xf32>
    %get3A_8 = arith.constant 0 : index
    %get3A_9 = arith.constant 0 : index
    %get3A_10 = vector.load %arg4[%get3A_8, %get3A_9] : memref<1000x1xf32, #tpu.memory_space<vmem>>, vector<1000x1xf32>
    %mul3A = vector.broadcast %get3A_10 : vector<1000x1xf32> to vector<1000x256xf32>
    %mul3A_11 = arith.mulf %mul3A, %concatenate3A : vector<1000x256xf32>
    %add3A = arith.addf %get3A_7, %mul3A_11 : vector<1000x256xf32>
    %swap3A = arith.constant 0 : index
    %swap3A_12 = arith.constant 0 : index
    %swap3A_13 = vector.load %arg5[%swap3A, %swap3A_12] : memref<1000x256xf32, #tpu.memory_space<vmem>>, vector<1000x256xf32>
    tpu.vector_store %arg5[%swap3A, %swap3A_12], %add3A {strides = array<i32>} : memref<1000x256xf32, #tpu.memory_space<vmem>>, vector<1000x256xf32>,
    return
  }
  func.func @transform_0(%arg0: i32) -> (i32, i32) {
    %c0_i32 = arith.constant 0 : i32
    %c0_i32_0 = arith.constant 0 : i32
    return %arg0, %c0_i32 : i32, i32
  }
  func.func @transform_1(%arg0: i32) -> (i32, i32) {
    %c0_i32 = arith.constant 0 : i32
    %c0_i32_0 = arith.constant 0 : i32
    return %arg0, %c0_i32 : i32, i32
  }
  func.func @transform_2(%arg0: i32) -> (i32, i32) {
    %c0_i32 = arith.constant 0 : i32
    %c0_i32_0 = arith.constant 0 : i32
    return %arg0, %c0_i32 : i32, i32
  }
  func.func @transform_3(%arg0: i32) -> (i32, i32) {
    %c0_i32 = arith.constant 0 : i32
    %c0_i32_0 = arith.constant 0 : i32
    return %arg0, %c0_i32 : i32, i32
  }
  func.func @transform_4(%arg0: i32) -> (i32, i32) {
    %c0_i32 = arith.constant 0 : i32
    %c0_i32_0 = arith.constant 0 : i32
    return %arg0, %c0_i32 : i32, i32
  }
}

</mosaic_0001>

<sc_bundles>
// kernel: kernel.10.cloned.1.call-start
scs
__scs_entry_jumppad:
0x0: {  	(pc) =	sbr.rel $0x88, $3  }
0x1: {  	(tag) =	ssettag $0x0;
	lr =	simm.s32 $0x1  }
0x2: {  	[smem:$0x3F9C] =	sst lr;
	_ =	strace $0xD0000000  }
0x3: {  	_ = 	snop  }
0x4: {  	_ = 	snop  }
0x5: {  	_ = 	snop  }
0x6: {  	_ = 	snop  }
0x7: {  	_ = 	snop  }
__scs_overlays_trampoline_lowered:
0x8: {  	[smem:$0x3FAB] =	sst s0  }
0x9: {  	[smem:$0x3FAC] =	sst s1  }
0xa: {  	[smem:$0x3FAD] =	sst s2  }
0xb: {  	[smem:$0x3FAE] =	sst s3  }
0xc: {  	[smem:$0x3FAF] =	sst s4  }
0xd: {  	[smem:$0x3FB0] =	sst s5  }
0xe: {  	[smem:$0x3FB1] =	sst s6  }
0xf: {  	[smem:$0x3FB2] =	sst s7  }
0x10: {  	[smem:$0x3FB3] =	sst s8  }
0x11: {  	[smem:$0x3FB4] =	sst s9;
	s0 =	simm.s32 @!p0 $0x0  }
0x12: {  	s1 =	sld [smem:$0x3F9A];
	s0 =	simm.s32 @p0 $0x1  }
0x13: {  	[smem:$0x3FB5] =	sst s0;
	s0 =	simm.s32 @!p1 $0x0  }
0x14: {  	s2 =	sld [smem:$0x3F99];
	s0 =	simm.s32 @p1 $0x1  }
0x15: {  	[smem:$0x3FB6] =	sst s0;
	s0 =	simm.s32 @!p2 $0x0  }
0x16: {  	s3 =	sld [smem:$0x3FDB];
	s0 =	simm.s32 @p2 $0x1  }
0x17: {  	s4 =	simm.s32 $0x1BF5;
	[smem:$0x3FB8] =	sst s0  }
0x18: {  	s0 =	sld [smem:$0x3F9B];
	_ =	swait.ge [sflag:s4], $0x0  }
0x19: {  	s7 =	sld [smem:$0x3F9C]  }
0x1a: {  	s8 =	sadd.s32 $0xFFFFE003, lr  }
0x1b: {  	s9 =	sadd.s32 $0xFFFFFEF7, lr;
	s5 =	simm.s32 $0xFFFFFFFF;
	p2 =	slt.u32 s8, $0xFFFFF086  }
0x1c: {  	p1 =	slt.u32 s9, $0xF7A;
	s5 =	simm.s32 @!p2 $0x0  }
0x1d: {  	s5 =	simm.s32 @p1 $0x1;
	p0 =	seq.s32 s7, s2  }
0x1e: {  	s7 =	smul.u32 @!p0 $0xF7A, s2;
	p2 =	seq.s32 @!p0 s5, $0x0  }
0x1f: {  	s9 =	smul.u32 $0xF7A, s1;
	s8 =	simm.s32 @!p0 $0x1BF5;
	p2 =	por !p2, p0  }
0x20: {  	[sflag:s8] =	ssyncset.s32 @!p0 $0xFFFFF086;
	s6 =	sadd.s32 @!p0 s3, s7;
	s7 =	simm.s32 @!p0 $0x108  }
0x21: {  	s3 =	sadd.s32 s3, s9;
	s6 =	sadd.s32 @!p0 $0x88, s6;
	s7 =	simm.s32 @p2 $0x1082  }
0x22: {  	[simem:s7], [sflag:s8] =	dma.local @!p0 [hbm:s6], $0xF7A  }
0x23: {  	s9 =	sor.u32 $0xD0000000, s2;
	s6 =	simm.s32 $0x108;
	_ =	swait.ge @!p0 [sflag:s8], $0x0  }
0x24: {  	s3 =	sadd.s32 $0x88, s3;
	s6 =	simm.s32 @!p1 $0x1082;
	[sflag:s4] =	ssyncset.s32 $0xFFFFF086  }
0x25: {  	[simem:s6], [sflag:s4] =	dma.local [hbm:s3], $0xF7A  }
0x26: {  	[smem:$0x3F9C] =	sst s1;
	(tag) =	ssettag s2;
	_ =	strace s9  }
0x27: {  	s1 =	sld [smem:$0x3FAC]  }
0x28: {  	s2 =	sld [smem:$0x3FAD]  }
0x29: {  	s4 =	sld [smem:$0x3FAF]  }
0x2a: {  	p0 =	seq.s32 s5, $0x0;
	s5 =	sld [smem:$0x3FB0]  }
0x2b: {  	s6 =	sld [smem:$0x3FB1]  }
0x2c: {  	s7 =	sld [smem:$0x3FB2]  }
0x2d: {  	s3 =	simm.s32 $0x108;
	s8 =	sld [smem:$0x3FB3]  }
0x2e: {  	s3 =	simm.s32 @!p0 $0x1082;
	s9 =	sld [smem:$0x3FB4]  }
0x2f: {  	lr =	sadd.s32 s0, s3;
	s0 =	sld [smem:$0x3FAB]  }
0x30: {  	s3 =	sld [smem:$0x3FAE]  }
0x31: {  	[smem:$0x3FB7] =	sst s10  }
0x32: {  	s10 =	sld [smem:$0x3FB5];
	_ =	sdelay $0x3  }
0x33: {  	p0 =	seq.s32 s10, $0x1;
	s10 =	sld [smem:$0x3FB7];
	_ =	sdelay $0x3  }
0x34: {  	[smem:$0x3FB7] =	sst s10  }
0x35: {  	s10 =	sld [smem:$0x3FB6];
	_ =	sdelay $0x3  }
0x36: {  	p1 =	seq.s32 s10, $0x1;
	s10 =	sld [smem:$0x3FB7];
	_ =	sdelay $0x3  }
0x37: {  	[smem:$0x3FB7] =	sst s10  }
0x38: {  	s10 =	sld [smem:$0x3FB8]  }
0x39: {  	_ = 	snop;
	(pc) =	sbr.ind lr, $3  }
0x3a: {  	_ = 	snop  }
0x3b: {  	_ = 	snop  }
0x3c: {  	p2 =	seq.s32 s10, $0x1;
	s10 =	sld [smem:$0x3FB7]  }
0x3d: {  	_ =	shalt  }
0x3e: {  	_ =	shalt  }
0x3f: {  	_ =	shalt  }
0x40: {  	_ =	shalt  }
0x41: {  	_ =	shalt  }
0x42: {  	_ =	shalt  }
0x43: {  	_ =	shalt  }
0x44: {  	_ =	shalt  }
0x45: {  	_ =	shalt  }
0x46: {  	_ =	shalt  }
0x47: {  	_ =	shalt  }
0x48: {  	_ =	shalt  }
0x49: {  	_ =	shalt  }
0x4a: {  	_ =	shalt  }
0x4b: {  	_ =	shalt  }
0x4c: {  	_ =	shalt  }
0x4d: {  	_ =	shalt  }
0x4e: {  	_ =	shalt  }
0x4f: {  	_ =	shalt  }
0x50: {  	_ =	shalt  }
0x51: {  	_ =	shalt  }
0x52: {  	_ =	shalt  }
0x53: {  	_ =	shalt  }
0x54: {  	_ =	shalt  }
0x55: {  	_ =	shalt  }
0x56: {  	_ =	shalt  }
0x57: {  	_ =	shalt  }
0x58: {  	_ =	shalt  }
0x59: {  	_ =	shalt  }
0x5a: {  	_ =	shalt  }
0x5b: {  	_ =	shalt  }
0x5c: {  	_ =	shalt  }
0x5d: {  	_ =	shalt  }
0x5e: {  	_ =	shalt  }
0x5f: {  	_ =	shalt  }
0x60: {  	_ =	shalt  }
0x61: {  	_ =	shalt  }
0x62: {  	_ =	shalt  }
0x63: {  	_ =	shalt  }
0x64: {  	_ =	shalt  }
0x65: {  	_ =	shalt  }
0x66: {  	_ =	shalt  }
0x67: {  	_ =	shalt  }
0x68: {  	_ =	shalt  }
0x69: {  	_ =	shalt  }
0x6a: {  	_ =	shalt  }
0x6b: {  	_ =	shalt  }
0x6c: {  	_ =	shalt  }
0x6d: {  	_ =	shalt  }
0x6e: {  	_ =	shalt  }
0x6f: {  	_ =	shalt  }
0x70: {  	_ =	shalt  }
0x71: {  	_ =	shalt  }
0x72: {  	_ =	shalt  }
0x73: {  	_ =	shalt  }
0x74: {  	_ =	shalt  }
0x75: {  	_ =	shalt  }
0x76: {  	_ =	shalt  }
0x77: {  	_ =	shalt  }
0x78: {  	_ =	shalt  }
0x79: {  	_ =	shalt  }
0x7a: {  	_ =	shalt  }
0x7b: {  	_ =	shalt  }
0x7c: {  	_ =	shalt  }
0x7d: {  	_ =	shalt  }
0x7e: {  	_ =	shalt  }
0x7f: {  	_ =	shalt  }
0x80: {  	_ =	shalt  }
0x81: {  	_ =	shalt  }
0x82: {  	_ =	shalt  }
0x83: {  	_ =	shalt  }
0x84: {  	_ =	shalt  }
0x85: {  	_ =	shalt  }
0x86: {  	_ =	shalt  }
0x87: {  	_ =	shalt  }
.Lfunc_end0:
.L_simem_size_0:
called_computation.1_lowered:
.L_overlay_start_0:
0x88: {  	s2 =	sld [smem:$0x3FD9]  }
0x89: {  	s3 =	sld [smem:$0x3FFE];
	_ =	sdelay $0x1  }
0x8a: {  	s1 =	srdreg.scid  }
0x8b: {  	s0 =	sand.u32 $0x1, s1  }
0x8c: {  	s17 =	sshll.u32 s0, $0xA;
	s2 =	sadd.s32 s3, s2  }
0x8d: {  	s2 =	sadd.s32 s2, s17  }
0x8e: {  	[smem:$0x3FC3] =	sst s2  }
0x8f: {  	_ = 	snop  }
0x90: {  	s2 =	sld [smem:$0x3FD0];
	(tm) =	ssettm $0x1  }
0x91: {  	s18 =	sld [smem:$0x3FFB];
	_ =	sdelay $0x3  }
0x92: {  	_ =	strace s18  }
0x93: {  	s3 =	sld [smem:$0x3FFC];
	_ =	sdelay $0x3  }
0x94: {  	_ =	strace s3  }
0x95: {  	s3 =	sld [smem:$0x3FFD];
	_ =	sdelay $0x3  }
0x96: {  	_ =	strace s3  }
0x97: {  	_ =	strace $0x8FFFFFFF  }
0x98: {  	s19 =	sld [smem:$0x3FDB];
	_ =	sdelay $0x1  }
0x99: {  	s4 =	simm.s32 $_scs_section_size  }
0x9a: {  	s5 =	simm.s32 $_size__tile_overlayer_lowered;
	s6 =	simm.s32 $_tile_overlayer_lowered  }
0x9b: {  	s22 =	simm.s32 $0x1BFF;
	s21 =	sshll.u32 s6, $0x1;
	s3 =	sadd.s32 s4, s19  }
0x9c: {  	s7 =	simm.s32 $0x0;
	s20 =	sshll.u32 s5, $0x1;
	s5 =	sadd.s32 s21, s3  }
0x9d: {  	[timem:s7], [sflag:s22] =	dma.local [hbm:s5], s20  }
0x9e: {  	_ =	swait.ge [sflag:s22], s20  }
0x9f: {  	s4 =	ssub.s32 $0x0, s20;
	[sflag:s22] =	ssyncset.done $0x0  }
0xa0: {  	[sflag:s22] =	ssyncadd.s32 s4;
	_ =	sdelay $0x1  }
0xa1: {  	s23 =	simm.s32 $0x1B8B  }
0xa2: {  	_ =	swait.ge [sflag:s23], $0x1  }
0xa3: {  	[sflag:s23] =	ssyncset.done $0x0  }
0xa4: {  	s25 =	simm.s32 $0x1B8E;
	s24 =	sld [smem:$0x3FFE];
	[sflag:s23] =	ssyncadd.s32 $0xFFFFFFFF  }
0xa5: {  	s26 =	simm.s32 $execute0_lowered;
	[smem:$0x3FD2] =	sst s25  }
0xa6: {  	s5 =	sshll.u32 s26, $0x1;
	_ =	strace $0x80000049;
	[dreg:$0x1] =	wrdreg $0xFFFFFFFF  }
0xa7: {  	s28 =	simm.s32 $_size_execute0_lowered;
	s3 =	sadd.s32 s3, s5;
	[dreg:$0x0] =	wrdreg $0x0  }
0xa8: {  	s5 =	sshll.u32 s28, $0x1;
	[dreg:$0x2] =	wrdreg s3  }
0xa9: {  	[dreg:$0x3] =	wrdreg s5  }
0xaa: {  	[dreg:$0x4] =	wrdreg $0xC0  }
0xab: {  	_ =	task [dreg:s7], $0x5FFFF  }
0xac: {  	[dreg:$0x1] =	wrdreg $0xFFFFFFFF  }
0xad: {  	[dreg:$0x0] =	wrdreg $0x60  }
0xae: {  	[dreg:$0x2] =	wrdreg s2  }
0xaf: {  	[dreg:$0x3] =	wrdreg s24  }
0xb0: {  	[dreg:$0x4] =	wrdreg $0x84000  }
0xb1: {  	[dreg:$0x5] =	wrdreg $0x9  }
0xb2: {  	_ =	task.clear_ibuf [dreg:s7], $0x6FFFF;
	_ =	strace $0x90000049  }
0xb3: {  	s29 =	simm.s32 $0x9;
	_ =	strace $0x8000004B  }
0xb4: {  	_ =	swait.ge [sflag:s29], $0x1  }
0xb5: {  	[sflag:s29] =	ssyncadd.s32 $0xFFFFFFFF  }
0xb6: {  	_ =	strace $0x9000004B  }
0xb7: {  	_ =	sfence  }
0xb8: {  	s30 =	sld [smem:$0x0];
	_ =	sdelay $0x2  }
0xb9: {  	s31 =	sshll.u32 s1, $0xD;
	s1 =	sshrl.u32 s1, $0x2  }
0xba: {  	s3 =	sand.u32 $0x4000, s31;
	s1 =	sadd.s32 s1, s30  }
0xbb: {  	s0 =	sor.u32 s3, s0;
	s1 =	sshll.u32 s1, $0x11  }
0xbc: {  	s0 =	sor.u32 s1, s0  }
0xbd: {  	s0 =	sadd.s32 $0x8F2B, s0  }
0xbe: {  	[sflag:s0] =	ssyncadd.remote.s32 $0x1  }
0xbf: {  	_ =	sfence.sel $0xFFFF  }
0xc0: {  	[dreg:$0x0] =	wrdreg $0xFFFFFFFF;
	(pc) =	sbr.abs _section_cstart, $3  }
0xc1: {  	[dreg:$0x1] =	wrdreg $0xFFFFFFFF  }
0xc2: {  	_ =	task.clear_ibuf [dreg:s7], $0x2FFFF;
	_ =	strace $0x9FFFFFFF  }
0xc3: {  	(tm) =	ssettm $0x7FFFFFFF  }
tec
execute0_lowered:
.L_overlay_start_1:
0x0: {  	(tag) =	ssettag $0x1  }
0x1: {  	s1 =	rddreg [dreg:$0x0]  }
0x2: {  	s0 =	rddreg [dreg:$0x1]  }
0x3: {  	s3 =	rddreg [dreg:$0x2];
	s4 =	simm.s32 $0x0;
	s17 =	stileid.u32  }
0x4: {  	s6 =	srdreg.scid;
	s28 =	simm.s32 $0x400;
	s29 =	simm.s32 $0x2  }
0x5: {  	s30 =	simm.s32 $0x4400;
	s31 =	simm.s32 $0x200;
	[smem:$0x7FF] =	sst s4  }
0x6: {  	s2 =	smul.u32 $0x2800, s17;
	s5 =	sadd.s32 $0xC600, s0;
	s7 =	sand.u32 $0x1, s6  }
0x7: {  	s26 =	smul.u32 $0x50000, s17;
	s9 =	sadd.s32 $0x2600, s0;
	s12 =	sadd.s32 $0x7600, s0  }
0x8: {  	s15 =	sadd.s32 $0x12C000, s3;
	s16 =	sadd.s32 $0x31E00, s0;
	s23 =	sadd.s32 $0xA7400, s0  }
0x9: {  	s24 =	sadd.s32 $0x25800, s1;
	_ =	strace $0x8000004A;
	[dreg:$0x5] =	wrdreg s15  }
0xa: {  	p1 =	seq.s32 s17, $0xF;
	p2 =	sgt.u32 s17, $0x1;
	[dreg:$0x6] =	wrdreg s16  }
0xb: {  	s8 =	ssub.s32 $0x2, s7;
	s15 =	sshll.u32 s17, $0x4;
	[dreg:$0xc] =	wrdreg s23  }
0xc: {  	[dreg:$0xe] =	wrdreg s24;
	p0 =	sne.s32 s7, $0x0;
	s23 =	simm.s32 $0x80  }
0xd: {  	s24 =	simm.s32 $0x100;
	s17 =	simm.s32 $0x300;
	s7 =	simm.s32 $0x3  }
0xe: {  	s13 =	sadd.s32 s2, s0;
	s10 =	sshrl.u32 s8, $0x1;
	s6 =	sshrl.u32 s26, $0x2  }
0xf: {  	s11 =	sadd.s32 s5, s2;
	s16 =	sor.u32 $0x100, s15;
	s2 =	sadd.s32 s1, s2  }
0x10: {  	s0 =	sadd.s32 $0x80200, s0;
	s14 =	ssub.s32 s8, s10;
	[dreg:$0x4] =	wrdreg s11  }
0x11: {  	s6 =	sadd.s32 s6, s3;
	s10 =	sadd.s32 s9, s15;
	[dreg:$0xd] =	wrdreg s2  }
0x12: {  	s11 =	sadd.s32 s12, s15;
	s18 =	sadd.s32 s9, s16;
	[dreg:$0x10] =	wrdreg s0  }
0x13: {  	s19 =	sadd.s32 s12, s16;
	s15 =	sor.u32 $0x4E00, s15;
	[dreg:$0x7] =	wrdreg s18  }
0x14: {  	s22 =	sadd.s32 $0x81C00, s13;
	s25 =	sadd.s32 $0x5AA00, s13;
	[dreg:$0x8] =	wrdreg s19  }
0x15: {  	s0 =	simm.s32 $0x280;
	s16 =	simm.s32 $0x5;
	[dreg:$0xb] =	wrdreg s22  }
.Ltmp0:
0x16: {  	s20 =	sadd.s32 s9, s15;
	[dreg:$0xf] =	wrdreg s25;
	(pc) =	sbr.rel .LBB2_1-.Ltmp0, $4  }
0x17: {  	s21 =	sadd.s32 s12, s15;
	s26 =	smax.u32 s14, $0x1;
	[dreg:$0x9] =	wrdreg s20  }
0x18: {  	s25 =	simm.s32 $0x180;
	s9 =	simm.s32 $0x6;
	[dreg:$0xa] =	wrdreg s21  }
0x19: {  	s14 =	simm.s32 $0x4;
	s15 =	simm.s32 $0x0;
	[dreg:$0x11] =	wrdreg s26  }
0x1a: {  	s26 =	simm.s32 $0x1;
	s21 =	simm.s32 $0x380;
	s20 =	simm.s32 $0x7  }
.LBB2_15:
0x1b: {  	s2 =	rddreg [dreg:$0x5]  }
0x1c: {  	s8 =	rddreg [dreg:$0xc];
	s12 =	simm.s32 $0x1FC7;
	s2 =	sshrl.u32 s2, $0x3  }
0x1d: {  	[hbm:s8], [sflag:s12] =	dma.local [spmem:s2], $0x1900  }
0x1e: {  	_ =	swait.ge [sflag:s20], $0x1900  }
0x1f: {  	[sflag:s20] =	ssyncset.done $0x0  }
0x20: {  	[sflag:s20] =	ssyncadd.s32 $0xFFFFE700  }
.LBB2_16:
0x21: {  	s15 =	sadd.s32 $0x1, s15;
	s2 =	rddreg [dreg:$0x11]  }
0x22: {  	p3 =	sne.s32 s15, s2  }
.Ltmp1:
0x23: {  	_ = 	snop;
	(pc) =	sbr.rel @!p3 .LBB2_17-.Ltmp1, $1  }
0x24: {  	_ =	sdelay $0x3  }
.LBB2_1:
.Ltmp2:
0x25: {  	(pc) =	sbr.rel @p0 .LBB2_6-.Ltmp2, $4  }
0x26: {  	_ = 	snop  }
0x27: {  	s2 =	stileid.u32  }
0x28: {  	s12 =	sshll.u32 @!p1 s2, $0x6;
	s2 =	rddreg [dreg:$0x5]  }
0x29: {  	s13 =	sshrl.u32 @p1 s2, $0x3;
	s2 =	sshrl.u32 @!p1 s6, $0x3;
	s12 =	sor.u32 @!p1 $0x1C07, s12  }
0x2a: {  	s18 =	simm.s32 @p1 $0x1FC7;
	s8 =	rddreg [dreg:$0xe]  }
0x2b: {  	[spmem:s13], [sflag:s18] =	dma.local @p1 [hbm:s8], $0x1900  }
0x2c: {  	s13 =	simm.s32 @p1 $0x7  }
0x2d: {  	_ =	swait.ge @p1 [sflag:s13], $0x1900  }
0x2e: {  	[sflag:s13] =	ssyncset.done @p1 $0x0  }
0x2f: {  	s8 =	rddreg [dreg:$0xd];
	[sflag:s13] =	ssyncadd.s32 @p1 $0xFFFFE700  }
0x30: {  	[spmem:s2], [sflag:s12] =	dma.local @!p1 [hbm:s8], $0x2800  }
0x31: {  	s2 =	simm.s32 @!p1 $0x7  }
0x32: {  	_ =	swait.ge @!p1 [sflag:s2], $0x2800  }
0x33: {  	[sflag:s2] =	ssyncset.done @!p1 $0x0  }
0x34: {  	[sflag:s2] =	ssyncadd.s32 @!p1 $0xFFFFD800  }
0x35: {  	s22 =	simm.s32 $0x0;
	[bflag:$0x0] =	sbarrier.arrive $0xFFFF  }
0x36: {  	[tilespmem:s22], [sflag:$0x1] =	stream.linear.gather [hbm4b:s10+s22], $0x80, $0x38;
	[tilespmem:$0x1C400] =	vst v63  }
0x37: {  	_ = 	snop  }
0x38: {  	[tilespmem:s23], [sflag:$0x1] =	stream.linear.gather [hbm4b:s11+s22], $0x80, $0x38;
	[tilespmem:$0x1C400] =	vst v63  }
0x39: {  	s12 =	rddreg [dreg:$0x7]  }
0x3a: {  	[tilespmem:s24], [sflag:$0x2] =	stream.linear.gather [hbm4b:s12+s22], $0x80, $0x38;
	[tilespmem:$0x1C400] =	vst v63  }
0x3b: {  	s13 =	rddreg [dreg:$0x8]  }
0x3c: {  	[tilespmem:s25], [sflag:$0x2] =	stream.linear.gather [hbm4b:s13+s22], $0x80, $0x38;
	[tilespmem:$0x1C400] =	vst v63  }
0x3d: {  	_ =	swait.ge [sflag:s26], $0x80  }
0x3e: {  	[sflag:s26] =	ssyncset.done $0x0  }
0x3f: {  	[sflag:s26] =	ssyncadd.s32 $0xFFFFFF80  }
0x40: {  	_ =	swait.ge [sflag:s26], $0x80  }
0x41: {  	[sflag:s26] =	ssyncset.done $0x0  }
0x42: {  	[sflag:s26] =	ssyncadd.s32 $0xFFFFFF80  }
0x43: {  	[tilespmem:s28], [sflag:$0x5] =	stream.indirect.gather [hbm4b:s1+s23], $0x80, s22, s23, $0xb8;
	[tilespmem:$0x1C400] =	vst v63  }
0x44: {  	_ =	swait.ge [sflag:s29], $0x80  }
0x45: {  	[sflag:s29] =	ssyncset.done $0x0  }
0x46: {  	[sflag:s29] =	ssyncadd.s32 $0xFFFFFF80  }
0x47: {  	_ =	swait.ge [sflag:s29], $0x80  }
0x48: {  	[sflag:s29] =	ssyncset.done $0x0  }
0x49: {  	s2 =	sadd.s32 $0x0, s10;
	[sflag:s29] =	ssyncadd.s32 $0xFFFFFF80  }
0x4a: {  	[tilespmem:s30], [sflag:$0x6] =	stream.indirect.gather [hbm4b:s1+s23], $0x80, s24, s23, $0xb8;
	[tilespmem:$0x1C400] =	vst v63  }
0x4b: {  	s18 =	sadd.s32 $0x200, s2;
	s12 =	sadd.s32 $0x0, s11  }
0x4c: {  	[tilespmem:s31], [sflag:$0x3] =	stream.linear.gather [hbm4b:s18+s4], $0x80, $0x38;
	[tilespmem:$0x1C400] =	vst v63  }
0x4d: {  	s19 =	sadd.s32 $0x200, s12  }
0x4e: {  	[tilespmem:s0], [sflag:$0x3] =	stream.linear.gather [hbm4b:s19+s4], $0x80, $0x38;
	[tilespmem:$0x1C400] =	vst v63  }
0x4f: {  	s22 =	sadd.s32 $0x300, s2  }
0x50: {  	[tilespmem:s17], [sflag:$0x4] =	stream.linear.gather [hbm4b:s22+s4], $0x80, $0x38;
	[tilespmem:$0x1C400] =	vst v63  }
0x51: {  	s8 =	sadd.s32 $0x300, s12  }
0x52: {  	[tilespmem:s21], [sflag:$0x4] =	stream.linear.gather [hbm4b:s8+s4], $0x80, $0x38;
	[tilespmem:$0x1C400] =	vst v63  }
0x53: {  	_ =	swait.ge [sflag:s16], $0x4000  }
0x54: {  	[sflag:s16] =	ssyncset.done $0x0  }
0x55: {  	[sflag:s16] =	ssyncadd.s32 $0xFFFFC000  }
0x56: {  	[spmem:s3] =	stream.indirect.scatter.add.f32 [tilespmem:s28], [sflag:$0x7], $0x80, s23, s23, $0xb8;
	[tilespmem:$0x1C400] =	vst v63  }
0x57: {  	_ =	swait.ge [sflag:s20], $0x4000  }
0x58: {  	[sflag:s20] =	ssyncset.done $0x0  }
0x59: {  	[sflag:s20] =	ssyncadd.s32 $0xFFFFC000  }
0x5a: {  	_ =	swait.ge [sflag:s7], $0x80  }
0x5b: {  	[sflag:s7] =	ssyncset.done $0x0  }
0x5c: {  	[sflag:s7] =	ssyncadd.s32 $0xFFFFFF80  }
0x5d: {  	_ =	swait.ge [sflag:s7], $0x80  }
0x5e: {  	[sflag:s7] =	ssyncset.done $0x0  }
0x5f: {  	[sflag:s7] =	ssyncadd.s32 $0xFFFFFF80  }
0x60: {  	[tilespmem:s28], [sflag:$0x5] =	stream.indirect.gather [hbm4b:s1+s23], $0x80, s31, s23, $0xb8;
	[tilespmem:$0x1C400] =	vst v63  }
0x61: {  	_ =	swait.ge [sflag:s9], $0x4000  }
0x62: {  	[sflag:s9] =	ssyncset.done $0x0  }
0x63: {  	[sflag:s9] =	ssyncadd.s32 $0xFFFFC000  }
0x64: {  	[spmem:s3] =	stream.indirect.scatter.add.f32 [tilespmem:s30], [sflag:$0x7], $0x80, s25, s23, $0xb8;
	[tilespmem:$0x1C400] =	vst v63  }
0x65: {  	_ =	swait.ge [sflag:s20], $0x4000  }
0x66: {  	[sflag:s20] =	ssyncset.done $0x0  }
0x67: {  	[sflag:s20] =	ssyncadd.s32 $0xFFFFC000  }
0x68: {  	_ =	swait.ge [sflag:s14], $0x80  }
0x69: {  	[sflag:s14] =	ssyncset.done $0x0  }
0x6a: {  	[sflag:s14] =	ssyncadd.s32 $0xFFFFFF80  }
0x6b: {  	_ =	swait.ge [sflag:s14], $0x80  }
0x6c: {  	[sflag:s14] =	ssyncset.done $0x0  }
0x6d: {  	[sflag:s14] =	ssyncadd.s32 $0xFFFFFF80  }
0x6e: {  	[tilespmem:s30], [sflag:$0x6] =	stream.indirect.gather [hbm4b:s1+s23], $0x80, s17, s23, $0xb8;
	[tilespmem:$0x1C400] =	vst v63  }
0x6f: {  	s18 =	sadd.s32 $0x400, s2  }
0x70: {  	[tilespmem:s4], [sflag:$0x1] =	stream.linear.gather [hbm4b:s18+s4], $0x80, $0x38;
	[tilespmem:$0x1C400] =	vst v63  }
0x71: {  	s19 =	sadd.s32 $0x400, s12  }
0x72: {  	[tilespmem:s23], [sflag:$0x1] =	stream.linear.gather [hbm4b:s19+s4], $0x80, $0x38;
	[tilespmem:$0x1C400] =	vst v63  }
0x73: {  	s2 =	sadd.s32 $0x500, s2  }
0x74: {  	[tilespmem:s24], [sflag:$0x2] =	stream.linear.gather [hbm4b:s2+s4], $0x80, $0x38;
	[tilespmem:$0x1C400] =	vst v63  }
0x75: {  	s22 =	sadd.s32 $0x500, s12  }
0x76: {  	[tilespmem:s25], [sflag:$0x2] =	stream.linear.gather [hbm4b:s22+s4], $0x80, $0x38;
	[tilespmem:$0x1C400] =	vst v63  }
0x77: {  	_ =	swait.ge [sflag:s16], $0x4000  }
0x78: {  	[sflag:s16] =	ssyncset.done $0x0  }
0x79: {  	[sflag:s16] =	ssyncadd.s32 $0xFFFFC000  }
0x7a: {  	[spmem:s3] =	stream.indirect.scatter.add.f32 [tilespmem:s28], [sflag:$0x7], $0x80, s0, s23, $0xb8;
	[tilespmem:$0x1C400] =	vst v63  }
0x7b: {  	_ =	swait.ge [sflag:s20], $0x4000  }
0x7c: {  	[sflag:s20] =	ssyncset.done $0x0  }
0x7d: {  	[sflag:s20] =	ssyncadd.s32 $0xFFFFC000  }
0x7e: {  	_ =	swait.ge [sflag:s26], $0x80  }
0x7f: {  	[sflag:s26] =	ssyncset.done $0x0  }
0x80: {  	[sflag:s26] =	ssyncadd.s32 $0xFFFFFF80  }
0x81: {  	_ =	swait.ge [sflag:s26], $0x80  }
0x82: {  	[sflag:s26] =	ssyncset.done $0x0  }
0x83: {  	[sflag:s26] =	ssyncadd.s32 $0xFFFFFF80  }
0x84: {  	[tilespmem:s28], [sflag:$0x5] =	stream.indirect.gather [hbm4b:s1+s23], $0x80, s4, s23, $0xb8;
	[tilespmem:$0x1C400] =	vst v63  }
0x85: {  	_ =	swait.ge [sflag:s9], $0x4000  }
0x86: {  	[sflag:s9] =	ssyncset.done $0x0  }
0x87: {  	[sflag:s9] =	ssyncadd.s32 $0xFFFFC000  }
0x88: {  	[spmem:s3] =	stream.indirect.scatter.add.f32 [tilespmem:s30], [sflag:$0x7], $0x80, s21, s23, $0xb8;
	[tilespmem:$0x1C400] =	vst v63  }
0x89: {  	_ =	swait.ge [sflag:s20], $0x4000  }
0x8a: {  	[sflag:s20] =	ssyncset.done $0x0  }
0x8b: {  	[sflag:s20] =	ssyncadd.s32 $0xFFFFC000  }
0x8c: {  	_ =	swait.ge [sflag:s29], $0x80  }
0x8d: {  	[sflag:s29] =	ssyncset.done $0x0  }
0x8e: {  	[sflag:s29] =	ssyncadd.s32 $0xFFFFFF80  }
0x8f: {  	_ =	swait.ge [sflag:s29], $0x80  }
0x90: {  	s12 =	sadd.s32 $0x400, s11;
	[sflag:s29] =	ssyncset.done $0x0  }
0x91: {  	s18 =	sadd.s32 $0x400, s10;
	s2 =	simm.s32 $0x800;
	[sflag:s29] =	ssyncadd.s32 $0xFFFFFF80  }
.LBB2_3:
0x92: {  	[tilespmem:s30], [sflag:$0x6] =	stream.indirect.gather [hbm4b:s1+s23], $0x80, s24, s23, $0xb8;
	[tilespmem:$0x1C400] =	vst v63  }
0x93: {  	s19 =	smov.u32 s2  }
0x94: {  	s22 =	sadd.s32 $0x400, s2;
	s8 =	sadd.s32 $0x200, s18;
	s13 =	sadd.s32 s19, s10  }
0x95: {  	[tilespmem:s31], [sflag:$0x3] =	stream.linear.gather [hbm4b:s8+s4], $0x80, $0x38;
	[tilespmem:$0x1C400] =	vst v63  }
0x96: {  	p3 =	sne.s32 s2, $0x4800;
	s2 =	sadd.s32 $0x200, s12  }
0x97: {  	[tilespmem:s0], [sflag:$0x3] =	stream.linear.gather [hbm4b:s2+s4], $0x80, $0x38;
	[tilespmem:$0x1C400] =	vst v63  }
0x98: {  	s2 =	sadd.s32 $0x300, s18  }
0x99: {  	[tilespmem:s17], [sflag:$0x4] =	stream.linear.gather [hbm4b:s2+s4], $0x80, $0x38;
	[tilespmem:$0x1C400] =	vst v63  }
0x9a: {  	s2 =	sadd.s32 $0x300, s12  }
0x9b: {  	[tilespmem:s21], [sflag:$0x4] =	stream.linear.gather [hbm4b:s2+s4], $0x80, $0x38;
	[tilespmem:$0x1C400] =	vst v63  }
0x9c: {  	_ =	swait.ge [sflag:s16], $0x4000  }
0x9d: {  	[sflag:s16] =	ssyncset.done $0x0  }
0x9e: {  	[sflag:s16] =	ssyncadd.s32 $0xFFFFC000  }
0x9f: {  	[spmem:s3] =	stream.indirect.scatter.add.f32 [tilespmem:s28], [sflag:$0x7], $0x80, s23, s23, $0xb8;
	[tilespmem:$0x1C400] =	vst v63  }
0xa0: {  	_ =	swait.ge [sflag:s20], $0x4000  }
0xa1: {  	[sflag:s20] =	ssyncset.done $0x0  }
0xa2: {  	[sflag:s20] =	ssyncadd.s32 $0xFFFFC000  }
0xa3: {  	_ =	swait.ge [sflag:s7], $0x80  }
0xa4: {  	[sflag:s7] =	ssyncset.done $0x0  }
0xa5: {  	[sflag:s7] =	ssyncadd.s32 $0xFFFFFF80  }
0xa6: {  	_ =	swait.ge [sflag:s7], $0x80  }
0xa7: {  	[sflag:s7] =	ssyncset.done $0x0  }
0xa8: {  	[sflag:s7] =	ssyncadd.s32 $0xFFFFFF80  }
0xa9: {  	[tilespmem:s28], [sflag:$0x5] =	stream.indirect.gather [hbm4b:s1+s23], $0x80, s31, s23, $0xb8;
	[tilespmem:$0x1C400] =	vst v63  }
0xaa: {  	_ =	swait.ge [sflag:s9], $0x4000  }
0xab: {  	[sflag:s9] =	ssyncset.done $0x0  }
0xac: {  	[sflag:s9] =	ssyncadd.s32 $0xFFFFC000  }
0xad: {  	[spmem:s3] =	stream.indirect.scatter.add.f32 [tilespmem:s30], [sflag:$0x7], $0x80, s25, s23, $0xb8;
	[tilespmem:$0x1C400] =	vst v63  }
0xae: {  	_ =	swait.ge [sflag:s20], $0x4000  }
0xaf: {  	[sflag:s20] =	ssyncset.done $0x0  }
0xb0: {  	[sflag:s20] =	ssyncadd.s32 $0xFFFFC000  }
0xb1: {  	_ =	swait.ge [sflag:s14], $0x80  }
0xb2: {  	[sflag:s14] =	ssyncset.done $0x0  }
0xb3: {  	[sflag:s14] =	ssyncadd.s32 $0xFFFFFF80  }
0xb4: {  	_ =	swait.ge [sflag:s14], $0x80  }
0xb5: {  	[sflag:s14] =	ssyncset.done $0x0  }
0xb6: {  	[sflag:s14] =	ssyncadd.s32 $0xFFFFFF80  }
0xb7: {  	[tilespmem:s30], [sflag:$0x6] =	stream.indirect.gather [hbm4b:s1+s23], $0x80, s17, s23, $0xb8;
	[tilespmem:$0x1C400] =	vst v63  }
0xb8: {  	s2 =	sadd.s32 $0x400, s18  }
0xb9: {  	[tilespmem:s4], [sflag:$0x1] =	stream.linear.gather [hbm4b:s2+s4], $0x80, $0x38;
	[tilespmem:$0x1C400] =	vst v63  }
0xba: {  	s2 =	sadd.s32 $0x400, s12  }
0xbb: {  	[tilespmem:s23], [sflag:$0x1] =	stream.linear.gather [hbm4b:s2+s4], $0x80, $0x38;
	[tilespmem:$0x1C400] =	vst v63  }
0xbc: {  	s2 =	sadd.s32 $0x500, s18;
	s18 =	smov.u32 s13  }
0xbd: {  	[tilespmem:s24], [sflag:$0x2] =	stream.linear.gather [hbm4b:s2+s4], $0x80, $0x38;
	[tilespmem:$0x1C400] =	vst v63  }
0xbe: {  	s2 =	sadd.s32 $0x500, s12  }
0xbf: {  	[tilespmem:s25], [sflag:$0x2] =	stream.linear.gather [hbm4b:s2+s4], $0x80, $0x38;
	[tilespmem:$0x1C400] =	vst v63  }
0xc0: {  	_ =	swait.ge [sflag:s16], $0x4000  }
0xc1: {  	[sflag:s16] =	ssyncset.done $0x0  }
0xc2: {  	[sflag:s16] =	ssyncadd.s32 $0xFFFFC000  }
0xc3: {  	[spmem:s3] =	stream.indirect.scatter.add.f32 [tilespmem:s28], [sflag:$0x7], $0x80, s0, s23, $0xb8;
	[tilespmem:$0x1C400] =	vst v63  }
0xc4: {  	_ =	swait.ge [sflag:s20], $0x4000  }
0xc5: {  	[sflag:s20] =	ssyncset.done $0x0  }
0xc6: {  	[sflag:s20] =	ssyncadd.s32 $0xFFFFC000  }
0xc7: {  	_ =	swait.ge [sflag:s26], $0x80  }
0xc8: {  	[sflag:s26] =	ssyncset.done $0x0  }
0xc9: {  	[sflag:s26] =	ssyncadd.s32 $0xFFFFFF80  }
0xca: {  	_ =	swait.ge [sflag:s26], $0x80  }
0xcb: {  	[sflag:s26] =	ssyncset.done $0x0  }
0xcc: {  	[sflag:s26] =	ssyncadd.s32 $0xFFFFFF80  }
0xcd: {  	[tilespmem:s28], [sflag:$0x5] =	stream.indirect.gather [hbm4b:s1+s23], $0x80, s4, s23, $0xb8;
	[tilespmem:$0x1C400] =	vst v63  }
0xce: {  	_ =	swait.ge [sflag:s9], $0x4000  }
0xcf: {  	[sflag:s9] =	ssyncset.done $0x0  }
0xd0: {  	[sflag:s9] =	ssyncadd.s32 $0xFFFFC000  }
0xd1: {  	[spmem:s3] =	stream.indirect.scatter.add.f32 [tilespmem:s30], [sflag:$0x7], $0x80, s21, s23, $0xb8;
	[tilespmem:$0x1C400] =	vst v63  }
0xd2: {  	_ =	swait.ge [sflag:s20], $0x4000  }
0xd3: {  	[sflag:s20] =	ssyncset.done $0x0  }
0xd4: {  	[sflag:s20] =	ssyncadd.s32 $0xFFFFC000  }
0xd5: {  	_ =	swait.ge [sflag:s29], $0x80  }
.Ltmp3:
0xd6: {  	[sflag:s29] =	ssyncset.done $0x0;
	(pc) =	sbr.rel @p3 .LBB2_3-.Ltmp3, $4  }
0xd7: {  	[sflag:s29] =	ssyncadd.s32 $0xFFFFFF80  }
0xd8: {  	_ =	swait.ge [sflag:s29], $0x80  }
0xd9: {  	[sflag:s29] =	ssyncset.done $0x0  }
0xda: {  	s12 =	sadd.s32 s19, s11;
	s2 =	smov.u32 s22;
	[sflag:s29] =	ssyncadd.s32 $0xFFFFFF80  }
0xdb: {  	[tilespmem:s30], [sflag:$0x6] =	stream.indirect.gather [hbm4b:s1+s23], $0x80, s24, s23, $0xb8;
	[tilespmem:$0x1C400] =	vst v63  }
0xdc: {  	s2 =	sadd.s32 $0x200, s18  }
0xdd: {  	[tilespmem:s31], [sflag:$0x3] =	stream.linear.gather [hbm4b:s2+s4], $0x80, $0x38;
	[tilespmem:$0x1C400] =	vst v63  }
0xde: {  	s13 =	sadd.s32 $0x200, s12  }
0xdf: {  	[tilespmem:s0], [sflag:$0x3] =	stream.linear.gather [hbm4b:s13+s4], $0x80, $0x38;
	[tilespmem:$0x1C400] =	vst v63  }
0xe0: {  	s19 =	sadd.s32 $0x300, s18  }
0xe1: {  	[tilespmem:s17], [sflag:$0x4] =	stream.linear.gather [hbm4b:s19+s4], $0x80, $0x38;
	[tilespmem:$0x1C400] =	vst v63  }
0xe2: {  	s22 =	sadd.s32 $0x300, s12  }
0xe3: {  	[tilespmem:s21], [sflag:$0x4] =	stream.linear.gather [hbm4b:s22+s4], $0x80, $0x38;
	[tilespmem:$0x1C400] =	vst v63  }
0xe4: {  	_ =	swait.ge [sflag:s16], $0x4000  }
0xe5: {  	[sflag:s16] =	ssyncset.done $0x0  }
0xe6: {  	[sflag:s16] =	ssyncadd.s32 $0xFFFFC000  }
0xe7: {  	[spmem:s3] =	stream.indirect.scatter.add.f32 [tilespmem:s28], [sflag:$0x7], $0x80, s23, s23, $0xb8;
	[tilespmem:$0x1C400] =	vst v63  }
0xe8: {  	_ =	swait.ge [sflag:s20], $0x4000  }
0xe9: {  	[sflag:s20] =	ssyncset.done $0x0  }
0xea: {  	[sflag:s20] =	ssyncadd.s32 $0xFFFFC000  }
0xeb: {  	_ =	swait.ge [sflag:s7], $0x80  }
0xec: {  	[sflag:s7] =	ssyncset.done $0x0  }
0xed: {  	[sflag:s7] =	ssyncadd.s32 $0xFFFFFF80  }
0xee: {  	_ =	swait.ge [sflag:s7], $0x80  }
0xef: {  	[sflag:s7] =	ssyncset.done $0x0  }
0xf0: {  	[sflag:s7] =	ssyncadd.s32 $0xFFFFFF80  }
0xf1: {  	[tilespmem:s28], [sflag:$0x5] =	stream.indirect.gather [hbm4b:s1+s23], $0x80, s31, s23, $0xb8;
	[tilespmem:$0x1C400] =	vst v63  }
0xf2: {  	_ =	swait.ge [sflag:s9], $0x4000  }
0xf3: {  	[sflag:s9] =	ssyncset.done $0x0  }
0xf4: {  	[sflag:s9] =	ssyncadd.s32 $0xFFFFC000  }
0xf5: {  	[spmem:s3] =	stream.indirect.scatter.add.f32 [tilespmem:s30], [sflag:$0x7], $0x80, s25, s23, $0xb8;
	[tilespmem:$0x1C400] =	vst v63  }
0xf6: {  	_ =	swait.ge [sflag:s20], $0x4000  }
0xf7: {  	[sflag:s20] =	ssyncset.done $0x0  }
0xf8: {  	[sflag:s20] =	ssyncadd.s32 $0xFFFFC000  }
0xf9: {  	_ =	swait.ge [sflag:s14], $0x80  }
0xfa: {  	[sflag:s14] =	ssyncset.done $0x0  }
0xfb: {  	[sflag:s14] =	ssyncadd.s32 $0xFFFFFF80  }
0xfc: {  	_ =	swait.ge [sflag:s14], $0x80  }
0xfd: {  	[sflag:s14] =	ssyncset.done $0x0  }
0xfe: {  	[sflag:s14] =	ssyncadd.s32 $0xFFFFFF80  }
0xff: {  	[tilespmem:s30], [sflag:$0x6] =	stream.indirect.gather [hbm4b:s1+s23], $0x80, s17, s23, $0xb8;
	[tilespmem:$0x1C400] =	vst v63  }
0x100: {  	s8 =	sadd.s32 $0x400, s18  }
0x101: {  	[tilespmem:s4], [sflag:$0x1] =	stream.linear.gather [hbm4b:s8+s4], $0x80, $0x38;
	[tilespmem:$0x1C400] =	vst v63  }
0x102: {  	s13 =	sadd.s32 $0x400, s12  }
0x103: {  	[tilespmem:s23], [sflag:$0x1] =	stream.linear.gather [hbm4b:s13+s4], $0x80, $0x38;
	[tilespmem:$0x1C400] =	vst v63  }
0x104: {  	s19 =	sadd.s32 $0x500, s18  }
0x105: {  	[tilespmem:s24], [sflag:$0x2] =	stream.linear.gather [hbm4b:s19+s4], $0x80, $0x38;
	[tilespmem:$0x1C400] =	vst v63  }
0x106: {  	s22 =	sadd.s32 $0x500, s12  }
0x107: {  	[tilespmem:s25], [sflag:$0x2] =	stream.linear.gather [hbm4b:s22+s4], $0x80, $0x38;
	[tilespmem:$0x1C400] =	vst v63  }
0x108: {  	_ =	swait.ge [sflag:s16], $0x4000  }
0x109: {  	[sflag:s16] =	ssyncset.done $0x0  }
0x10a: {  	[sflag:s16] =	ssyncadd.s32 $0xFFFFC000  }
0x10b: {  	[spmem:s3] =	stream.indirect.scatter.add.f32 [tilespmem:s28], [sflag:$0x7], $0x80, s0, s23, $0xb8;
	[tilespmem:$0x1C400] =	vst v63  }
0x10c: {  	_ =	swait.ge [sflag:s20], $0x4000  }
0x10d: {  	[sflag:s20] =	ssyncset.done $0x0  }
0x10e: {  	[sflag:s20] =	ssyncadd.s32 $0xFFFFC000  }
0x10f: {  	_ =	swait.ge [sflag:s26], $0x80  }
0x110: {  	[sflag:s26] =	ssyncset.done $0x0  }
0x111: {  	[sflag:s26] =	ssyncadd.s32 $0xFFFFFF80  }
0x112: {  	_ =	swait.ge [sflag:s26], $0x80  }
0x113: {  	[sflag:s26] =	ssyncset.done $0x0  }
0x114: {  	[sflag:s26] =	ssyncadd.s32 $0xFFFFFF80  }
0x115: {  	[tilespmem:s28], [sflag:$0x5] =	stream.indirect.gather [hbm4b:s1+s23], $0x80, s4, s23, $0xb8;
	[tilespmem:$0x1C400] =	vst v63  }
0x116: {  	_ =	swait.ge [sflag:s9], $0x4000  }
0x117: {  	[sflag:s9] =	ssyncset.done $0x0  }
0x118: {  	[sflag:s9] =	ssyncadd.s32 $0xFFFFC000  }
0x119: {  	[spmem:s3] =	stream.indirect.scatter.add.f32 [tilespmem:s30], [sflag:$0x7], $0x80, s21, s23, $0xb8;
	[tilespmem:$0x1C400] =	vst v63  }
0x11a: {  	_ =	swait.ge [sflag:s20], $0x4000  }
0x11b: {  	[sflag:s20] =	ssyncset.done $0x0  }
0x11c: {  	[sflag:s20] =	ssyncadd.s32 $0xFFFFC000  }
0x11d: {  	_ =	swait.ge [sflag:s29], $0x80  }
0x11e: {  	[sflag:s29] =	ssyncset.done $0x0  }
0x11f: {  	[sflag:s29] =	ssyncadd.s32 $0xFFFFFF80  }
0x120: {  	_ =	swait.ge [sflag:s29], $0x80  }
0x121: {  	[sflag:s29] =	ssyncset.done $0x0  }
0x122: {  	[sflag:s29] =	ssyncadd.s32 $0xFFFFFF80  }
0x123: {  	[tilespmem:s30], [sflag:$0x6] =	stream.indirect.gather [hbm4b:s1+s23], $0x80, s24, s23, $0xb8;
	[tilespmem:$0x1C400] =	vst v63  }
0x124: {  	_ =	swait.ge [sflag:s16], $0x4000  }
0x125: {  	[sflag:s16] =	ssyncset.done $0x0  }
0x126: {  	[sflag:s16] =	ssyncadd.s32 $0xFFFFC000  }
0x127: {  	[spmem:s3] =	stream.indirect.scatter.add.f32 [tilespmem:s28], [sflag:$0x7], $0x80, s23, s23, $0xb8;
	[tilespmem:$0x1C400] =	vst v63  }
0x128: {  	_ =	swait.ge [sflag:s20], $0x4000  }
0x129: {  	[sflag:s20] =	ssyncset.done $0x0  }
0x12a: {  	[sflag:s20] =	ssyncadd.s32 $0xFFFFC000  }
0x12b: {  	_ =	swait.ge [sflag:s9], $0x4000  }
0x12c: {  	[sflag:s9] =	ssyncset.done $0x0  }
.Ltmp4:
0x12d: {  	[sflag:s9] =	ssyncadd.s32 $0xFFFFC000;
	(pc) =	sbr.rel @p2 .LBB2_10-.Ltmp4, $4  }
0x12e: {  	[spmem:s3] =	stream.indirect.scatter.add.f32 [tilespmem:s30], [sflag:$0x7], $0x80, s25, s23, $0xb8;
	[tilespmem:$0x1C400] =	vst v63  }
0x12f: {  	_ =	swait.ge [sflag:s20], $0x4000  }
0x130: {  	[sflag:s20] =	ssyncset.done $0x0  }
0x131: {  	[sflag:s20] =	ssyncadd.s32 $0xFFFFC000  }
0x132: {  	s2 =	rddreg [dreg:$0x9]  }
0x133: {  	[tilespmem:s4], [sflag:$0x7] =	stream.linear.gather [hbm4b:s2+s4], $0x80, $0x38;
	[tilespmem:$0x1C400] =	vst v63  }
0x134: {  	_ =	swait.ge [sflag:s20], $0x80  }
0x135: {  	[sflag:s20] =	ssyncset.done $0x0  }
0x136: {  	s22 =	rddreg [dreg:$0xa];
	[sflag:s20] =	ssyncadd.s32 $0xFFFFFF80  }
0x137: {  	[tilespmem:s23], [sflag:$0x7] =	stream.linear.gather [hbm4b:s22+s4], $0x80, $0x38;
	[tilespmem:$0x1C400] =	vst v63  }
0x138: {  	_ =	swait.ge [sflag:s20], $0x80  }
0x139: {  	[sflag:s20] =	ssyncset.done $0x0  }
0x13a: {  	[sflag:s20] =	ssyncadd.s32 $0xFFFFFF80  }
0x13b: {  	[tilespmem:s28], [sflag:$0x5] =	stream.indirect.gather [hbm4b:s1+s23], $0x80, s4, s23, $0xb8;
	[tilespmem:$0x1C400] =	vst v63  }
0x13c: {  	_ =	swait.ge [sflag:s16], $0x4000  }
0x13d: {  	[sflag:s16] =	ssyncset.done $0x0  }
0x13e: {  	[sflag:s16] =	ssyncadd.s32 $0xFFFFC000  }
0x13f: {  	[spmem:s3] =	stream.indirect.scatter.add.f32 [tilespmem:s28], [sflag:$0x7], $0x80, s23, s23, $0xb8;
	[tilespmem:$0x1C400] =	vst v63  }
.Ltmp5:
0x140: {  	_ =	swait.ge [sflag:s20], $0x4000;
	(pc) =	sbr.rel .LBB2_11-.Ltmp5, $3  }
0x141: {  	[sflag:s20] =	ssyncset.done $0x0  }
0x142: {  	[sflag:s20] =	ssyncadd.s32 $0xFFFFC000  }
0x143: {  	[bflag:$0x0] =	sbarrier.arrive $0xFFFF;
	_ =	sdelay $0x1  }
.LBB2_6:
0x144: {  	s18 =	simm.s32 @p1 $0x1FC7;
	s8 =	rddreg [dreg:$0x6]  }
0x145: {  	[spmem:s13], [sflag:s18] =	dma.local @p1 [hbm:s8], $0x1900  }
0x146: {  	s13 =	simm.s32 @p1 $0x7  }
0x147: {  	_ =	swait.ge @p1 [sflag:s13], $0x1900  }
0x148: {  	[sflag:s13] =	ssyncset.done @p1 $0x0  }
0x149: {  	s8 =	rddreg [dreg:$0x4];
	[sflag:s13] =	ssyncadd.s32 @p1 $0xFFFFE700  }
0x14a: {  	[spmem:s2], [sflag:s12] =	dma.local @!p1 [hbm:s8], $0x2800  }
0x14b: {  	s2 =	simm.s32 @!p1 $0x7  }
0x14c: {  	_ =	swait.ge @!p1 [sflag:s2], $0x2800  }
0x14d: {  	[sflag:s2] =	ssyncset.done @!p1 $0x0  }
0x14e: {  	[sflag:s2] =	ssyncadd.s32 @!p1 $0xFFFFD800  }
0x14f: {  	s22 =	simm.s32 $0x0;
	[bflag:$0x0] =	sbarrier.arrive $0xFFFF  }
0x150: {  	[tilespmem:s22], [sflag:$0x1] =	stream.linear.gather [hbm4b:s10+s22], $0x80, $0x38;
	[tilespmem:$0x1C400] =	vst v63  }
0x151: {  	_ = 	snop  }
0x152: {  	[tilespmem:s23], [sflag:$0x1] =	stream.linear.gather [hbm4b:s11+s22], $0x80, $0x38;
	[tilespmem:$0x1C400] =	vst v63  }
0x153: {  	s12 =	rddreg [dreg:$0x7]  }
0x154: {  	[tilespmem:s24], [sflag:$0x2] =	stream.linear.gather [hbm4b:s12+s22], $0x80, $0x38;
	[tilespmem:$0x1C400] =	vst v63  }
0x155: {  	s13 =	rddreg [dreg:$0x8]  }
0x156: {  	[tilespmem:s25], [sflag:$0x2] =	stream.linear.gather [hbm4b:s13+s22], $0x80, $0x38;
	[tilespmem:$0x1C400] =	vst v63  }
0x157: {  	_ =	swait.ge [sflag:s26], $0x80  }
0x158: {  	[sflag:s26] =	ssyncset.done $0x0  }
0x159: {  	[sflag:s26] =	ssyncadd.s32 $0xFFFFFF80  }
0x15a: {  	_ =	swait.ge [sflag:s26], $0x80  }
0x15b: {  	[sflag:s26] =	ssyncset.done $0x0  }
0x15c: {  	[sflag:s26] =	ssyncadd.s32 $0xFFFFFF80  }
0x15d: {  	[tilespmem:s28], [sflag:$0x5] =	stream.indirect.gather [hbm4b:s5+s23], $0x80, s22, s23, $0xb8;
	[tilespmem:$0x1C400] =	vst v63  }
0x15e: {  	_ =	swait.ge [sflag:s29], $0x80  }
0x15f: {  	[sflag:s29] =	ssyncset.done $0x0  }
0x160: {  	[sflag:s29] =	ssyncadd.s32 $0xFFFFFF80  }
0x161: {  	_ =	swait.ge [sflag:s29], $0x80  }
0x162: {  	[sflag:s29] =	ssyncset.done $0x0  }
0x163: {  	s2 =	sadd.s32 $0x0, s10;
	[sflag:s29] =	ssyncadd.s32 $0xFFFFFF80  }
0x164: {  	[tilespmem:s30], [sflag:$0x6] =	stream.indirect.gather [hbm4b:s5+s23], $0x80, s24, s23, $0xb8;
	[tilespmem:$0x1C400] =	vst v63  }
0x165: {  	s8 =	sadd.s32 $0x0, s11;
	s18 =	sadd.s32 $0x200, s2  }
0x166: {  	[tilespmem:s31], [sflag:$0x3] =	stream.linear.gather [hbm4b:s18+s4], $0x80, $0x38;
	[tilespmem:$0x1C400] =	vst v63  }
0x167: {  	s19 =	sadd.s32 $0x200, s8  }
0x168: {  	[tilespmem:s0], [sflag:$0x3] =	stream.linear.gather [hbm4b:s19+s4], $0x80, $0x38;
	[tilespmem:$0x1C400] =	vst v63  }
0x169: {  	s22 =	sadd.s32 $0x300, s2  }
0x16a: {  	[tilespmem:s17], [sflag:$0x4] =	stream.linear.gather [hbm4b:s22+s4], $0x80, $0x38;
	[tilespmem:$0x1C400] =	vst v63  }
0x16b: {  	s13 =	sadd.s32 $0x300, s8  }
0x16c: {  	[tilespmem:s21], [sflag:$0x4] =	stream.linear.gather [hbm4b:s13+s4], $0x80, $0x38;
	[tilespmem:$0x1C400] =	vst v63  }
0x16d: {  	_ =	swait.ge [sflag:s16], $0x4000  }
0x16e: {  	[sflag:s16] =	ssyncset.done $0x0  }
0x16f: {  	[sflag:s16] =	ssyncadd.s32 $0xFFFFC000  }
0x170: {  	[spmem:s3] =	stream.indirect.scatter.add.f32 [tilespmem:s28], [sflag:$0x7], $0x80, s23, s23, $0xb8;
	[tilespmem:$0x1C400] =	vst v63  }
0x171: {  	_ =	swait.ge [sflag:s20], $0x4000  }
0x172: {  	[sflag:s20] =	ssyncset.done $0x0  }
0x173: {  	[sflag:s20] =	ssyncadd.s32 $0xFFFFC000  }
0x174: {  	_ =	swait.ge [sflag:s7], $0x80  }
0x175: {  	[sflag:s7] =	ssyncset.done $0x0  }
0x176: {  	[sflag:s7] =	ssyncadd.s32 $0xFFFFFF80  }
0x177: {  	_ =	swait.ge [sflag:s7], $0x80  }
0x178: {  	[sflag:s7] =	ssyncset.done $0x0  }
0x179: {  	[sflag:s7] =	ssyncadd.s32 $0xFFFFFF80  }
0x17a: {  	[tilespmem:s28], [sflag:$0x5] =	stream.indirect.gather [hbm4b:s5+s23], $0x80, s31, s23, $0xb8;
	[tilespmem:$0x1C400] =	vst v63  }
0x17b: {  	_ =	swait.ge [sflag:s9], $0x4000  }
0x17c: {  	[sflag:s9] =	ssyncset.done $0x0  }
0x17d: {  	[sflag:s9] =	ssyncadd.s32 $0xFFFFC000  }
0x17e: {  	[spmem:s3] =	stream.indirect.scatter.add.f32 [tilespmem:s30], [sflag:$0x7], $0x80, s25, s23, $0xb8;
	[tilespmem:$0x1C400] =	vst v63  }
0x17f: {  	_ =	swait.ge [sflag:s20], $0x4000  }
0x180: {  	[sflag:s20] =	ssyncset.done $0x0  }
0x181: {  	[sflag:s20] =	ssyncadd.s32 $0xFFFFC000  }
0x182: {  	_ =	swait.ge [sflag:s14], $0x80  }
0x183: {  	[sflag:s14] =	ssyncset.done $0x0  }
0x184: {  	[sflag:s14] =	ssyncadd.s32 $0xFFFFFF80  }
0x185: {  	_ =	swait.ge [sflag:s14], $0x80  }
0x186: {  	[sflag:s14] =	ssyncset.done $0x0  }
0x187: {  	[sflag:s14] =	ssyncadd.s32 $0xFFFFFF80  }
0x188: {  	[tilespmem:s30], [sflag:$0x6] =	stream.indirect.gather [hbm4b:s5+s23], $0x80, s17, s23, $0xb8;
	[tilespmem:$0x1C400] =	vst v63  }
0x189: {  	s18 =	sadd.s32 $0x400, s2  }
0x18a: {  	[tilespmem:s4], [sflag:$0x1] =	stream.linear.gather [hbm4b:s18+s4], $0x80, $0x38;
	[tilespmem:$0x1C400] =	vst v63  }
0x18b: {  	s19 =	sadd.s32 $0x400, s8  }
0x18c: {  	[tilespmem:s23], [sflag:$0x1] =	stream.linear.gather [hbm4b:s19+s4], $0x80, $0x38;
	[tilespmem:$0x1C400] =	vst v63  }
0x18d: {  	s2 =	sadd.s32 $0x500, s2  }
0x18e: {  	[tilespmem:s24], [sflag:$0x2] =	stream.linear.gather [hbm4b:s2+s4], $0x80, $0x38;
	[tilespmem:$0x1C400] =	vst v63  }
0x18f: {  	s22 =	sadd.s32 $0x500, s8  }
0x190: {  	[tilespmem:s25], [sflag:$0x2] =	stream.linear.gather [hbm4b:s22+s4], $0x80, $0x38;
	[tilespmem:$0x1C400] =	vst v63  }
0x191: {  	_ =	swait.ge [sflag:s16], $0x4000  }
0x192: {  	[sflag:s16] =	ssyncset.done $0x0  }
0x193: {  	[sflag:s16] =	ssyncadd.s32 $0xFFFFC000  }
0x194: {  	[spmem:s3] =	stream.indirect.scatter.add.f32 [tilespmem:s28], [sflag:$0x7], $0x80, s0, s23, $0xb8;
	[tilespmem:$0x1C400] =	vst v63  }
0x195: {  	_ =	swait.ge [sflag:s20], $0x4000  }
0x196: {  	[sflag:s20] =	ssyncset.done $0x0  }
0x197: {  	[sflag:s20] =	ssyncadd.s32 $0xFFFFC000  }
0x198: {  	_ =	swait.ge [sflag:s26], $0x80  }
0x199: {  	[sflag:s26] =	ssyncset.done $0x0  }
0x19a: {  	[sflag:s26] =	ssyncadd.s32 $0xFFFFFF80  }
0x19b: {  	_ =	swait.ge [sflag:s26], $0x80  }
0x19c: {  	[sflag:s26] =	ssyncset.done $0x0  }
0x19d: {  	[sflag:s26] =	ssyncadd.s32 $0xFFFFFF80  }
0x19e: {  	[tilespmem:s28], [sflag:$0x5] =	stream.indirect.gather [hbm4b:s5+s23], $0x80, s4, s23, $0xb8;
	[tilespmem:$0x1C400] =	vst v63  }
0x19f: {  	_ =	swait.ge [sflag:s9], $0x4000  }
0x1a0: {  	[sflag:s9] =	ssyncset.done $0x0  }
0x1a1: {  	[sflag:s9] =	ssyncadd.s32 $0xFFFFC000  }
0x1a2: {  	[spmem:s3] =	stream.indirect.scatter.add.f32 [tilespmem:s30], [sflag:$0x7], $0x80, s21, s23, $0xb8;
	[tilespmem:$0x1C400] =	vst v63  }
0x1a3: {  	_ =	swait.ge [sflag:s20], $0x4000  }
0x1a4: {  	[sflag:s20] =	ssyncset.done $0x0  }
0x1a5: {  	[sflag:s20] =	ssyncadd.s32 $0xFFFFC000  }
0x1a6: {  	_ =	swait.ge [sflag:s29], $0x80  }
0x1a7: {  	[sflag:s29] =	ssyncset.done $0x0  }
0x1a8: {  	[sflag:s29] =	ssyncadd.s32 $0xFFFFFF80  }
0x1a9: {  	_ =	swait.ge [sflag:s29], $0x80  }
0x1aa: {  	s12 =	sadd.s32 $0x400, s11;
	[sflag:s29] =	ssyncset.done $0x0  }
0x1ab: {  	s18 =	sadd.s32 $0x400, s10;
	s22 =	simm.s32 $0x800;
	[sflag:s29] =	ssyncadd.s32 $0xFFFFFF80  }
.LBB2_7:
0x1ac: {  	[tilespmem:s30], [sflag:$0x6] =	stream.indirect.gather [hbm4b:s5+s23], $0x80, s24, s23, $0xb8;
	[tilespmem:$0x1C400] =	vst v63  }
0x1ad: {  	s19 =	smov.u32 s22  }
0x1ae: {  	s2 =	sadd.s32 $0x400, s22;
	s8 =	sadd.s32 $0x200, s18;
	s13 =	sadd.s32 s19, s10  }
0x1af: {  	[tilespmem:s31], [sflag:$0x3] =	stream.linear.gather [hbm4b:s8+s4], $0x80, $0x38;
	[tilespmem:$0x1C400] =	vst v63  }
0x1b0: {  	p3 =	sne.s32 s22, $0x4800;
	s8 =	sadd.s32 $0x200, s12  }
0x1b1: {  	[tilespmem:s0], [sflag:$0x3] =	stream.linear.gather [hbm4b:s8+s4], $0x80, $0x38;
	[tilespmem:$0x1C400] =	vst v63  }
0x1b2: {  	s8 =	sadd.s32 $0x300, s18  }
0x1b3: {  	[tilespmem:s17], [sflag:$0x4] =	stream.linear.gather [hbm4b:s8+s4], $0x80, $0x38;
	[tilespmem:$0x1C400] =	vst v63  }
0x1b4: {  	s8 =	sadd.s32 $0x300, s12  }
0x1b5: {  	[tilespmem:s21], [sflag:$0x4] =	stream.linear.gather [hbm4b:s8+s4], $0x80, $0x38;
	[tilespmem:$0x1C400] =	vst v63  }
0x1b6: {  	_ =	swait.ge [sflag:s16], $0x4000  }
0x1b7: {  	[sflag:s16] =	ssyncset.done $0x0  }
0x1b8: {  	[sflag:s16] =	ssyncadd.s32 $0xFFFFC000  }
0x1b9: {  	[spmem:s3] =	stream.indirect.scatter.add.f32 [tilespmem:s28], [sflag:$0x7], $0x80, s23, s23, $0xb8;
	[tilespmem:$0x1C400] =	vst v63  }
0x1ba: {  	_ =	swait.ge [sflag:s20], $0x4000  }
0x1bb: {  	[sflag:s20] =	ssyncset.done $0x0  }
0x1bc: {  	[sflag:s20] =	ssyncadd.s32 $0xFFFFC000  }
0x1bd: {  	_ =	swait.ge [sflag:s7], $0x80  }
0x1be: {  	[sflag:s7] =	ssyncset.done $0x0  }
0x1bf: {  	[sflag:s7] =	ssyncadd.s32 $0xFFFFFF80  }
0x1c0: {  	_ =	swait.ge [sflag:s7], $0x80  }
0x1c1: {  	[sflag:s7] =	ssyncset.done $0x0  }
0x1c2: {  	[sflag:s7] =	ssyncadd.s32 $0xFFFFFF80  }
0x1c3: {  	[tilespmem:s28], [sflag:$0x5] =	stream.indirect.gather [hbm4b:s5+s23], $0x80, s31, s23, $0xb8;
	[tilespmem:$0x1C400] =	vst v63  }
0x1c4: {  	_ =	swait.ge [sflag:s9], $0x4000  }
0x1c5: {  	[sflag:s9] =	ssyncset.done $0x0  }
0x1c6: {  	[sflag:s9] =	ssyncadd.s32 $0xFFFFC000  }
0x1c7: {  	[spmem:s3] =	stream.indirect.scatter.add.f32 [tilespmem:s30], [sflag:$0x7], $0x80, s25, s23, $0xb8;
	[tilespmem:$0x1C400] =	vst v63  }
0x1c8: {  	_ =	swait.ge [sflag:s20], $0x4000  }
0x1c9: {  	[sflag:s20] =	ssyncset.done $0x0  }
0x1ca: {  	[sflag:s20] =	ssyncadd.s32 $0xFFFFC000  }
0x1cb: {  	_ =	swait.ge [sflag:s14], $0x80  }
0x1cc: {  	[sflag:s14] =	ssyncset.done $0x0  }
0x1cd: {  	[sflag:s14] =	ssyncadd.s32 $0xFFFFFF80  }
0x1ce: {  	_ =	swait.ge [sflag:s14], $0x80  }
0x1cf: {  	[sflag:s14] =	ssyncset.done $0x0  }
0x1d0: {  	[sflag:s14] =	ssyncadd.s32 $0xFFFFFF80  }
0x1d1: {  	[tilespmem:s30], [sflag:$0x6] =	stream.indirect.gather [hbm4b:s5+s23], $0x80, s17, s23, $0xb8;
	[tilespmem:$0x1C400] =	vst v63  }
0x1d2: {  	s8 =	sadd.s32 $0x400, s18  }
0x1d3: {  	[tilespmem:s4], [sflag:$0x1] =	stream.linear.gather [hbm4b:s8+s4], $0x80, $0x38;
	[tilespmem:$0x1C400] =	vst v63  }
0x1d4: {  	s8 =	sadd.s32 $0x400, s12  }
0x1d5: {  	[tilespmem:s23], [sflag:$0x1] =	stream.linear.gather [hbm4b:s8+s4], $0x80, $0x38;
	[tilespmem:$0x1C400] =	vst v63  }
0x1d6: {  	s8 =	sadd.s32 $0x500, s18;
	s18 =	smov.u32 s13  }
0x1d7: {  	[tilespmem:s24], [sflag:$0x2] =	stream.linear.gather [hbm4b:s8+s4], $0x80, $0x38;
	[tilespmem:$0x1C400] =	vst v63  }
0x1d8: {  	s8 =	sadd.s32 $0x500, s12  }
0x1d9: {  	[tilespmem:s25], [sflag:$0x2] =	stream.linear.gather [hbm4b:s8+s4], $0x80, $0x38;
	[tilespmem:$0x1C400] =	vst v63  }
0x1da: {  	_ =	swait.ge [sflag:s16], $0x4000  }
0x1db: {  	[sflag:s16] =	ssyncset.done $0x0  }
0x1dc: {  	[sflag:s16] =	ssyncadd.s32 $0xFFFFC000  }
0x1dd: {  	[spmem:s3] =	stream.indirect.scatter.add.f32 [tilespmem:s28], [sflag:$0x7], $0x80, s0, s23, $0xb8;
	[tilespmem:$0x1C400] =	vst v63  }
0x1de: {  	_ =	swait.ge [sflag:s20], $0x4000  }
0x1df: {  	[sflag:s20] =	ssyncset.done $0x0  }
0x1e0: {  	[sflag:s20] =	ssyncadd.s32 $0xFFFFC000  }
0x1e1: {  	_ =	swait.ge [sflag:s26], $0x80  }
0x1e2: {  	[sflag:s26] =	ssyncset.done $0x0  }
0x1e3: {  	[sflag:s26] =	ssyncadd.s32 $0xFFFFFF80  }
0x1e4: {  	_ =	swait.ge [sflag:s26], $0x80  }
0x1e5: {  	[sflag:s26] =	ssyncset.done $0x0  }
0x1e6: {  	[sflag:s26] =	ssyncadd.s32 $0xFFFFFF80  }
0x1e7: {  	[tilespmem:s28], [sflag:$0x5] =	stream.indirect.gather [hbm4b:s5+s23], $0x80, s4, s23, $0xb8;
	[tilespmem:$0x1C400] =	vst v63  }
0x1e8: {  	_ =	swait.ge [sflag:s9], $0x4000  }
0x1e9: {  	[sflag:s9] =	ssyncset.done $0x0  }
0x1ea: {  	[sflag:s9] =	ssyncadd.s32 $0xFFFFC000  }
0x1eb: {  	[spmem:s3] =	stream.indirect.scatter.add.f32 [tilespmem:s30], [sflag:$0x7], $0x80, s21, s23, $0xb8;
	[tilespmem:$0x1C400] =	vst v63  }
0x1ec: {  	_ =	swait.ge [sflag:s20], $0x4000  }
0x1ed: {  	[sflag:s20] =	ssyncset.done $0x0  }
0x1ee: {  	[sflag:s20] =	ssyncadd.s32 $0xFFFFC000  }
0x1ef: {  	_ =	swait.ge [sflag:s29], $0x80  }
.Ltmp6:
0x1f0: {  	[sflag:s29] =	ssyncset.done $0x0;
	(pc) =	sbr.rel @p3 .LBB2_7-.Ltmp6, $4  }
0x1f1: {  	[sflag:s29] =	ssyncadd.s32 $0xFFFFFF80  }
0x1f2: {  	_ =	swait.ge [sflag:s29], $0x80  }
0x1f3: {  	[sflag:s29] =	ssyncset.done $0x0  }
0x1f4: {  	s22 =	smov.u32 s2;
	s12 =	sadd.s32 s19, s11;
	[sflag:s29] =	ssyncadd.s32 $0xFFFFFF80  }
0x1f5: {  	[tilespmem:s30], [sflag:$0x6] =	stream.indirect.gather [hbm4b:s5+s23], $0x80, s24, s23, $0xb8;
	[tilespmem:$0x1C400] =	vst v63  }
0x1f6: {  	s2 =	sadd.s32 $0x200, s18  }
0x1f7: {  	[tilespmem:s31], [sflag:$0x3] =	stream.linear.gather [hbm4b:s2+s4], $0x80, $0x38;
	[tilespmem:$0x1C400] =	vst v63  }
0x1f8: {  	s13 =	sadd.s32 $0x200, s12  }
0x1f9: {  	[tilespmem:s0], [sflag:$0x3] =	stream.linear.gather [hbm4b:s13+s4], $0x80, $0x38;
	[tilespmem:$0x1C400] =	vst v63  }
0x1fa: {  	s19 =	sadd.s32 $0x300, s18  }
0x1fb: {  	[tilespmem:s17], [sflag:$0x4] =	stream.linear.gather [hbm4b:s19+s4], $0x80, $0x38;
	[tilespmem:$0x1C400] =	vst v63  }
0x1fc: {  	s22 =	sadd.s32 $0x300, s12  }
0x1fd: {  	[tilespmem:s21], [sflag:$0x4] =	stream.linear.gather [hbm4b:s22+s4], $0x80, $0x38;
	[tilespmem:$0x1C400] =	vst v63  }
0x1fe: {  	_ =	swait.ge [sflag:s16], $0x4000  }
0x1ff: {  	[sflag:s16] =	ssyncset.done $0x0  }
0x200: {  	[sflag:s16] =	ssyncadd.s32 $0xFFFFC000  }
0x201: {  	[spmem:s3] =	stream.indirect.scatter.add.f32 [tilespmem:s28], [sflag:$0x7], $0x80, s23, s23, $0xb8;
	[tilespmem:$0x1C400] =	vst v63  }
0x202: {  	_ =	swait.ge [sflag:s20], $0x4000  }
0x203: {  	[sflag:s20] =	ssyncset.done $0x0  }
0x204: {  	[sflag:s20] =	ssyncadd.s32 $0xFFFFC000  }
0x205: {  	_ =	swait.ge [sflag:s7], $0x80  }
0x206: {  	[sflag:s7] =	ssyncset.done $0x0  }
0x207: {  	[sflag:s7] =	ssyncadd.s32 $0xFFFFFF80  }
0x208: {  	_ =	swait.ge [sflag:s7], $0x80  }
0x209: {  	[sflag:s7] =	ssyncset.done $0x0  }
0x20a: {  	[sflag:s7] =	ssyncadd.s32 $0xFFFFFF80  }
0x20b: {  	[tilespmem:s28], [sflag:$0x5] =	stream.indirect.gather [hbm4b:s5+s23], $0x80, s31, s23, $0xb8;
	[tilespmem:$0x1C400] =	vst v63  }
0x20c: {  	_ =	swait.ge [sflag:s9], $0x4000  }
0x20d: {  	[sflag:s9] =	ssyncset.done $0x0  }
0x20e: {  	[sflag:s9] =	ssyncadd.s32 $0xFFFFC000  }
0x20f: {  	[spmem:s3] =	stream.indirect.scatter.add.f32 [tilespmem:s30], [sflag:$0x7], $0x80, s25, s23, $0xb8;
	[tilespmem:$0x1C400] =	vst v63  }
0x210: {  	_ =	swait.ge [sflag:s20], $0x4000  }
0x211: {  	[sflag:s20] =	ssyncset.done $0x0  }
0x212: {  	[sflag:s20] =	ssyncadd.s32 $0xFFFFC000  }
0x213: {  	_ =	swait.ge [sflag:s14], $0x80  }
0x214: {  	[sflag:s14] =	ssyncset.done $0x0  }
0x215: {  	[sflag:s14] =	ssyncadd.s32 $0xFFFFFF80  }
0x216: {  	_ =	swait.ge [sflag:s14], $0x80  }
0x217: {  	[sflag:s14] =	ssyncset.done $0x0  }
0x218: {  	[sflag:s14] =	ssyncadd.s32 $0xFFFFFF80  }
0x219: {  	[tilespmem:s30], [sflag:$0x6] =	stream.indirect.gather [hbm4b:s5+s23], $0x80, s17, s23, $0xb8;
	[tilespmem:$0x1C400] =	vst v63  }
0x21a: {  	s8 =	sadd.s32 $0x400, s18  }
0x21b: {  	[tilespmem:s4], [sflag:$0x1] =	stream.linear.gather [hbm4b:s8+s4], $0x80, $0x38;
	[tilespmem:$0x1C400] =	vst v63  }
0x21c: {  	s13 =	sadd.s32 $0x400, s12  }
0x21d: {  	[tilespmem:s23], [sflag:$0x1] =	stream.linear.gather [hbm4b:s13+s4], $0x80, $0x38;
	[tilespmem:$0x1C400] =	vst v63  }
0x21e: {  	s19 =	sadd.s32 $0x500, s18  }
0x21f: {  	[tilespmem:s24], [sflag:$0x2] =	stream.linear.gather [hbm4b:s19+s4], $0x80, $0x38;
	[tilespmem:$0x1C400] =	vst v63  }
0x220: {  	s22 =	sadd.s32 $0x500, s12  }
0x221: {  	[tilespmem:s25], [sflag:$0x2] =	stream.linear.gather [hbm4b:s22+s4], $0x80, $0x38;
	[tilespmem:$0x1C400] =	vst v63  }
0x222: {  	_ =	swait.ge [sflag:s16], $0x4000  }
0x223: {  	[sflag:s16] =	ssyncset.done $0x0  }
0x224: {  	[sflag:s16] =	ssyncadd.s32 $0xFFFFC000  }
0x225: {  	[spmem:s3] =	stream.indirect.scatter.add.f32 [tilespmem:s28], [sflag:$0x7], $0x80, s0, s23, $0xb8;
	[tilespmem:$0x1C400] =	vst v63  }
0x226: {  	_ =	swait.ge [sflag:s20], $0x4000  }
0x227: {  	[sflag:s20] =	ssyncset.done $0x0  }
0x228: {  	[sflag:s20] =	ssyncadd.s32 $0xFFFFC000  }
0x229: {  	_ =	swait.ge [sflag:s26], $0x80  }
0x22a: {  	[sflag:s26] =	ssyncset.done $0x0  }
0x22b: {  	[sflag:s26] =	ssyncadd.s32 $0xFFFFFF80  }
0x22c: {  	_ =	swait.ge [sflag:s26], $0x80  }
0x22d: {  	[sflag:s26] =	ssyncset.done $0x0  }
0x22e: {  	[sflag:s26] =	ssyncadd.s32 $0xFFFFFF80  }
0x22f: {  	[tilespmem:s28], [sflag:$0x5] =	stream.indirect.gather [hbm4b:s5+s23], $0x80, s4, s23, $0xb8;
	[tilespmem:$0x1C400] =	vst v63  }
0x230: {  	_ =	swait.ge [sflag:s9], $0x4000  }
0x231: {  	[sflag:s9] =	ssyncset.done $0x0  }
0x232: {  	[sflag:s9] =	ssyncadd.s32 $0xFFFFC000  }
0x233: {  	[spmem:s3] =	stream.indirect.scatter.add.f32 [tilespmem:s30], [sflag:$0x7], $0x80, s21, s23, $0xb8;
	[tilespmem:$0x1C400] =	vst v63  }
0x234: {  	_ =	swait.ge [sflag:s20], $0x4000  }
0x235: {  	[sflag:s20] =	ssyncset.done $0x0  }
0x236: {  	[sflag:s20] =	ssyncadd.s32 $0xFFFFC000  }
0x237: {  	_ =	swait.ge [sflag:s29], $0x80  }
0x238: {  	[sflag:s29] =	ssyncset.done $0x0  }
0x239: {  	[sflag:s29] =	ssyncadd.s32 $0xFFFFFF80  }
0x23a: {  	_ =	swait.ge [sflag:s29], $0x80  }
0x23b: {  	[sflag:s29] =	ssyncset.done $0x0  }
0x23c: {  	[sflag:s29] =	ssyncadd.s32 $0xFFFFFF80  }
0x23d: {  	[tilespmem:s30], [sflag:$0x6] =	stream.indirect.gather [hbm4b:s5+s23], $0x80, s24, s23, $0xb8;
	[tilespmem:$0x1C400] =	vst v63  }
0x23e: {  	_ =	swait.ge [sflag:s16], $0x4000  }
0x23f: {  	[sflag:s16] =	ssyncset.done $0x0  }
0x240: {  	[sflag:s16] =	ssyncadd.s32 $0xFFFFC000  }
0x241: {  	[spmem:s3] =	stream.indirect.scatter.add.f32 [tilespmem:s28], [sflag:$0x7], $0x80, s23, s23, $0xb8;
	[tilespmem:$0x1C400] =	vst v63  }
0x242: {  	_ =	swait.ge [sflag:s20], $0x4000  }
0x243: {  	[sflag:s20] =	ssyncset.done $0x0  }
0x244: {  	[sflag:s20] =	ssyncadd.s32 $0xFFFFC000  }
0x245: {  	_ =	swait.ge [sflag:s9], $0x4000  }
0x246: {  	[sflag:s9] =	ssyncset.done $0x0  }
.Ltmp7:
0x247: {  	[sflag:s9] =	ssyncadd.s32 $0xFFFFC000;
	(pc) =	sbr.rel @p2 .LBB2_13-.Ltmp7, $4  }
0x248: {  	[spmem:s3] =	stream.indirect.scatter.add.f32 [tilespmem:s30], [sflag:$0x7], $0x80, s25, s23, $0xb8;
	[tilespmem:$0x1C400] =	vst v63  }
0x249: {  	_ =	swait.ge [sflag:s20], $0x4000  }
0x24a: {  	[sflag:s20] =	ssyncset.done $0x0  }
0x24b: {  	[sflag:s20] =	ssyncadd.s32 $0xFFFFC000  }
0x24c: {  	s2 =	rddreg [dreg:$0x9]  }
0x24d: {  	[tilespmem:s4], [sflag:$0x7] =	stream.linear.gather [hbm4b:s2+s4], $0x80, $0x38;
	[tilespmem:$0x1C400] =	vst v63  }
0x24e: {  	_ =	swait.ge [sflag:s20], $0x80  }
0x24f: {  	[sflag:s20] =	ssyncset.done $0x0  }
0x250: {  	s22 =	rddreg [dreg:$0xa];
	[sflag:s20] =	ssyncadd.s32 $0xFFFFFF80  }
0x251: {  	[tilespmem:s23], [sflag:$0x7] =	stream.linear.gather [hbm4b:s22+s4], $0x80, $0x38;
	[tilespmem:$0x1C400] =	vst v63  }
0x252: {  	_ =	swait.ge [sflag:s20], $0x80  }
0x253: {  	[sflag:s20] =	ssyncset.done $0x0  }
0x254: {  	[sflag:s20] =	ssyncadd.s32 $0xFFFFFF80  }
0x255: {  	[tilespmem:s28], [sflag:$0x5] =	stream.indirect.gather [hbm4b:s5+s23], $0x80, s4, s23, $0xb8;
	[tilespmem:$0x1C400] =	vst v63  }
0x256: {  	_ =	swait.ge [sflag:s16], $0x4000  }
0x257: {  	[sflag:s16] =	ssyncset.done $0x0  }
0x258: {  	[sflag:s16] =	ssyncadd.s32 $0xFFFFC000  }
0x259: {  	[spmem:s3] =	stream.indirect.scatter.add.f32 [tilespmem:s28], [sflag:$0x7], $0x80, s23, s23, $0xb8;
	[tilespmem:$0x1C400] =	vst v63  }
.Ltmp8:
0x25a: {  	_ =	swait.ge [sflag:s20], $0x4000;
	(pc) =	sbr.rel .LBB2_14-.Ltmp8, $3  }
0x25b: {  	[sflag:s20] =	ssyncset.done $0x0  }
0x25c: {  	[sflag:s20] =	ssyncadd.s32 $0xFFFFC000  }
0x25d: {  	[bflag:$0x0] =	sbarrier.arrive $0xFFFF;
	_ =	sdelay $0x1  }
.LBB2_10:
.Ltmp9:
0x25e: {  	(pc) =	sbr.rel @!p1 .LBB2_11-.Ltmp9, $2  }
0x25f: {  	_ =	sdelay $0x1  }
0x260: {  	[bflag:$0x0] =	sbarrier.arrive $0xFFFF;
	_ =	sdelay $0x1  }
0x261: {  	s2 =	rddreg [dreg:$0x5]  }
0x262: {  	s8 =	rddreg [dreg:$0x10]  }
.Ltmp10:
0x263: {  	s12 =	simm.s32 $0x1FC7;
	s2 =	sshrl.u32 s2, $0x3;
	(pc) =	sbr.rel .LBB2_16-.Ltmp10, $4  }
0x264: {  	[hbm:s8], [sflag:s12] =	dma.local [spmem:s2], $0x1900  }
0x265: {  	_ =	swait.ge [sflag:s20], $0x1900  }
0x266: {  	[sflag:s20] =	ssyncset.done $0x0  }
0x267: {  	[sflag:s20] =	ssyncadd.s32 $0xFFFFE700  }
.LBB2_11:
0x268: {  	s2 =	stileid.u32  }
0x269: {  	s8 =	sshrl.u32 s6, $0x3;
	s2 =	sshll.u32 s2, $0x6  }
.Ltmp11:
0x26a: {  	s12 =	rddreg [dreg:$0xf];
	s2 =	sor.u32 $0x1C07, s2;
	(pc) =	sbr.rel .LBB2_16-.Ltmp11, $4  }
0x26b: {  	[hbm:s12], [sflag:s2] =	dma.local [spmem:s8], $0x2800  }
0x26c: {  	_ =	swait.ge [sflag:s20], $0x2800  }
0x26d: {  	[sflag:s20] =	ssyncset.done $0x0  }
0x26e: {  	[sflag:s20] =	ssyncadd.s32 $0xFFFFD800  }
.LBB2_13:
.Ltmp12:
0x26f: {  	(pc) =	sbr.rel @p1 .LBB2_15-.Ltmp12, $2  }
0x270: {  	_ =	sdelay $0x1  }
0x271: {  	[bflag:$0x0] =	sbarrier.arrive $0xFFFF;
	_ =	sdelay $0x1  }
.LBB2_14:
0x272: {  	s2 =	stileid.u32  }
0x273: {  	s8 =	sshrl.u32 s6, $0x3;
	s2 =	sshll.u32 s2, $0x6  }
.Ltmp13:
0x274: {  	s12 =	rddreg [dreg:$0xb];
	s2 =	sor.u32 $0x1C07, s2;
	(pc) =	sbr.rel .LBB2_16-.Ltmp13, $4  }
0x275: {  	[hbm:s12], [sflag:s2] =	dma.local [spmem:s8], $0x2800  }
0x276: {  	_ =	swait.ge [sflag:s20], $0x2800  }
0x277: {  	[sflag:s20] =	ssyncset.done $0x0  }
0x278: {  	[sflag:s20] =	ssyncadd.s32 $0xFFFFD800  }
.LBB2_17:
0x279: {  	_ =	sfence.sel $0x180000  }
0x27a: {  	[bflag:$0x0] =	sbarrier.arrive $0xFFFF  }
0x27b: {  	_ =	strace $0x9000004A  }
0x27c: {  	s0 =	stileid.u32;
	[bflag:$0x2] =	sbarrier.arrive $0xFFFF  }
0x27d: {  	p0 =	sne.s32 s0, $0x0;
	s0 =	rddreg [dreg:$0x3]  }
0x27e: {  	s0 =	sadd.s32 @!p0 $0x100000, s0  }
0x27f: {  	[sflag:s0] =	ssyncadd.tile.s32 @!p0 $0x1;
	_ =	shalt  }
.Lfunc_end2:
_tile_overlayer_lowered:
.L_overlay_start_2:
0x280: {  	(tag) =	ssettag $0x2  }
0x281: {  	s0 =	rddreg [dreg:$0x0];
	s2 =	stileid.u32  }
0x282: {  	s1 =	rddreg [dreg:$0x1];
	p0 =	sne.s32 s2, $0x0  }
0x283: {  	s3 =	rddreg [dreg:$0x2];
	[bflag:$0x3] =	sbarrier.arrive $0xFFFF;
	s2 =	simm.s32 @!p0 $0x1C07  }
0x284: {  	[timem:s3], [sflag:s2] =	dma.local @!p0 [hbm:s0], s1  }
0x285: {  	s0 =	simm.s32 @!p0 $0x7  }
0x286: {  	_ =	swait.ge @!p0 [sflag:s0], s1  }
0x287: {  	s1 =	ssub.s32 @!p0 $0x0, s1;
	[sflag:s0] =	ssyncset.done @!p0 $0x0  }
0x288: {  	[sflag:s0] =	ssyncadd.s32 @!p0 s1  }
0x289: {  	[bflag:$0x3] =	sbarrier.arrive $0xFFFF  }
0x28a: {  	_ =	shalt  }

// kernel: kernel.7.cloned.1.call-start
scs
__scs_entry_jumppad:
0x0: {  	(pc) =	sbr.rel $0x88, $3  }
0x1: {  	(tag) =	ssettag $0x0;
	lr =	simm.s32 $0x1  }
0x2: {  	[smem:$0x3F9C] =	sst lr;
	_ =	strace $0xD0000000  }
0x3: {  	_ = 	snop  }
0x4: {  	_ = 	snop  }
0x5: {  	_ = 	snop  }
0x6: {  	_ = 	snop  }
0x7: {  	_ = 	snop  }
__scs_overlays_trampoline_lowered:
0x8: {  	[smem:$0x3FAB] =	sst s0  }
0x9: {  	[smem:$0x3FAC] =	sst s1  }
0xa: {  	[smem:$0x3FAD] =	sst s2  }
0xb: {  	[smem:$0x3FAE] =	sst s3  }
0xc: {  	[smem:$0x3FAF] =	sst s4  }
0xd: {  	[smem:$0x3FB0] =	sst s5  }
0xe: {  	[smem:$0x3FB1] =	sst s6  }
0xf: {  	[smem:$0x3FB2] =	sst s7  }
0x10: {  	[smem:$0x3FB3] =	sst s8  }
0x11: {  	[smem:$0x3FB4] =	sst s9;
	s0 =	simm.s32 @!p0 $0x0  }
0x12: {  	s1 =	sld [smem:$0x3F9A];
	s0 =	simm.s32 @p0 $0x1  }
0x13: {  	[smem:$0x3FB5] =	sst s0;
	s0 =	simm.s32 @!p1 $0x0  }
0x14: {  	s2 =	sld [smem:$0x3F99];
	s0 =	simm.s32 @p1 $0x1  }
0x15: {  	[smem:$0x3FB6] =	sst s0;
	s0 =	simm.s32 @!p2 $0x0  }
0x16: {  	s3 =	sld [smem:$0x3FDB];
	s0 =	simm.s32 @p2 $0x1  }
0x17: {  	s4 =	simm.s32 $0x1BF5;
	[smem:$0x3FB8] =	sst s0  }
0x18: {  	s0 =	sld [smem:$0x3F9B];
	_ =	swait.ge [sflag:s4], $0x0  }
0x19: {  	s7 =	sld [smem:$0x3F9C]  }
0x1a: {  	s8 =	sadd.s32 $0xFFFFE003, lr  }
0x1b: {  	s9 =	sadd.s32 $0xFFFFFEF7, lr;
	s5 =	simm.s32 $0xFFFFFFFF;
	p2 =	slt.u32 s8, $0xFFFFF086  }
0x1c: {  	p1 =	slt.u32 s9, $0xF7A;
	s5 =	simm.s32 @!p2 $0x0  }
0x1d: {  	s5 =	simm.s32 @p1 $0x1;
	p0 =	seq.s32 s7, s2  }
0x1e: {  	s7 =	smul.u32 @!p0 $0xF7A, s2;
	p2 =	seq.s32 @!p0 s5, $0x0  }
0x1f: {  	s9 =	smul.u32 $0xF7A, s1;
	s8 =	simm.s32 @!p0 $0x1BF5;
	p2 =	por !p2, p0  }
0x20: {  	[sflag:s8] =	ssyncset.s32 @!p0 $0xFFFFF086;
	s6 =	sadd.s32 @!p0 s3, s7;
	s7 =	simm.s32 @!p0 $0x108  }
0x21: {  	s3 =	sadd.s32 s3, s9;
	s6 =	sadd.s32 @!p0 $0x88, s6;
	s7 =	simm.s32 @p2 $0x1082  }
0x22: {  	[simem:s7], [sflag:s8] =	dma.local @!p0 [hbm:s6], $0xF7A  }
0x23: {  	s9 =	sor.u32 $0xD0000000, s2;
	s6 =	simm.s32 $0x108;
	_ =	swait.ge @!p0 [sflag:s8], $0x0  }
0x24: {  	s3 =	sadd.s32 $0x88, s3;
	s6 =	simm.s32 @!p1 $0x1082;
	[sflag:s4] =	ssyncset.s32 $0xFFFFF086  }
0x25: {  	[simem:s6], [sflag:s4] =	dma.local [hbm:s3], $0xF7A  }
0x26: {  	[smem:$0x3F9C] =	sst s1;
	(tag) =	ssettag s2;
	_ =	strace s9  }
0x27: {  	s1 =	sld [smem:$0x3FAC]  }
0x28: {  	s2 =	sld [smem:$0x3FAD]  }
0x29: {  	s4 =	sld [smem:$0x3FAF]  }
0x2a: {  	p0 =	seq.s32 s5, $0x0;
	s5 =	sld [smem:$0x3FB0]  }
0x2b: {  	s6 =	sld [smem:$0x3FB1]  }
0x2c: {  	s7 =	sld [smem:$0x3FB2]  }
0x2d: {  	s3 =	simm.s32 $0x108;
	s8 =	sld [smem:$0x3FB3]  }
0x2e: {  	s3 =	simm.s32 @!p0 $0x1082;
	s9 =	sld [smem:$0x3FB4]  }
0x2f: {  	lr =	sadd.s32 s0, s3;
	s0 =	sld [smem:$0x3FAB]  }
0x30: {  	s3 =	sld [smem:$0x3FAE]  }
0x31: {  	[smem:$0x3FB7] =	sst s10  }
0x32: {  	s10 =	sld [smem:$0x3FB5];
	_ =	sdelay $0x3  }
0x33: {  	p0 =	seq.s32 s10, $0x1;
	s10 =	sld [smem:$0x3FB7];
	_ =	sdelay $0x3  }
0x34: {  	[smem:$0x3FB7] =	sst s10  }
0x35: {  	s10 =	sld [smem:$0x3FB6];
	_ =	sdelay $0x3  }
0x36: {  	p1 =	seq.s32 s10, $0x1;
	s10 =	sld [smem:$0x3FB7];
	_ =	sdelay $0x3  }
0x37: {  	[smem:$0x3FB7] =	sst s10  }
0x38: {  	s10 =	sld [smem:$0x3FB8]  }
0x39: {  	_ = 	snop;
	(pc) =	sbr.ind lr, $3  }
0x3a: {  	_ = 	snop  }
0x3b: {  	_ = 	snop  }
0x3c: {  	p2 =	seq.s32 s10, $0x1;
	s10 =	sld [smem:$0x3FB7]  }
0x3d: {  	_ =	shalt  }
0x3e: {  	_ =	shalt  }
0x3f: {  	_ =	shalt  }
0x40: {  	_ =	shalt  }
0x41: {  	_ =	shalt  }
0x42: {  	_ =	shalt  }
0x43: {  	_ =	shalt  }
0x44: {  	_ =	shalt  }
0x45: {  	_ =	shalt  }
0x46: {  	_ =	shalt  }
0x47: {  	_ =	shalt  }
0x48: {  	_ =	shalt  }
0x49: {  	_ =	shalt  }
0x4a: {  	_ =	shalt  }
0x4b: {  	_ =	shalt  }
0x4c: {  	_ =	shalt  }
0x4d: {  	_ =	shalt  }
0x4e: {  	_ =	shalt  }
0x4f: {  	_ =	shalt  }
0x50: {  	_ =	shalt  }
0x51: {  	_ =	shalt  }
0x52: {  	_ =	shalt  }
0x53: {  	_ =	shalt  }
0x54: {  	_ =	shalt  }
0x55: {  	_ =	shalt  }
0x56: {  	_ =	shalt  }
0x57: {  	_ =	shalt  }
0x58: {  	_ =	shalt  }
0x59: {  	_ =	shalt  }
0x5a: {  	_ =	shalt  }
0x5b: {  	_ =	shalt  }
0x5c: {  	_ =	shalt  }
0x5d: {  	_ =	shalt  }
0x5e: {  	_ =	shalt  }
0x5f: {  	_ =	shalt  }
0x60: {  	_ =	shalt  }
0x61: {  	_ =	shalt  }
0x62: {  	_ =	shalt  }
0x63: {  	_ =	shalt  }
0x64: {  	_ =	shalt  }
0x65: {  	_ =	shalt  }
0x66: {  	_ =	shalt  }
0x67: {  	_ =	shalt  }
0x68: {  	_ =	shalt  }
0x69: {  	_ =	shalt  }
0x6a: {  	_ =	shalt  }
0x6b: {  	_ =	shalt  }
0x6c: {  	_ =	shalt  }
0x6d: {  	_ =	shalt  }
0x6e: {  	_ =	shalt  }
0x6f: {  	_ =	shalt  }
0x70: {  	_ =	shalt  }
0x71: {  	_ =	shalt  }
0x72: {  	_ =	shalt  }
0x73: {  	_ =	shalt  }
0x74: {  	_ =	shalt  }
0x75: {  	_ =	shalt  }
0x76: {  	_ =	shalt  }
0x77: {  	_ =	shalt  }
0x78: {  	_ =	shalt  }
0x79: {  	_ =	shalt  }
0x7a: {  	_ =	shalt  }
0x7b: {  	_ =	shalt  }
0x7c: {  	_ =	shalt  }
0x7d: {  	_ =	shalt  }
0x7e: {  	_ =	shalt  }
0x7f: {  	_ =	shalt  }
0x80: {  	_ =	shalt  }
0x81: {  	_ =	shalt  }
0x82: {  	_ =	shalt  }
0x83: {  	_ =	shalt  }
0x84: {  	_ =	shalt  }
0x85: {  	_ =	shalt  }
0x86: {  	_ =	shalt  }
0x87: {  	_ =	shalt  }
.Lfunc_end0:
.L_simem_size_0:
called_computation_lowered:
.L_overlay_start_0:
0x88: {  	s2 =	sld [smem:$0x3FD9]  }
0x89: {  	s3 =	sld [smem:$0x3FFE];
	_ =	sdelay $0x1  }
0x8a: {  	s1 =	srdreg.scid  }
0x8b: {  	s0 =	sand.u32 $0x1, s1  }
0x8c: {  	s17 =	sshll.u32 s0, $0xA;
	s2 =	sadd.s32 s3, s2  }
0x8d: {  	s2 =	sadd.s32 s2, s17  }
0x8e: {  	[smem:$0x3FC3] =	sst s2  }
0x8f: {  	_ = 	snop  }
0x90: {  	s2 =	sld [smem:$0x3FD0];
	(tm) =	ssettm $0x1  }
0x91: {  	s18 =	sld [smem:$0x3FFB];
	_ =	sdelay $0x3  }
0x92: {  	_ =	strace s18  }
0x93: {  	s3 =	sld [smem:$0x3FFC];
	_ =	sdelay $0x3  }
0x94: {  	_ =	strace s3  }
0x95: {  	s3 =	sld [smem:$0x3FFD];
	_ =	sdelay $0x3  }
0x96: {  	_ =	strace s3  }
0x97: {  	_ =	strace $0x8FFFFFFF  }
0x98: {  	s19 =	sld [smem:$0x3FDB];
	_ =	sdelay $0x1  }
0x99: {  	s4 =	simm.s32 $_scs_section_size  }
0x9a: {  	s5 =	simm.s32 $_size__tile_overlayer_lowered;
	s6 =	simm.s32 $_tile_overlayer_lowered  }
0x9b: {  	s22 =	simm.s32 $0x1BFF;
	s21 =	sshll.u32 s6, $0x1;
	s3 =	sadd.s32 s4, s19  }
0x9c: {  	s7 =	simm.s32 $0x0;
	s20 =	sshll.u32 s5, $0x1;
	s5 =	sadd.s32 s21, s3  }
0x9d: {  	[timem:s7], [sflag:s22] =	dma.local [hbm:s5], s20  }
0x9e: {  	_ =	swait.ge [sflag:s22], s20  }
0x9f: {  	s4 =	ssub.s32 $0x0, s20;
	[sflag:s22] =	ssyncset.done $0x0  }
0xa0: {  	[sflag:s22] =	ssyncadd.s32 s4;
	_ =	sdelay $0x1  }
0xa1: {  	s23 =	simm.s32 $0x1B8B  }
0xa2: {  	_ =	swait.ge [sflag:s23], $0x1  }
0xa3: {  	[sflag:s23] =	ssyncset.done $0x0  }
0xa4: {  	s25 =	simm.s32 $0x1B8E;
	s24 =	sld [smem:$0x3FFE];
	[sflag:s23] =	ssyncadd.s32 $0xFFFFFFFF  }
0xa5: {  	s26 =	simm.s32 $execute0_lowered;
	[smem:$0x3FD2] =	sst s25  }
0xa6: {  	s5 =	sshll.u32 s26, $0x1;
	_ =	strace $0x80000046;
	[dreg:$0x1] =	wrdreg $0xFFFFFFFF  }
0xa7: {  	s28 =	simm.s32 $_size_execute0_lowered;
	s3 =	sadd.s32 s3, s5;
	[dreg:$0x0] =	wrdreg $0x0  }
0xa8: {  	s5 =	sshll.u32 s28, $0x1;
	[dreg:$0x2] =	wrdreg s3  }
0xa9: {  	[dreg:$0x3] =	wrdreg s5  }
0xaa: {  	[dreg:$0x4] =	wrdreg $0xC0  }
0xab: {  	_ =	task [dreg:s7], $0x5FFFF  }
0xac: {  	[dreg:$0x1] =	wrdreg $0xFFFFFFFF  }
0xad: {  	[dreg:$0x0] =	wrdreg $0x60  }
0xae: {  	[dreg:$0x2] =	wrdreg s24  }
0xaf: {  	[dreg:$0x3] =	wrdreg s2  }
0xb0: {  	[dreg:$0x4] =	wrdreg $0x4800  }
0xb1: {  	[dreg:$0x5] =	wrdreg $0x9  }
0xb2: {  	_ =	task.clear_ibuf [dreg:s7], $0x6FFFF;
	_ =	strace $0x90000046  }
0xb3: {  	s29 =	simm.s32 $0x9;
	_ =	strace $0x80000048  }
0xb4: {  	_ =	swait.ge [sflag:s29], $0x1  }
0xb5: {  	[sflag:s29] =	ssyncadd.s32 $0xFFFFFFFF  }
0xb6: {  	_ =	strace $0x90000048  }
0xb7: {  	_ =	sfence  }
0xb8: {  	s30 =	sld [smem:$0x0];
	_ =	sdelay $0x2  }
0xb9: {  	s31 =	sshll.u32 s1, $0xD;
	s1 =	sshrl.u32 s1, $0x2  }
0xba: {  	s3 =	sand.u32 $0x4000, s31;
	s1 =	sadd.s32 s1, s30  }
0xbb: {  	s0 =	sor.u32 s3, s0;
	s1 =	sshll.u32 s1, $0x11  }
0xbc: {  	s0 =	sor.u32 s1, s0  }
0xbd: {  	s0 =	sadd.s32 $0x8F2B, s0  }
0xbe: {  	[sflag:s0] =	ssyncadd.remote.s32 $0x1  }
0xbf: {  	_ =	sfence.sel $0xFFFF  }
0xc0: {  	[dreg:$0x0] =	wrdreg $0xFFFFFFFF;
	(pc) =	sbr.abs _section_cstart, $3  }
0xc1: {  	[dreg:$0x1] =	wrdreg $0xFFFFFFFF  }
0xc2: {  	_ =	task.clear_ibuf [dreg:s7], $0x2FFFF;
	_ =	strace $0x9FFFFFFF  }
0xc3: {  	(tm) =	ssettm $0x7FFFFFFF  }
tec
execute0_lowered:
.L_overlay_start_1:
0x0: {  	(tag) =	ssettag $0x1  }
0x1: {  	s3 =	rddreg [dreg:$0x0]  }
0x2: {  	s8 =	rddreg [dreg:$0x1]  }
0x3: {  	s1 =	rddreg [dreg:$0x2]  }
0x4: {  	s2 =	simm.s32 $0x0;
	s4 =	srdreg.scid;
	s22 =	stileid.u32  }
0x5: {  	s15 =	simm.s32 $0x4;
	s16 =	simm.s32 $0x80;
	s17 =	simm.s32 $0x100  }
0x6: {  	s18 =	simm.s32 $0x1;
	s19 =	simm.s32 $0x180;
	s20 =	simm.s32 $0x2  }
0x7: {  	s21 =	simm.s32 $0x3;
	s24 =	simm.s32 $0x20;
	[smem:$0x7FF] =	sst s2  }
0x8: {  	s6 =	sand.u32 $0x1, s4;
	s5 =	smul.u32 $0xA00, s22;
	s9 =	sshll.u32 s22, $0x7  }
0x9: {  	s3 =	sadd.s32 $0x7600, s3;
	s29 =	smul.u32 $0x500, s22;
	s23 =	sshll.u32 s22, $0x6  }
0xa: {  	p0 =	sne.s32 s22, $0x0;
	_ =	strace $0x80000047;
	s7 =	smul.u32 $0x13880, s6  }
0xb: {  	s4 =	ssub.s32 $0x2, s6;
	s6 =	sshll.u32 s6, $0x7;
	s22 =	sor.u32 $0x1C04, s23  }
0xc: {  	s10 =	sshrl.u32 s4, $0x1;
	s26 =	sshrl.u32 s5, $0x2;
	s12 =	sadd.s32 s9, s7  }
0xd: {  	s25 =	ssub.s32 s4, s10;
	s4 =	sadd.s32 s26, s1;
	s7 =	sshrl.u32 s7, $0x3  }
0xe: {  	s10 =	sor.u32 s6, s29;
	s26 =	simm.s32 $0x0;
	s28 =	sshrl.u32 s12, $0x3  }
0xf: {  	s11 =	sadd.s32 $0x800, s12;
	s7 =	sadd.s32 s3, s7;
	s10 =	sshrl.u32 s10, $0x3  }
0x10: {  	s9 =	smax.u32 s25, $0x1;
	s30 =	sadd.s32 $0x13000, s12;
	s31 =	sadd.s32 $0x2000, s12  }
0x11: {  	s13 =	sadd.s32 $0x1000, s12;
	s12 =	sadd.s32 $0x1800, s12;
	s23 =	sshrl.u32 s4, $0x3  }
0x12: {  	s25 =	simm.s32 $0x10;
	s5 =	sadd.s32 s3, s28;
	s11 =	sshrl.u32 s11, $0x3  }
0x13: {  	s7 =	sadd.s32 $0x2700, s7;
	s8 =	sadd.s32 s8, s10;
	s10 =	sshrl.u32 s30, $0x3  }
0x14: {  	s13 =	sshrl.u32 s13, $0x3;
	s6 =	sadd.s32 s3, s11;
	s11 =	sshrl.u32 s31, $0x3  }
0x15: {  	v0 =	vimm.f32 $0.0e+00;
	v1 =	vimm.f32 $1.000000000e+00;
	s10 =	sadd.s32 s3, s10;
	s13 =	sadd.s32 s13, s3;
	s11 =	sadd.s32 s11, s3  }
.LBB2_1:
0x16: {  	[tilespmem:$0x200] =	vst v0  }
0x17: {  	[tilespmem:$0x210] =	vst v0  }
0x18: {  	[tilespmem:$0x220] =	vst v0  }
0x19: {  	[tilespmem:$0x230] =	vst v0  }
0x1a: {  	[tilespmem:$0x240] =	vst v0  }
0x1b: {  	[tilespmem:$0x250] =	vst v0  }
0x1c: {  	[tilespmem:$0x260] =	vst v0  }
0x1d: {  	[tilespmem:$0x270] =	vst v0  }
0x1e: {  	[tilespmem:$0x280] =	vst v0  }
0x1f: {  	[tilespmem:$0x290] =	vst v0  }
0x20: {  	[tilespmem:$0x2A0] =	vst v0  }
0x21: {  	[tilespmem:$0x2B0] =	vst v0  }
0x22: {  	[tilespmem:$0x2C0] =	vst v0  }
0x23: {  	[tilespmem:$0x2D0] =	vst v0  }
0x24: {  	[tilespmem:$0x2E0] =	vst v0  }
0x25: {  	[tilespmem:$0x2F0] =	vst v0  }
0x26: {  	[tilespmem:$0x300] =	vst v0  }
0x27: {  	[tilespmem:$0x310] =	vst v0  }
0x28: {  	[tilespmem:$0x320] =	vst v0  }
0x29: {  	[tilespmem:$0x330] =	vst v0  }
0x2a: {  	[tilespmem:$0x340] =	vst v0  }
0x2b: {  	[tilespmem:$0x350] =	vst v0  }
0x2c: {  	[tilespmem:$0x360] =	vst v0  }
0x2d: {  	[tilespmem:$0x370] =	vst v0  }
0x2e: {  	[tilespmem:$0x380] =	vst v0  }
0x2f: {  	[tilespmem:$0x390] =	vst v0  }
0x30: {  	[tilespmem:$0x3A0] =	vst v0  }
0x31: {  	[tilespmem:$0x3B0] =	vst v0  }
0x32: {  	[tilespmem:$0x3C0] =	vst v0  }
0x33: {  	[tilespmem:$0x3D0] =	vst v0  }
0x34: {  	[tilespmem:$0x3E0] =	vst v0  }
0x35: {  	[tilespmem:$0x3F0] =	vst v0  }
0x36: {  	[tilespmem:$0x400] =	vst v0  }
0x37: {  	[tilespmem:$0x410] =	vst v0  }
0x38: {  	[tilespmem:$0x420] =	vst v0  }
0x39: {  	[tilespmem:$0x430] =	vst v0  }
0x3a: {  	[tilespmem:$0x440] =	vst v0  }
0x3b: {  	[tilespmem:$0x450] =	vst v0  }
0x3c: {  	[tilespmem:$0x460] =	vst v0  }
0x3d: {  	[tilespmem:$0x470] =	vst v0  }
0x3e: {  	[tilespmem:$0x180] =	vst v1  }
0x3f: {  	[tilespmem:$0x190] =	vst v1  }
0x40: {  	[tilespmem:$0x1A0] =	vst v1  }
0x41: {  	[tilespmem:$0x1B0] =	vst v1  }
0x42: {  	[tilespmem:$0x1C0] =	vst v1  }
0x43: {  	[tilespmem:$0x1D0] =	vst v1  }
0x44: {  	[tilespmem:$0x1E0] =	vst v1  }
0x45: {  	[tilespmem:$0x1F0] =	vst v1;
	s0 =	simm.s32 $0x200  }
0x46: {  	[spmem:s4] =	stream.linear.scatter [tilespmem:s0], [sflag:$0x4], $0x280, $0x38;
	[tilespmem:$0x700] =	vst v63  }
0x47: {  	_ =	swait.ge [sflag:s15], $0x280  }
0x48: {  	[sflag:s15] =	ssyncset.done $0x0  }
0x49: {  	[sflag:s15] =	ssyncadd.s32 $0xFFFFFD80  }
0x4a: {  	[bflag:$0x0] =	sbarrier.arrive $0xFFFF  }
0x4b: {  	[tilespmem:s2], [sflag:$0x1] =	stream.linear.gather [hbm4b:s5+s2], $0x80, $0x38;
	[tilespmem:$0x700] =	vst v63  }
0x4c: {  	_ = 	snop  }
0x4d: {  	[tilespmem:s16], [sflag:$0x2] =	stream.linear.gather [hbm4b:s6+s2], $0x80, $0x38;
	[tilespmem:$0x700] =	vst v63  }
0x4e: {  	s28 =	sadd.s32 $0x0, s13  }
0x4f: {  	[tilespmem:s17], [sflag:$0x3] =	stream.linear.gather [hbm4b:s28+s2], $0x80, $0x38;
	[tilespmem:$0x700] =	vst v63  }
0x50: {  	_ =	swait.ge [sflag:s18], $0x80  }
0x51: {  	[sflag:s18] =	ssyncset.done $0x0  }
0x52: {  	[sflag:s18] =	ssyncadd.s32 $0xFFFFFF80  }
0x53: {  	[spmem:s1] =	stream.indirect.scatter.add.f32 [tilespmem:s19], [sflag:$0x4], $0x1, s2, s16, $0xb8;
	[tilespmem:$0x700] =	vst v63  }
0x54: {  	_ =	swait.ge [sflag:s15], $0x80  }
0x55: {  	s28 =	sshrl.u32 s12, $0x3;
	[sflag:s15] =	ssyncset.done $0x0  }
0x56: {  	s28 =	sadd.s32 s3, s28;
	[sflag:s15] =	ssyncadd.s32 $0xFFFFFF80  }
0x57: {  	[tilespmem:s2], [sflag:$0x1] =	stream.linear.gather [hbm4b:s28+s2], $0x80, $0x38;
	[tilespmem:$0x700] =	vst v63  }
0x58: {  	_ =	swait.ge [sflag:s20], $0x80  }
0x59: {  	[sflag:s20] =	ssyncset.done $0x0  }
0x5a: {  	[sflag:s20] =	ssyncadd.s32 $0xFFFFFF80  }
0x5b: {  	[spmem:s1] =	stream.indirect.scatter.add.f32 [tilespmem:s19], [sflag:$0x4], $0x1, s16, s16, $0xb8;
	[tilespmem:$0x700] =	vst v63  }
0x5c: {  	_ =	swait.ge [sflag:s15], $0x80  }
0x5d: {  	[sflag:s15] =	ssyncset.done $0x0  }
0x5e: {  	s28 =	sadd.s32 $0x0, s11;
	[sflag:s15] =	ssyncadd.s32 $0xFFFFFF80  }
0x5f: {  	[tilespmem:s16], [sflag:$0x2] =	stream.linear.gather [hbm4b:s28+s2], $0x80, $0x38;
	[tilespmem:$0x700] =	vst v63  }
0x60: {  	_ =	swait.ge [sflag:s21], $0x80  }
0x61: {  	[sflag:s21] =	ssyncset.done $0x0  }
0x62: {  	[sflag:s21] =	ssyncadd.s32 $0xFFFFFF80  }
0x63: {  	[spmem:s1] =	stream.indirect.scatter.add.f32 [tilespmem:s19], [sflag:$0x4], $0x1, s17, s16, $0xb8;
	[tilespmem:$0x700] =	vst v63  }
0x64: {  	s30 =	simm.s32 $0x600;
	_ =	swait.ge [sflag:s15], $0x80  }
0x65: {  	s29 =	sadd.s32 $0x1800, s12;
	s28 =	simm.s32 $0x300;
	[sflag:s15] =	ssyncset.done $0x0  }
.LBB2_2:
0x66: {  	s31 =	sadd.s32 s28, s13  }
0x67: {  	[sflag:s15] =	ssyncadd.s32 $0xFFFFFF80;
	s0 =	smov.u32 s30;
	s14 =	sadd.s32 $0x300, s30  }
0x68: {  	[tilespmem:s17], [sflag:$0x3] =	stream.linear.gather [hbm4b:s31+s2], $0x80, $0x38;
	[tilespmem:$0x700] =	vst v63  }
0x69: {  	p1 =	sne.s32 s30, $0x2100;
	_ =	swait.ge [sflag:s18], $0x80  }
0x6a: {  	[sflag:s18] =	ssyncset.done $0x0  }
0x6b: {  	[sflag:s18] =	ssyncadd.s32 $0xFFFFFF80  }
0x6c: {  	[spmem:s1] =	stream.indirect.scatter.add.f32 [tilespmem:s19], [sflag:$0x4], $0x1, s2, s16, $0xb8;
	[tilespmem:$0x700] =	vst v63  }
0x6d: {  	_ =	swait.ge [sflag:s15], $0x80  }
0x6e: {  	s30 =	sshrl.u32 s29, $0x3;
	[sflag:s15] =	ssyncset.done $0x0  }
0x6f: {  	s30 =	sadd.s32 s3, s30;
	[sflag:s15] =	ssyncadd.s32 $0xFFFFFF80  }
0x70: {  	[tilespmem:s2], [sflag:$0x1] =	stream.linear.gather [hbm4b:s30+s2], $0x80, $0x38;
	[tilespmem:$0x700] =	vst v63  }
0x71: {  	_ =	swait.ge [sflag:s20], $0x80  }
0x72: {  	[sflag:s20] =	ssyncset.done $0x0  }
0x73: {  	[sflag:s20] =	ssyncadd.s32 $0xFFFFFF80  }
0x74: {  	[spmem:s1] =	stream.indirect.scatter.add.f32 [tilespmem:s19], [sflag:$0x4], $0x1, s16, s16, $0xb8;
	[tilespmem:$0x700] =	vst v63  }
0x75: {  	_ =	swait.ge [sflag:s15], $0x80  }
0x76: {  	[sflag:s15] =	ssyncset.done $0x0  }
0x77: {  	s30 =	sadd.s32 s28, s11;
	s28 =	smov.u32 s0;
	[sflag:s15] =	ssyncadd.s32 $0xFFFFFF80  }
0x78: {  	[tilespmem:s16], [sflag:$0x2] =	stream.linear.gather [hbm4b:s30+s2], $0x80, $0x38;
	[tilespmem:$0x700] =	vst v63  }
0x79: {  	_ =	swait.ge [sflag:s21], $0x80  }
.Ltmp0:
0x7a: {  	[sflag:s21] =	ssyncset.done $0x0;
	(pc) =	sbr.rel @p1 .LBB2_2-.Ltmp0, $4  }
0x7b: {  	[sflag:s21] =	ssyncadd.s32 $0xFFFFFF80  }
0x7c: {  	[spmem:s1] =	stream.indirect.scatter.add.f32 [tilespmem:s19], [sflag:$0x4], $0x1, s17, s16, $0xb8;
	[tilespmem:$0x700] =	vst v63  }
0x7d: {  	_ =	swait.ge [sflag:s15], $0x80  }
0x7e: {  	s29 =	sadd.s32 $0x1800, s29;
	s30 =	smov.u32 s14;
	[sflag:s15] =	ssyncset.done $0x0  }
0x7f: {  	s0 =	sadd.s32 s28, s13;
	[sflag:s15] =	ssyncadd.s32 $0xFFFFFF80  }
0x80: {  	[tilespmem:s17], [sflag:$0x3] =	stream.linear.gather [hbm4b:s0+s2], $0x80, $0x38;
	[tilespmem:$0x700] =	vst v63  }
0x81: {  	_ =	swait.ge [sflag:s18], $0x80  }
0x82: {  	[sflag:s18] =	ssyncset.done $0x0  }
0x83: {  	[sflag:s18] =	ssyncadd.s32 $0xFFFFFF80  }
0x84: {  	[spmem:s1] =	stream.indirect.scatter.add.f32 [tilespmem:s19], [sflag:$0x4], $0x1, s2, s16, $0xb8;
	[tilespmem:$0x700] =	vst v63  }
0x85: {  	_ =	swait.ge [sflag:s15], $0x80  }
0x86: {  	s30 =	sshrl.u32 s29, $0x3;
	[sflag:s15] =	ssyncset.done $0x0  }
0x87: {  	s0 =	sadd.s32 s3, s30;
	[sflag:s15] =	ssyncadd.s32 $0xFFFFFF80  }
0x88: {  	[tilespmem:s2], [sflag:$0x1] =	stream.linear.gather [hbm4b:s0+s2], $0x80, $0x38;
	[tilespmem:$0x700] =	vst v63  }
0x89: {  	_ =	swait.ge [sflag:s20], $0x80  }
0x8a: {  	[sflag:s20] =	ssyncset.done $0x0  }
0x8b: {  	[sflag:s20] =	ssyncadd.s32 $0xFFFFFF80  }
0x8c: {  	[spmem:s1] =	stream.indirect.scatter.add.f32 [tilespmem:s19], [sflag:$0x4], $0x1, s16, s16, $0xb8;
	[tilespmem:$0x700] =	vst v63  }
0x8d: {  	_ =	swait.ge [sflag:s15], $0x80  }
0x8e: {  	[sflag:s15] =	ssyncset.done $0x0  }
0x8f: {  	s31 =	sadd.s32 s28, s11;
	[sflag:s15] =	ssyncadd.s32 $0xFFFFFF80  }
0x90: {  	[tilespmem:s16], [sflag:$0x2] =	stream.linear.gather [hbm4b:s31+s2], $0x80, $0x38;
	[tilespmem:$0x700] =	vst v63  }
0x91: {  	_ =	swait.ge [sflag:s21], $0x80  }
0x92: {  	[sflag:s21] =	ssyncset.done $0x0  }
0x93: {  	[sflag:s21] =	ssyncadd.s32 $0xFFFFFF80  }
0x94: {  	[spmem:s1] =	stream.indirect.scatter.add.f32 [tilespmem:s19], [sflag:$0x4], $0x1, s17, s16, $0xb8;
	[tilespmem:$0x700] =	vst v63  }
0x95: {  	_ =	swait.ge [sflag:s15], $0x80  }
0x96: {  	[sflag:s15] =	ssyncset.done $0x0  }
0x97: {  	[sflag:s15] =	ssyncadd.s32 $0xFFFFFF80  }
0x98: {  	[tilespmem:s17], [sflag:$0x3] =	stream.linear.gather [hbm4b:s10+s2], $0x80, $0x38;
	[tilespmem:$0x700] =	vst v63  }
0x99: {  	_ =	swait.ge [sflag:s18], $0x80  }
0x9a: {  	[sflag:s18] =	ssyncset.done $0x0  }
0x9b: {  	[sflag:s18] =	ssyncadd.s32 $0xFFFFFF80  }
0x9c: {  	[spmem:s1] =	stream.indirect.scatter.add.f32 [tilespmem:s19], [sflag:$0x4], $0x1, s2, s16, $0xb8;
	[tilespmem:$0x700] =	vst v63  }
0x9d: {  	_ =	swait.ge [sflag:s15], $0x80  }
0x9e: {  	[sflag:s15] =	ssyncset.done $0x0  }
0x9f: {  	[sflag:s15] =	ssyncadd.s32 $0xFFFFFF80  }
0xa0: {  	_ =	swait.ge [sflag:s20], $0x80  }
0xa1: {  	[sflag:s20] =	ssyncset.done $0x0  }
0xa2: {  	[sflag:s20] =	ssyncadd.s32 $0xFFFFFF80  }
0xa3: {  	[spmem:s1] =	stream.indirect.scatter.add.f32 [tilespmem:s19], [sflag:$0x4], $0x1, s16, s16, $0xb8;
	[tilespmem:$0x700] =	vst v63  }
0xa4: {  	_ =	swait.ge [sflag:s15], $0x80  }
0xa5: {  	[sflag:s15] =	ssyncset.done $0x0  }
0xa6: {  	[sflag:s15] =	ssyncadd.s32 $0xFFFFFF80  }
0xa7: {  	_ =	swait.ge [sflag:s21], $0x80  }
0xa8: {  	[sflag:s21] =	ssyncset.done $0x0  }
0xa9: {  	[sflag:s21] =	ssyncadd.s32 $0xFFFFFF80  }
0xaa: {  	[spmem:s1] =	stream.indirect.scatter.add.f32 [tilespmem:s19], [sflag:$0x4], $0x1, s17, s16, $0xb8;
	[tilespmem:$0x700] =	vst v63  }
0xab: {  	_ =	swait.ge [sflag:s15], $0x80  }
0xac: {  	[sflag:s15] =	ssyncset.done $0x0  }
0xad: {  	s14 =	simm.s32 @!p0 $0x4;
	s0 =	simm.s32 @!p0 $0x0;
	[sflag:s15] =	ssyncadd.s32 $0xFFFFFF80  }
0xae: {  	[tilespmem:s0], [sflag:$0x4] =	stream.linear.gather @!p0 [hbm4b:s7+s0], $0x80, $0x38;
	[tilespmem:$0x700] =	vst v63  }
0xaf: {  	_ =	swait.ge @!p0 [sflag:s14], $0x80  }
0xb0: {  	[sflag:s14] =	ssyncset.done @!p0 $0x0  }
0xb1: {  	s28 =	simm.s32 @!p0 $0x80;
	s29 =	simm.s32 @!p0 $0x180;
	[sflag:s14] =	ssyncadd.s32 @!p0 $0xFFFFFF80  }
0xb2: {  	[spmem:s1] =	stream.indirect.scatter.add.f32 @!p0 [tilespmem:s29], [sflag:$0x4], $0x1, s0, s28, $0xb8;
	[tilespmem:$0x700] =	vst v63  }
0xb3: {  	_ =	swait.ge @!p0 [sflag:s14], $0x80  }
0xb4: {  	s26 =	sadd.s32 $0x1, s26;
	[sflag:s14] =	ssyncset.done @!p0 $0x0  }
0xb5: {  	p1 =	sne.s32 s26, s9;
	[sflag:s14] =	ssyncadd.s32 @!p0 $0xFFFFFF80  }
.Ltmp1:
0xb6: {  	[bflag:$0x0] =	sbarrier.arrive $0xFFFF;
	(pc) =	sbr.rel @p1 .LBB2_1-.Ltmp1, $4  }
0xb7: {  	[hbm:s8@s24], [sflag:s22] =	dma.strided [spmem:s23@s25], $0x50, s18, $0x10   }
0xb8: {  	_ =	swait.ge [sflag:s15], $0x50  }
0xb9: {  	[sflag:s15] =	ssyncset.done $0x0  }
0xba: {  	[sflag:s15] =	ssyncadd.s32 $0xFFFFFFB0  }
0xbb: {  	_ =	sfence.sel $0x180000  }
0xbc: {  	[bflag:$0x0] =	sbarrier.arrive $0xFFFF  }
0xbd: {  	_ =	strace $0x90000047  }
0xbe: {  	[bflag:$0x2] =	sbarrier.arrive $0xFFFF  }
0xbf: {  	s0 =	rddreg [dreg:$0x3]  }
0xc0: {  	s0 =	sadd.s32 @!p0 $0x100000, s0  }
0xc1: {  	[sflag:s0] =	ssyncadd.tile.s32 @!p0 $0x1;
	_ =	shalt  }
.Lfunc_end2:
_tile_overlayer_lowered:
.L_overlay_start_2:
0xc2: {  	(tag) =	ssettag $0x2  }
0xc3: {  	s0 =	rddreg [dreg:$0x0];
	s2 =	stileid.u32  }
0xc4: {  	s1 =	rddreg [dreg:$0x1];
	p0 =	sne.s32 s2, $0x0  }
0xc5: {  	s3 =	rddreg [dreg:$0x2];
	[bflag:$0x3] =	sbarrier.arrive $0xFFFF;
	s2 =	simm.s32 @!p0 $0x1C04  }
0xc6: {  	[timem:s3], [sflag:s2] =	dma.local @!p0 [hbm:s0], s1  }
0xc7: {  	s0 =	simm.s32 @!p0 $0x4  }
0xc8: {  	_ =	swait.ge @!p0 [sflag:s0], s1  }
0xc9: {  	s1 =	ssub.s32 @!p0 $0x0, s1;
	[sflag:s0] =	ssyncset.done @!p0 $0x0  }
0xca: {  	[sflag:s0] =	ssyncadd.s32 @!p0 s1  }
0xcb: {  	[bflag:$0x3] =	sbarrier.arrive $0xFFFF  }
0xcc: {  	_ =	shalt  }

</sc_bundles>
